<compile_context>
chip_gen: v7x
topology: tpu7x:2x2x1
jax: 0.10.2.dev20260603
libtpu: 0.0.44.dev20260713+nightly
codegen_flags: <defaults>
</compile_context>

<pallas_src>
import functools

import jax
import jax.numpy as jnp
from jax import lax
from jax.experimental import pallas as pl
from jax.experimental.pallas import tpu as pltpu
from jax.experimental.pallas import tpu_sc as plsc

C = 64
GRID = 32
CELLS = GRID ** 3
HALF = CELLS // 2
NSC = 2
NTILE = 16
BATCH = 112
TC_TILE = 512


def _tc_transform_body(a_ref, u_ref, v_ref, w_ref, wt_ref, o_ref):
    a = a_ref[...]
    u = u_ref[0]
    v = v_ref[0]
    w = w_ref[0]
    pid = (u & 1) * 4 + (v & 1) * 2 + (w & 1)
    zero = jnp.zeros_like(a)
    wide = jnp.concatenate(
        [jnp.where(pid == m, a, zero) for m in range(8)], axis=1)
    o_ref[...] = jnp.dot(wide, wt_ref[...], preferred_element_type=jnp.float32)


def _tc_transform(a, u, v, w, wstack):
    nblk = a.shape[0] // TC_TILE
    return pl.pallas_call(
        _tc_transform_body,
        grid=(nblk,),
        in_specs=[
            pl.BlockSpec((TC_TILE, C), lambda i: (i, 0)),
            pl.BlockSpec((1, TC_TILE, 1), lambda i: (i, 0, 0)),
            pl.BlockSpec((1, TC_TILE, 1), lambda i: (i, 0, 0)),
            pl.BlockSpec((1, TC_TILE, 1), lambda i: (i, 0, 0)),
            pl.BlockSpec((8 * C, C), lambda i: (0, 0)),
        ],
        out_specs=pl.BlockSpec((TC_TILE, C), lambda i: (i, 0)),
        out_shape=jax.ShapeDtypeStruct(a.shape, jnp.float32),
    )(a, u, v, w, wstack)


def _cell_16(u, v, w):
    return (u >> 1) * (GRID * GRID) + (v >> 1) * GRID + (w >> 1)


def _make_sc_scatter(npad):
    t_pts = npad // NTILE
    t_rows = t_pts // BATCH
    n_sub = t_pts // (BATCH * 7)
    sub_pts = t_pts // n_sub
    sub_rows = t_rows // n_sub
    z_rows = 1032
    acc_rows = z_rows * NTILE
    mesh = plsc.VectorSubcoreMesh(core_axis_name="c", subcore_axis_name="s")

    @functools.partial(
        pl.kernel,
        out_type=jax.ShapeDtypeStruct((CELLS, C), jnp.float32),
        mesh=mesh,
        scratch_types=[
            pltpu.VMEM((t_rows, BATCH), jnp.int32),
            pltpu.VMEM((t_rows, BATCH), jnp.int32),
            pltpu.VMEM((t_rows, BATCH), jnp.int32),
            pltpu.VMEM((t_rows, BATCH), jnp.int32),
            pltpu.VMEM((sub_pts, C), jnp.float32),
            pltpu.VMEM_SHARED((acc_rows, C), jnp.float32),
            pltpu.SemaphoreType.DMA,
        ],
        compiler_params=pltpu.CompilerParams(use_tc_tiling_on_sc=False),
    )
    def scatter_kernel(h_hbm, u_hbm, v_hbm, w_hbm, zeros_hbm, x_hbm,
                       u_v, v_v, w_v, idx_v, rows_v, acc, sem):
        c = lax.axis_index("c")
        s = lax.axis_index("s")

        pltpu.sync_copy(zeros_hbm, acc.at[pl.ds(s * z_rows, z_rows)])

        pltpu.sync_copy(u_hbm.at[s], u_v)
        pltpu.sync_copy(v_hbm.at[s], v_v)
        pltpu.sync_copy(w_hbm.at[s], w_v)

        base_cell = c * HALF
        trash = HALF + s

        def idx_body(r, carry):
            for g in range(BATCH // 16):
                sl = pl.ds(g * 16, 16)
                cell = _cell_16(u_v[r, sl], v_v[r, sl], w_v[r, sl])
                local = cell - base_cell
                valid = (local >= 0) & (local < HALF)
                idx_v[r, sl] = jnp.where(valid, local, trash)
            return carry

        lax.fori_loop(0, t_rows, idx_body, 0, unroll=False)

        plsc.subcore_barrier()

        for j in range(n_sub):
            pltpu.sync_copy(
                h_hbm.at[pl.ds(s * t_pts + j * sub_pts, sub_pts)], rows_v)
            descs = [
                pltpu.async_copy(
                    rows_v.at[pl.ds(k * BATCH, BATCH)],
                    acc.at[idx_v.at[j * sub_rows + k]],
                    sem,
                    add=True,
                )
                for k in range(sub_rows)
            ]
            for d in descs:
                d.wait()

        plsc.subcore_barrier()

        out_rows = HALF // NTILE
        pltpu.sync_copy(
            acc.at[pl.ds(s * out_rows, out_rows)],
            x_hbm.at[pl.ds(c * HALF + s * out_rows, out_rows)])

    return scatter_kernel


def _make_sc_gather(npad):
    w_pts = npad // (NSC * NTILE)
    w_rows = w_pts // BATCH
    mesh = plsc.VectorSubcoreMesh(core_axis_name="c", subcore_axis_name="s")

    @functools.partial(
        pl.kernel,
        out_type=jax.ShapeDtypeStruct((npad, C), jnp.float32),
        mesh=mesh,
        scratch_types=[
            pltpu.VMEM((w_rows, BATCH), jnp.int32),
            pltpu.VMEM((w_rows, BATCH), jnp.int32),
            pltpu.VMEM((w_rows, BATCH), jnp.int32),
            pltpu.VMEM((w_rows, BATCH), jnp.int32),
            pltpu.VMEM((w_pts, C), jnp.float32),
            pltpu.SemaphoreType.DMA,
        ],
        compiler_params=pltpu.CompilerParams(use_tc_tiling_on_sc=False),
    )
    def gather_kernel(x_hbm, u_hbm, v_hbm, w_hbm, out_hbm,
                      u_v, v_v, w_v, idx_v, rows_v, sem):
        c = lax.axis_index("c")
        s = lax.axis_index("s")
        wid = s * NSC + c

        pltpu.sync_copy(u_hbm.at[wid], u_v)
        pltpu.sync_copy(v_hbm.at[wid], v_v)
        pltpu.sync_copy(w_hbm.at[wid], w_v)

        def idx_body(r, carry):
            for g in range(BATCH // 16):
                sl = pl.ds(g * 16, 16)
                idx_v[r, sl] = _cell_16(u_v[r, sl], v_v[r, sl], w_v[r, sl])
            return carry

        lax.fori_loop(0, w_rows, idx_body, 0, unroll=False)

        descs = [
            pltpu.async_copy(
                x_hbm.at[idx_v.at[k]],
                rows_v.at[pl.ds(k * BATCH, BATCH)],
                sem,
            )
            for k in range(w_rows)
        ]
        for d in descs:
            d.wait()

        pltpu.sync_copy(rows_v, out_hbm.at[pl.ds(wid * w_pts, w_pts)])

    return gather_kernel


def _pad_coords(coords, npad, fill):
    n = coords.shape[0]
    cols = []
    for d in range(3):
        col = coords[:, d].astype(jnp.int32)
        cols.append(jnp.pad(col, (0, npad - n), constant_values=fill))
    return cols


def kernel(a_features, a_coords, b_coords, W_conv, W_deconv):
    n_a = a_features.shape[0]
    n_b = b_coords.shape[0]
    quant = NSC * NTILE * BATCH * 7
    npad_a = -(-n_a // quant) * quant
    npad_b = -(-n_b // quant) * quant

    wc = W_conv.reshape(8 * C, C)
    wd = W_deconv.reshape(8, C, C)[::-1].reshape(8 * C, C)

    ua, va, wa = _pad_coords(a_coords, npad_a, 2048)
    ub, vb, wb = _pad_coords(b_coords, npad_b, 0)

    nblk_a = npad_a // TC_TILE
    nblk_b = npad_b // TC_TILE
    a_pad = jnp.pad(a_features, ((0, npad_a - n_a), (0, 0)))

    h = _tc_transform(
        a_pad,
        ua.reshape(nblk_a, TC_TILE, 1),
        va.reshape(nblk_a, TC_TILE, 1),
        wa.reshape(nblk_a, TC_TILE, 1),
        wc,
    )

    t_rows = npad_a // (NTILE * BATCH)
    zeros = jnp.zeros((1032, C), jnp.float32)
    x = _make_sc_scatter(npad_a)(
        h,
        ua.reshape(NTILE, t_rows, BATCH),
        va.reshape(NTILE, t_rows, BATCH),
        wa.reshape(NTILE, t_rows, BATCH),
        zeros,
    )

    w_rows = npad_b // (NSC * NTILE * BATCH)
    p = _make_sc_gather(npad_b)(
        x,
        ub.reshape(NSC * NTILE, w_rows, BATCH),
        vb.reshape(NSC * NTILE, w_rows, BATCH),
        wb.reshape(NSC * NTILE, w_rows, BATCH),
    )

    out = _tc_transform(
        p,
        ub.reshape(nblk_b, TC_TILE, 1),
        vb.reshape(nblk_b, TC_TILE, 1),
        wb.reshape(nblk_b, TC_TILE, 1),
        wd,
    )
    return out[:n_b]

# --- scband reference (transcript-rebuilt; emitter-appended) ---
"""Pipeline reference for scband-convolutional-feature-mapping-60687887892524 (READ-ONLY COPY).

The authoritative reference and input builder live on the scoring server;
editing this copy changes nothing except your own understanding.
"""

import jax, jax.numpy as jnp
import numpy as np

S = 64   # spatial size per dim
C = 64   # n_in == n_out (required: deconv consumes conv output)
N_A = 50000
N_B = 50000
F = 2    # filter_size
ST = 2   # filter_stride


def setup_inputs(seed: int = 0) -> dict:
    key = jax.random.key(seed)
    k1, k2, k3, k4, k5 = jax.random.split(key, 5)
    a_features = jax.random.normal(k1, (N_A, C), dtype=jnp.float32)
    a_coords = jax.random.randint(k2, (N_A, 3), 0, S, dtype=jnp.int32)
    b_coords = jax.random.randint(k3, (N_B, 3), 0, S, dtype=jnp.int32)
    fan_in = F * F * F * C
    inv_scale = np.float32(np.sqrt(fan_in))
    W_conv = jax.random.normal(k4, (F, F, F, C, C), dtype=jnp.float32) / inv_scale
    W_deconv = jax.random.normal(k5, (F, F, F, C, C), dtype=jnp.float32) / inv_scale
    return {
        "a_features": a_features,
        "a_coords": a_coords,
        "b_coords": b_coords,
        "W_conv": W_conv,
        "W_deconv": W_deconv,
    }


def reference(a_features, a_coords, b_coords, W_conv, W_deconv):
    # Sparse tensor a -> dense grid (scatter active-site features into voxels)
    dense = jnp.zeros((S, S, S, C), dtype=a_features.dtype)
    dense = dense.at[a_coords[:, 0], a_coords[:, 1], a_coords[:, 2]].add(a_features)
    # scn.Convolution(dim=3, C, C, filter=2, stride=2): strided conv, downsamples S -> S/2
    x = jax.lax.conv_general_dilated(
        dense[None],
        W_conv,
        window_strides=(ST, ST, ST),
        padding='VALID',
        dimension_numbers=('NDHWC', 'DHWIO', 'NDHWC'),
    )
    # metadata swap to b, then scn.Deconvolution(dim=3, C, C, filter=2, stride=2):
    # transposed conv back to full resolution, restricted to b's active sites
    y = jax.lax.conv_transpose(
        x,
        W_deconv,
        strides=(ST, ST, ST),
        padding='VALID',
        dimension_numbers=('NDHWC', 'DHWIO', 'NDHWC'),
    )[0]
    # Gather features at b's active sites (sparse output)
    out = y[b_coords[:, 0], b_coords[:, 1], b_coords[:, 2]]
    return out

if __name__ == "__main__":
    import jax
    _d = setup_inputs()
    print(jax.jit(kernel)(*tuple(_d.values())))

</pallas_src>

<mosaic_0001>
#map = affine_map<(d0, d1) -> (0, 0)>
#map1 = affine_map<(d0, d1) -> (0, 0, 0)>
module attributes {stable_mosaic.version = 14 : i64} {
  func.func @scatter_kernel(%arg0: i32, %arg1: i32, %arg2: memref<50176x64xf32, #tpu.memory_space<hbm>>, %arg3: memref<16x28x112xi32, #tpu.memory_space<hbm>>, %arg4: memref<16x28x112xi32, #tpu.memory_space<hbm>>, %arg5: memref<16x28x112xi32, #tpu.memory_space<hbm>>, %arg6: memref<1032x64xf32, #tpu.memory_space<hbm>>, %arg7: memref<32768x64xf32, #tpu.memory_space<hbm>>, %arg8: memref<28x112xi32, #tpu.memory_space<vmem>>, %arg9: memref<28x112xi32, #tpu.memory_space<vmem>>, %arg10: memref<28x112xi32, #tpu.memory_space<vmem>>, %arg11: memref<28x112xi32, #tpu.memory_space<vmem>>, %arg12: memref<784x64xf32, #tpu.memory_space<vmem>>, %arg13: memref<16512x64xf32, #tpu.memory_space<vmem_shared>>, %arg14: memref<!tpu.dma_semaphore, #tpu.memory_space<semaphore_mem>>) attributes {dimension_semantics = [#tpu.dimension_semantics<core_parallel>, #tpu.dimension_semantics<subcore_parallel>], iteration_bounds = array<i64: 2, 16>, scalar_prefetch = 0 : i64, scratch_operands = 7 : i64, tpu.core_type = #tpu.core_type<sc_vector_subcore>, window_params = [{transform_indices = #map}, {transform_indices = #map1}, {transform_indices = #map1}, {transform_indices = #map1}, {transform_indices = #map}, {transform_indices = #map}]} {
    %mul3A = arith.constant 1032 : i32
    %mul3A_0 = arith.muli %arg1, %mul3A : i32
    "tpu.region"() ({
      %run_scoped3A = tpu.sem_alloc : memref<!tpu.dma_semaphore, #tpu.memory_space<semaphore_mem>>
      %dma_start3A_591 = arith.constant 0 : i32
      %dma_start3A_592 = tpu.memref_slice %arg13[%mul3A_0, %dma_start3A_591] : memref<16512x64xf32, #tpu.memory_space<vmem_shared>> -> memref<1032x64xf32, #tpu.memory_space<vmem_shared>>
      tpu.enqueue_dma source(%arg6 : memref<1032x64xf32, #tpu.memory_space<hbm>>) target(%dma_start3A_592 : memref<1032x64xf32, #tpu.memory_space<vmem_shared>>) target_semaphore(%run_scoped3A : memref<!tpu.dma_semaphore, #tpu.memory_space<semaphore_mem>>)
      %dma_wait3A_593 = arith.constant 0 : i32
      %dma_wait3A_594 = tpu.memref_slice %arg13[%mul3A_0, %dma_wait3A_593] : memref<16512x64xf32, #tpu.memory_space<vmem_shared>> -> memref<1032x64xf32, #tpu.memory_space<vmem_shared>>
      tpu.wait_dma2 semaphore(%run_scoped3A : memref<!tpu.dma_semaphore, #tpu.memory_space<semaphore_mem>>) src(%arg6 : memref<1032x64xf32, #tpu.memory_space<hbm>>) dst(%dma_wait3A_594 : memref<1032x64xf32, #tpu.memory_space<vmem_shared>>)
      tpu.yield
    }) : () -> ()
    "tpu.region"() ({
      %run_scoped3A = tpu.sem_alloc : memref<!tpu.dma_semaphore, #tpu.memory_space<semaphore_mem>>
      %dma_start3A_591 = arith.constant 0 : i32
      %dma_start3A_592 = arith.constant 0 : i32
      %dma_start3A_593 = tpu.memref_slice %arg3[%arg1, %dma_start3A_591, %dma_start3A_592] : memref<16x28x112xi32, #tpu.memory_space<hbm>> -> memref<1x28x112xi32, #tpu.memory_space<hbm>>
      %dma_start3A_594 = tpu.memref_squeeze %dma_start3A_593 : memref<1x28x112xi32, #tpu.memory_space<hbm>> -> memref<28x112xi32, #tpu.memory_space<hbm>>
      %dma_start3A_595 = arith.constant 0 : i32
      %dma_start3A_596 = arith.constant 0 : i32
      %dma_start3A_597 = tpu.memref_slice %arg3[%arg1, %dma_start3A_595, %dma_start3A_596] : memref<16x28x112xi32, #tpu.memory_space<hbm>> -> memref<1x28x112xi32, #tpu.memory_space<hbm>>
      %dma_start3A_598 = tpu.memref_squeeze %dma_start3A_597 : memref<1x28x112xi32, #tpu.memory_space<hbm>> -> memref<28x112xi32, #tpu.memory_space<hbm>>
      tpu.enqueue_dma source(%dma_start3A_598 : memref<28x112xi32, #tpu.memory_space<hbm>>) target(%arg8 : memref<28x112xi32, #tpu.memory_space<vmem>>) target_semaphore(%run_scoped3A : memref<!tpu.dma_semaphore, #tpu.memory_space<semaphore_mem>>)
      %dma_wait3A_599 = arith.constant 0 : i32
      %dma_wait3A_600 = arith.constant 0 : i32
      %dma_wait3A_601 = tpu.memref_slice %arg3[%arg1, %dma_wait3A_599, %dma_wait3A_600] : memref<16x28x112xi32, #tpu.memory_space<hbm>> -> memref<1x28x112xi32, #tpu.memory_space<hbm>>
      %dma_wait3A_602 = tpu.memref_squeeze %dma_wait3A_601 : memref<1x28x112xi32, #tpu.memory_space<hbm>> -> memref<28x112xi32, #tpu.memory_space<hbm>>
      %dma_wait3A_603 = arith.constant 0 : i32
      %dma_wait3A_604 = arith.constant 0 : i32
      %dma_wait3A_605 = tpu.memref_slice %arg3[%arg1, %dma_wait3A_603, %dma_wait3A_604] : memref<16x28x112xi32, #tpu.memory_space<hbm>> -> memref<1x28x112xi32, #tpu.memory_space<hbm>>
      %dma_wait3A_606 = tpu.memref_squeeze %dma_wait3A_605 : memref<1x28x112xi32, #tpu.memory_space<hbm>> -> memref<28x112xi32, #tpu.memory_space<hbm>>
      tpu.wait_dma2 semaphore(%run_scoped3A : memref<!tpu.dma_semaphore, #tpu.memory_space<semaphore_mem>>) src(%dma_wait3A_606 : memref<28x112xi32, #tpu.memory_space<hbm>>) dst(%arg8 : memref<28x112xi32, #tpu.memory_space<vmem>>)
      tpu.yield
    }) : () -> ()
    "tpu.region"() ({
      %run_scoped3A = tpu.sem_alloc : memref<!tpu.dma_semaphore, #tpu.memory_space<semaphore_mem>>
      %dma_start3A_591 = arith.constant 0 : i32
      %dma_start3A_592 = arith.constant 0 : i32
      %dma_start3A_593 = tpu.memref_slice %arg4[%arg1, %dma_start3A_591, %dma_start3A_592] : memref<16x28x112xi32, #tpu.memory_space<hbm>> -> memref<1x28x112xi32, #tpu.memory_space<hbm>>
      %dma_start3A_594 = tpu.memref_squeeze %dma_start3A_593 : memref<1x28x112xi32, #tpu.memory_space<hbm>> -> memref<28x112xi32, #tpu.memory_space<hbm>>
      %dma_start3A_595 = arith.constant 0 : i32
      %dma_start3A_596 = arith.constant 0 : i32
      %dma_start3A_597 = tpu.memref_slice %arg4[%arg1, %dma_start3A_595, %dma_start3A_596] : memref<16x28x112xi32, #tpu.memory_space<hbm>> -> memref<1x28x112xi32, #tpu.memory_space<hbm>>
      %dma_start3A_598 = tpu.memref_squeeze %dma_start3A_597 : memref<1x28x112xi32, #tpu.memory_space<hbm>> -> memref<28x112xi32, #tpu.memory_space<hbm>>
      tpu.enqueue_dma source(%dma_start3A_598 : memref<28x112xi32, #tpu.memory_space<hbm>>) target(%arg9 : memref<28x112xi32, #tpu.memory_space<vmem>>) target_semaphore(%run_scoped3A : memref<!tpu.dma_semaphore, #tpu.memory_space<semaphore_mem>>)
      %dma_wait3A_599 = arith.constant 0 : i32
      %dma_wait3A_600 = arith.constant 0 : i32
      %dma_wait3A_601 = tpu.memref_slice %arg4[%arg1, %dma_wait3A_599, %dma_wait3A_600] : memref<16x28x112xi32, #tpu.memory_space<hbm>> -> memref<1x28x112xi32, #tpu.memory_space<hbm>>
      %dma_wait3A_602 = tpu.memref_squeeze %dma_wait3A_601 : memref<1x28x112xi32, #tpu.memory_space<hbm>> -> memref<28x112xi32, #tpu.memory_space<hbm>>
      %dma_wait3A_603 = arith.constant 0 : i32
      %dma_wait3A_604 = arith.constant 0 : i32
      %dma_wait3A_605 = tpu.memref_slice %arg4[%arg1, %dma_wait3A_603, %dma_wait3A_604] : memref<16x28x112xi32, #tpu.memory_space<hbm>> -> memref<1x28x112xi32, #tpu.memory_space<hbm>>
      %dma_wait3A_606 = tpu.memref_squeeze %dma_wait3A_605 : memref<1x28x112xi32, #tpu.memory_space<hbm>> -> memref<28x112xi32, #tpu.memory_space<hbm>>
      tpu.wait_dma2 semaphore(%run_scoped3A : memref<!tpu.dma_semaphore, #tpu.memory_space<semaphore_mem>>) src(%dma_wait3A_606 : memref<28x112xi32, #tpu.memory_space<hbm>>) dst(%arg9 : memref<28x112xi32, #tpu.memory_space<vmem>>)
      tpu.yield
    }) : () -> ()
    "tpu.region"() ({
      %run_scoped3A = tpu.sem_alloc : memref<!tpu.dma_semaphore, #tpu.memory_space<semaphore_mem>>
      %dma_start3A_591 = arith.constant 0 : i32
      %dma_start3A_592 = arith.constant 0 : i32
      %dma_start3A_593 = tpu.memref_slice %arg5[%arg1, %dma_start3A_591, %dma_start3A_592] : memref<16x28x112xi32, #tpu.memory_space<hbm>> -> memref<1x28x112xi32, #tpu.memory_space<hbm>>
      %dma_start3A_594 = tpu.memref_squeeze %dma_start3A_593 : memref<1x28x112xi32, #tpu.memory_space<hbm>> -> memref<28x112xi32, #tpu.memory_space<hbm>>
      %dma_start3A_595 = arith.constant 0 : i32
      %dma_start3A_596 = arith.constant 0 : i32
      %dma_start3A_597 = tpu.memref_slice %arg5[%arg1, %dma_start3A_595, %dma_start3A_596] : memref<16x28x112xi32, #tpu.memory_space<hbm>> -> memref<1x28x112xi32, #tpu.memory_space<hbm>>
      %dma_start3A_598 = tpu.memref_squeeze %dma_start3A_597 : memref<1x28x112xi32, #tpu.memory_space<hbm>> -> memref<28x112xi32, #tpu.memory_space<hbm>>
      tpu.enqueue_dma source(%dma_start3A_598 : memref<28x112xi32, #tpu.memory_space<hbm>>) target(%arg10 : memref<28x112xi32, #tpu.memory_space<vmem>>) target_semaphore(%run_scoped3A : memref<!tpu.dma_semaphore, #tpu.memory_space<semaphore_mem>>)
      %dma_wait3A_599 = arith.constant 0 : i32
      %dma_wait3A_600 = arith.constant 0 : i32
      %dma_wait3A_601 = tpu.memref_slice %arg5[%arg1, %dma_wait3A_599, %dma_wait3A_600] : memref<16x28x112xi32, #tpu.memory_space<hbm>> -> memref<1x28x112xi32, #tpu.memory_space<hbm>>
      %dma_wait3A_602 = tpu.memref_squeeze %dma_wait3A_601 : memref<1x28x112xi32, #tpu.memory_space<hbm>> -> memref<28x112xi32, #tpu.memory_space<hbm>>
      %dma_wait3A_603 = arith.constant 0 : i32
      %dma_wait3A_604 = arith.constant 0 : i32
      %dma_wait3A_605 = tpu.memref_slice %arg5[%arg1, %dma_wait3A_603, %dma_wait3A_604] : memref<16x28x112xi32, #tpu.memory_space<hbm>> -> memref<1x28x112xi32, #tpu.memory_space<hbm>>
      %dma_wait3A_606 = tpu.memref_squeeze %dma_wait3A_605 : memref<1x28x112xi32, #tpu.memory_space<hbm>> -> memref<28x112xi32, #tpu.memory_space<hbm>>
      tpu.wait_dma2 semaphore(%run_scoped3A : memref<!tpu.dma_semaphore, #tpu.memory_space<semaphore_mem>>) src(%dma_wait3A_606 : memref<28x112xi32, #tpu.memory_space<hbm>>) dst(%arg10 : memref<28x112xi32, #tpu.memory_space<vmem>>)
      tpu.yield
    }) : () -> ()
    %mul3A_1 = arith.constant 16384 : i32
    %mul3A_2 = arith.muli %arg0, %mul3A_1 : i32
    %add3A = arith.constant 16384 : i32
    %add3A_3 = arith.addi %add3A, %arg1 : i32
    %scan3A = arith.constant 0 : i32
    %scan3A_4 = arith.constant 0 : i32
    %scan3A_5 = arith.constant 28 : i32
    %scan3A_6 = arith.addi %scan3A_4, %scan3A_5 : i32
    %scan3A_7 = arith.constant 1 : i32
    scf.for %scan3A_591 = %scan3A_4 to %scan3A_6 step %scan3A_7  : i32 {
      %get3A = arith.index_cast %scan3A_591 : i32 to index
      %get3A_592 = arith.constant 0 : index
      %get3A_593 = tpu.vector_load %arg8[%get3A, %get3A_592] {strides = array<i32>} : memref<28x112xi32, #tpu.memory_space<vmem>>, vector<1x16xi32>,
      %get3A_594 = vector.shape_cast %get3A_593 : vector<1x16xi32> to vector<16xi32>
      %get3A_595 = arith.index_cast %scan3A_591 : i32 to index
      %get3A_596 = arith.constant 0 : index
      %get3A_597 = tpu.vector_load %arg9[%get3A_595, %get3A_596] {strides = array<i32>} : memref<28x112xi32, #tpu.memory_space<vmem>>, vector<1x16xi32>,
      %get3A_598 = vector.shape_cast %get3A_597 : vector<1x16xi32> to vector<16xi32>
      %get3A_599 = arith.index_cast %scan3A_591 : i32 to index
      %get3A_600 = arith.constant 0 : index
      %get3A_601 = tpu.vector_load %arg10[%get3A_599, %get3A_600] {strides = array<i32>} : memref<28x112xi32, #tpu.memory_space<vmem>>, vector<1x16xi32>,
      %get3A_602 = vector.shape_cast %get3A_601 : vector<1x16xi32> to vector<16xi32>
      %shift_right_arithmetic3A = arith.constant 1 : i32
      %shift_right_arithmetic3A_603 = vector.broadcast %shift_right_arithmetic3A : i32 to vector<16xi32>
      %shift_right_arithmetic3A_604 = arith.shrsi %get3A_594, %shift_right_arithmetic3A_603 : vector<16xi32>
      %mul3A_605 = arith.constant 1024 : i32
      %mul3A_606 = vector.broadcast %mul3A_605 : i32 to vector<16xi32>
      %mul3A_607 = arith.muli %shift_right_arithmetic3A_604, %mul3A_606 : vector<16xi32>
      %shift_right_arithmetic3A_608 = arith.constant 1 : i32
      %shift_right_arithmetic3A_609 = vector.broadcast %shift_right_arithmetic3A_608 : i32 to vector<16xi32>
      %shift_right_arithmetic3A_610 = arith.shrsi %get3A_598, %shift_right_arithmetic3A_609 : vector<16xi32>
      %mul3A_611 = arith.constant 32 : i32
      %mul3A_612 = vector.broadcast %mul3A_611 : i32 to vector<16xi32>
      %mul3A_613 = arith.muli %shift_right_arithmetic3A_610, %mul3A_612 : vector<16xi32>
      %add3A_614 = arith.addi %mul3A_607, %mul3A_613 : vector<16xi32>
      %shift_right_arithmetic3A_615 = arith.constant 1 : i32
      %shift_right_arithmetic3A_616 = vector.broadcast %shift_right_arithmetic3A_615 : i32 to vector<16xi32>
      %shift_right_arithmetic3A_617 = arith.shrsi %get3A_602, %shift_right_arithmetic3A_616 : vector<16xi32>
      %add3A_618 = arith.addi %add3A_614, %shift_right_arithmetic3A_617 : vector<16xi32>
      %sub3A = vector.broadcast %mul3A_2 : i32 to vector<16xi32>
      %sub3A_619 = arith.subi %add3A_618, %sub3A : vector<16xi32>
      %ge3A = arith.constant 0 : i32
      %ge3A_620 = vector.broadcast %ge3A : i32 to vector<16xi32>
      %ge3A_621 = arith.cmpi sge, %sub3A_619, %ge3A_620 : vector<16xi32>
      %lt3A = arith.constant 16384 : i32
      %lt3A_622 = vector.broadcast %lt3A : i32 to vector<16xi32>
      %lt3A_623 = arith.cmpi slt, %sub3A_619, %lt3A_622 : vector<16xi32>
      %and3A = arith.andi %ge3A_621, %lt3A_623 : vector<16xi1>
      %broadcast_in_dim3A = vector.broadcast %add3A_3 : i32 to vector<16xi32>
      %select_n3A = arith.select %and3A, %sub3A_619, %broadcast_in_dim3A : vector<16xi1>, vector<16xi32>
      %swap3A = arith.index_cast %scan3A_591 : i32 to index
      %swap3A_624 = arith.constant 0 : index
      %swap3A_625 = tpu.vector_load %arg11[%swap3A, %swap3A_624] {strides = array<i32>} : memref<28x112xi32, #tpu.memory_space<vmem>>, vector<1x16xi32>,
      %swap3A_626 = vector.shape_cast %swap3A_625 : vector<1x16xi32> to vector<16xi32>
      %swap3A_627 = vector.shape_cast %select_n3A : vector<16xi32> to vector<1x16xi32>
      tpu.vector_store %arg11[%swap3A, %swap3A_624], %swap3A_627 {strides = array<i32>} : memref<28x112xi32, #tpu.memory_space<vmem>>, vector<1x16xi32>,
      %get3A_628 = arith.index_cast %scan3A_591 : i32 to index
      %get3A_629 = arith.constant 16 : index
      %get3A_630 = tpu.vector_load %arg8[%get3A_628, %get3A_629] {strides = array<i32>} : memref<28x112xi32, #tpu.memory_space<vmem>>, vector<1x16xi32>,
      %get3A_631 = vector.shape_cast %get3A_630 : vector<1x16xi32> to vector<16xi32>
      %get3A_632 = arith.index_cast %scan3A_591 : i32 to index
      %get3A_633 = arith.constant 16 : index
      %get3A_634 = tpu.vector_load %arg9[%get3A_632, %get3A_633] {strides = array<i32>} : memref<28x112xi32, #tpu.memory_space<vmem>>, vector<1x16xi32>,
      %get3A_635 = vector.shape_cast %get3A_634 : vector<1x16xi32> to vector<16xi32>
      %get3A_636 = arith.index_cast %scan3A_591 : i32 to index
      %get3A_637 = arith.constant 16 : index
      %get3A_638 = tpu.vector_load %arg10[%get3A_636, %get3A_637] {strides = array<i32>} : memref<28x112xi32, #tpu.memory_space<vmem>>, vector<1x16xi32>,
      %get3A_639 = vector.shape_cast %get3A_638 : vector<1x16xi32> to vector<16xi32>
      %shift_right_arithmetic3A_640 = arith.constant 1 : i32
      %shift_right_arithmetic3A_641 = vector.broadcast %shift_right_arithmetic3A_640 : i32 to vector<16xi32>
      %shift_right_arithmetic3A_642 = arith.shrsi %get3A_631, %shift_right_arithmetic3A_641 : vector<16xi32>
      %mul3A_643 = arith.constant 1024 : i32
      %mul3A_644 = vector.broadcast %mul3A_643 : i32 to vector<16xi32>
      %mul3A_645 = arith.muli %shift_right_arithmetic3A_642, %mul3A_644 : vector<16xi32>
      %shift_right_arithmetic3A_646 = arith.constant 1 : i32
      %shift_right_arithmetic3A_647 = vector.broadcast %shift_right_arithmetic3A_646 : i32 to vector<16xi32>
      %shift_right_arithmetic3A_648 = arith.shrsi %get3A_635, %shift_right_arithmetic3A_647 : vector<16xi32>
      %mul3A_649 = arith.constant 32 : i32
      %mul3A_650 = vector.broadcast %mul3A_649 : i32 to vector<16xi32>
      %mul3A_651 = arith.muli %shift_right_arithmetic3A_648, %mul3A_650 : vector<16xi32>
      %add3A_652 = arith.addi %mul3A_645, %mul3A_651 : vector<16xi32>
      %shift_right_arithmetic3A_653 = arith.constant 1 : i32
      %shift_right_arithmetic3A_654 = vector.broadcast %shift_right_arithmetic3A_653 : i32 to vector<16xi32>
      %shift_right_arithmetic3A_655 = arith.shrsi %get3A_639, %shift_right_arithmetic3A_654 : vector<16xi32>
      %add3A_656 = arith.addi %add3A_652, %shift_right_arithmetic3A_655 : vector<16xi32>
      %sub3A_657 = vector.broadcast %mul3A_2 : i32 to vector<16xi32>
      %sub3A_658 = arith.subi %add3A_656, %sub3A_657 : vector<16xi32>
      %ge3A_659 = arith.constant 0 : i32
      %ge3A_660 = vector.broadcast %ge3A_659 : i32 to vector<16xi32>
      %ge3A_661 = arith.cmpi sge, %sub3A_658, %ge3A_660 : vector<16xi32>
      %lt3A_662 = arith.constant 16384 : i32
      %lt3A_663 = vector.broadcast %lt3A_662 : i32 to vector<16xi32>
      %lt3A_664 = arith.cmpi slt, %sub3A_658, %lt3A_663 : vector<16xi32>
      %and3A_665 = arith.andi %ge3A_661, %lt3A_664 : vector<16xi1>
      %broadcast_in_dim3A_666 = vector.broadcast %add3A_3 : i32 to vector<16xi32>
      %select_n3A_667 = arith.select %and3A_665, %sub3A_658, %broadcast_in_dim3A_666 : vector<16xi1>, vector<16xi32>
      %swap3A_668 = arith.index_cast %scan3A_591 : i32 to index
      %swap3A_669 = arith.constant 16 : index
      %swap3A_670 = tpu.vector_load %arg11[%swap3A_668, %swap3A_669] {strides = array<i32>} : memref<28x112xi32, #tpu.memory_space<vmem>>, vector<1x16xi32>,
      %swap3A_671 = vector.shape_cast %swap3A_670 : vector<1x16xi32> to vector<16xi32>
      %swap3A_672 = vector.shape_cast %select_n3A_667 : vector<16xi32> to vector<1x16xi32>
      tpu.vector_store %arg11[%swap3A_668, %swap3A_669], %swap3A_672 {strides = array<i32>} : memref<28x112xi32, #tpu.memory_space<vmem>>, vector<1x16xi32>,
      %get3A_673 = arith.index_cast %scan3A_591 : i32 to index
      %get3A_674 = arith.constant 32 : index
      %get3A_675 = tpu.vector_load %arg8[%get3A_673, %get3A_674] {strides = array<i32>} : memref<28x112xi32, #tpu.memory_space<vmem>>, vector<1x16xi32>,
      %get3A_676 = vector.shape_cast %get3A_675 : vector<1x16xi32> to vector<16xi32>
      %get3A_677 = arith.index_cast %scan3A_591 : i32 to index
      %get3A_678 = arith.constant 32 : index
      %get3A_679 = tpu.vector_load %arg9[%get3A_677, %get3A_678] {strides = array<i32>} : memref<28x112xi32, #tpu.memory_space<vmem>>, vector<1x16xi32>,
      %get3A_680 = vector.shape_cast %get3A_679 : vector<1x16xi32> to vector<16xi32>
      %get3A_681 = arith.index_cast %scan3A_591 : i32 to index
      %get3A_682 = arith.constant 32 : index
      %get3A_683 = tpu.vector_load %arg10[%get3A_681, %get3A_682] {strides = array<i32>} : memref<28x112xi32, #tpu.memory_space<vmem>>, vector<1x16xi32>,
      %get3A_684 = vector.shape_cast %get3A_683 : vector<1x16xi32> to vector<16xi32>
      %shift_right_arithmetic3A_685 = arith.constant 1 : i32
      %shift_right_arithmetic3A_686 = vector.broadcast %shift_right_arithmetic3A_685 : i32 to vector<16xi32>
      %shift_right_arithmetic3A_687 = arith.shrsi %get3A_676, %shift_right_arithmetic3A_686 : vector<16xi32>
      %mul3A_688 = arith.constant 1024 : i32
      %mul3A_689 = vector.broadcast %mul3A_688 : i32 to vector<16xi32>
      %mul3A_690 = arith.muli %shift_right_arithmetic3A_687, %mul3A_689 : vector<16xi32>
      %shift_right_arithmetic3A_691 = arith.constant 1 : i32
      %shift_right_arithmetic3A_692 = vector.broadcast %shift_right_arithmetic3A_691 : i32 to vector<16xi32>
      %shift_right_arithmetic3A_693 = arith.shrsi %get3A_680, %shift_right_arithmetic3A_692 : vector<16xi32>
      %mul3A_694 = arith.constant 32 : i32
      %mul3A_695 = vector.broadcast %mul3A_694 : i32 to vector<16xi32>
      %mul3A_696 = arith.muli %shift_right_arithmetic3A_693, %mul3A_695 : vector<16xi32>
      %add3A_697 = arith.addi %mul3A_690, %mul3A_696 : vector<16xi32>
      %shift_right_arithmetic3A_698 = arith.constant 1 : i32
      %shift_right_arithmetic3A_699 = vector.broadcast %shift_right_arithmetic3A_698 : i32 to vector<16xi32>
      %shift_right_arithmetic3A_700 = arith.shrsi %get3A_684, %shift_right_arithmetic3A_699 : vector<16xi32>
      %add3A_701 = arith.addi %add3A_697, %shift_right_arithmetic3A_700 : vector<16xi32>
      %sub3A_702 = vector.broadcast %mul3A_2 : i32 to vector<16xi32>
      %sub3A_703 = arith.subi %add3A_701, %sub3A_702 : vector<16xi32>
      %ge3A_704 = arith.constant 0 : i32
      %ge3A_705 = vector.broadcast %ge3A_704 : i32 to vector<16xi32>
      %ge3A_706 = arith.cmpi sge, %sub3A_703, %ge3A_705 : vector<16xi32>
      %lt3A_707 = arith.constant 16384 : i32
      %lt3A_708 = vector.broadcast %lt3A_707 : i32 to vector<16xi32>
      %lt3A_709 = arith.cmpi slt, %sub3A_703, %lt3A_708 : vector<16xi32>
      %and3A_710 = arith.andi %ge3A_706, %lt3A_709 : vector<16xi1>
      %broadcast_in_dim3A_711 = vector.broadcast %add3A_3 : i32 to vector<16xi32>
      %select_n3A_712 = arith.select %and3A_710, %sub3A_703, %broadcast_in_dim3A_711 : vector<16xi1>, vector<16xi32>
      %swap3A_713 = arith.index_cast %scan3A_591 : i32 to index
      %swap3A_714 = arith.constant 32 : index
      %swap3A_715 = tpu.vector_load %arg11[%swap3A_713, %swap3A_714] {strides = array<i32>} : memref<28x112xi32, #tpu.memory_space<vmem>>, vector<1x16xi32>,
      %swap3A_716 = vector.shape_cast %swap3A_715 : vector<1x16xi32> to vector<16xi32>
      %swap3A_717 = vector.shape_cast %select_n3A_712 : vector<16xi32> to vector<1x16xi32>
      tpu.vector_store %arg11[%swap3A_713, %swap3A_714], %swap3A_717 {strides = array<i32>} : memref<28x112xi32, #tpu.memory_space<vmem>>, vector<1x16xi32>,
      %get3A_718 = arith.index_cast %scan3A_591 : i32 to index
      %get3A_719 = arith.constant 48 : index
      %get3A_720 = tpu.vector_load %arg8[%get3A_718, %get3A_719] {strides = array<i32>} : memref<28x112xi32, #tpu.memory_space<vmem>>, vector<1x16xi32>,
      %get3A_721 = vector.shape_cast %get3A_720 : vector<1x16xi32> to vector<16xi32>
      %get3A_722 = arith.index_cast %scan3A_591 : i32 to index
      %get3A_723 = arith.constant 48 : index
      %get3A_724 = tpu.vector_load %arg9[%get3A_722, %get3A_723] {strides = array<i32>} : memref<28x112xi32, #tpu.memory_space<vmem>>, vector<1x16xi32>,
      %get3A_725 = vector.shape_cast %get3A_724 : vector<1x16xi32> to vector<16xi32>
      %get3A_726 = arith.index_cast %scan3A_591 : i32 to index
      %get3A_727 = arith.constant 48 : index
      %get3A_728 = tpu.vector_load %arg10[%get3A_726, %get3A_727] {strides = array<i32>} : memref<28x112xi32, #tpu.memory_space<vmem>>, vector<1x16xi32>,
      %get3A_729 = vector.shape_cast %get3A_728 : vector<1x16xi32> to vector<16xi32>
      %shift_right_arithmetic3A_730 = arith.constant 1 : i32
      %shift_right_arithmetic3A_731 = vector.broadcast %shift_right_arithmetic3A_730 : i32 to vector<16xi32>
      %shift_right_arithmetic3A_732 = arith.shrsi %get3A_721, %shift_right_arithmetic3A_731 : vector<16xi32>
      %mul3A_733 = arith.constant 1024 : i32
      %mul3A_734 = vector.broadcast %mul3A_733 : i32 to vector<16xi32>
      %mul3A_735 = arith.muli %shift_right_arithmetic3A_732, %mul3A_734 : vector<16xi32>
      %shift_right_arithmetic3A_736 = arith.constant 1 : i32
      %shift_right_arithmetic3A_737 = vector.broadcast %shift_right_arithmetic3A_736 : i32 to vector<16xi32>
      %shift_right_arithmetic3A_738 = arith.shrsi %get3A_725, %shift_right_arithmetic3A_737 : vector<16xi32>
      %mul3A_739 = arith.constant 32 : i32
      %mul3A_740 = vector.broadcast %mul3A_739 : i32 to vector<16xi32>
      %mul3A_741 = arith.muli %shift_right_arithmetic3A_738, %mul3A_740 : vector<16xi32>
      %add3A_742 = arith.addi %mul3A_735, %mul3A_741 : vector<16xi32>
      %shift_right_arithmetic3A_743 = arith.constant 1 : i32
      %shift_right_arithmetic3A_744 = vector.broadcast %shift_right_arithmetic3A_743 : i32 to vector<16xi32>
      %shift_right_arithmetic3A_745 = arith.shrsi %get3A_729, %shift_right_arithmetic3A_744 : vector<16xi32>
      %add3A_746 = arith.addi %add3A_742, %shift_right_arithmetic3A_745 : vector<16xi32>
      %sub3A_747 = vector.broadcast %mul3A_2 : i32 to vector<16xi32>
      %sub3A_748 = arith.subi %add3A_746, %sub3A_747 : vector<16xi32>
      %ge3A_749 = arith.constant 0 : i32
      %ge3A_750 = vector.broadcast %ge3A_749 : i32 to vector<16xi32>
      %ge3A_751 = arith.cmpi sge, %sub3A_748, %ge3A_750 : vector<16xi32>
      %lt3A_752 = arith.constant 16384 : i32
      %lt3A_753 = vector.broadcast %lt3A_752 : i32 to vector<16xi32>
      %lt3A_754 = arith.cmpi slt, %sub3A_748, %lt3A_753 : vector<16xi32>
      %and3A_755 = arith.andi %ge3A_751, %lt3A_754 : vector<16xi1>
      %broadcast_in_dim3A_756 = vector.broadcast %add3A_3 : i32 to vector<16xi32>
      %select_n3A_757 = arith.select %and3A_755, %sub3A_748, %broadcast_in_dim3A_756 : vector<16xi1>, vector<16xi32>
      %swap3A_758 = arith.index_cast %scan3A_591 : i32 to index
      %swap3A_759 = arith.constant 48 : index
      %swap3A_760 = tpu.vector_load %arg11[%swap3A_758, %swap3A_759] {strides = array<i32>} : memref<28x112xi32, #tpu.memory_space<vmem>>, vector<1x16xi32>,
      %swap3A_761 = vector.shape_cast %swap3A_760 : vector<1x16xi32> to vector<16xi32>
      %swap3A_762 = vector.shape_cast %select_n3A_757 : vector<16xi32> to vector<1x16xi32>
      tpu.vector_store %arg11[%swap3A_758, %swap3A_759], %swap3A_762 {strides = array<i32>} : memref<28x112xi32, #tpu.memory_space<vmem>>, vector<1x16xi32>,
      %get3A_763 = arith.index_cast %scan3A_591 : i32 to index
      %get3A_764 = arith.constant 64 : index
      %get3A_765 = tpu.vector_load %arg8[%get3A_763, %get3A_764] {strides = array<i32>} : memref<28x112xi32, #tpu.memory_space<vmem>>, vector<1x16xi32>,
      %get3A_766 = vector.shape_cast %get3A_765 : vector<1x16xi32> to vector<16xi32>
      %get3A_767 = arith.index_cast %scan3A_591 : i32 to index
      %get3A_768 = arith.constant 64 : index
      %get3A_769 = tpu.vector_load %arg9[%get3A_767, %get3A_768] {strides = array<i32>} : memref<28x112xi32, #tpu.memory_space<vmem>>, vector<1x16xi32>,
      %get3A_770 = vector.shape_cast %get3A_769 : vector<1x16xi32> to vector<16xi32>
      %get3A_771 = arith.index_cast %scan3A_591 : i32 to index
      %get3A_772 = arith.constant 64 : index
      %get3A_773 = tpu.vector_load %arg10[%get3A_771, %get3A_772] {strides = array<i32>} : memref<28x112xi32, #tpu.memory_space<vmem>>, vector<1x16xi32>,
      %get3A_774 = vector.shape_cast %get3A_773 : vector<1x16xi32> to vector<16xi32>
      %shift_right_arithmetic3A_775 = arith.constant 1 : i32
      %shift_right_arithmetic3A_776 = vector.broadcast %shift_right_arithmetic3A_775 : i32 to vector<16xi32>
      %shift_right_arithmetic3A_777 = arith.shrsi %get3A_766, %shift_right_arithmetic3A_776 : vector<16xi32>
      %mul3A_778 = arith.constant 1024 : i32
      %mul3A_779 = vector.broadcast %mul3A_778 : i32 to vector<16xi32>
      %mul3A_780 = arith.muli %shift_right_arithmetic3A_777, %mul3A_779 : vector<16xi32>
      %shift_right_arithmetic3A_781 = arith.constant 1 : i32
      %shift_right_arithmetic3A_782 = vector.broadcast %shift_right_arithmetic3A_781 : i32 to vector<16xi32>
      %shift_right_arithmetic3A_783 = arith.shrsi %get3A_770, %shift_right_arithmetic3A_782 : vector<16xi32>
      %mul3A_784 = arith.constant 32 : i32
      %mul3A_785 = vector.broadcast %mul3A_784 : i32 to vector<16xi32>
      %mul3A_786 = arith.muli %shift_right_arithmetic3A_783, %mul3A_785 : vector<16xi32>
      %add3A_787 = arith.addi %mul3A_780, %mul3A_786 : vector<16xi32>
      %shift_right_arithmetic3A_788 = arith.constant 1 : i32
      %shift_right_arithmetic3A_789 = vector.broadcast %shift_right_arithmetic3A_788 : i32 to vector<16xi32>
      %shift_right_arithmetic3A_790 = arith.shrsi %get3A_774, %shift_right_arithmetic3A_789 : vector<16xi32>
      %add3A_791 = arith.addi %add3A_787, %shift_right_arithmetic3A_790 : vector<16xi32>
      %sub3A_792 = vector.broadcast %mul3A_2 : i32 to vector<16xi32>
      %sub3A_793 = arith.subi %add3A_791, %sub3A_792 : vector<16xi32>
      %ge3A_794 = arith.constant 0 : i32
      %ge3A_795 = vector.broadcast %ge3A_794 : i32 to vector<16xi32>
      %ge3A_796 = arith.cmpi sge, %sub3A_793, %ge3A_795 : vector<16xi32>
      %lt3A_797 = arith.constant 16384 : i32
      %lt3A_798 = vector.broadcast %lt3A_797 : i32 to vector<16xi32>
      %lt3A_799 = arith.cmpi slt, %sub3A_793, %lt3A_798 : vector<16xi32>
      %and3A_800 = arith.andi %ge3A_796, %lt3A_799 : vector<16xi1>
      %broadcast_in_dim3A_801 = vector.broadcast %add3A_3 : i32 to vector<16xi32>
      %select_n3A_802 = arith.select %and3A_800, %sub3A_793, %broadcast_in_dim3A_801 : vector<16xi1>, vector<16xi32>
      %swap3A_803 = arith.index_cast %scan3A_591 : i32 to index
      %swap3A_804 = arith.constant 64 : index
      %swap3A_805 = tpu.vector_load %arg11[%swap3A_803, %swap3A_804] {strides = array<i32>} : memref<28x112xi32, #tpu.memory_space<vmem>>, vector<1x16xi32>,
      %swap3A_806 = vector.shape_cast %swap3A_805 : vector<1x16xi32> to vector<16xi32>
      %swap3A_807 = vector.shape_cast %select_n3A_802 : vector<16xi32> to vector<1x16xi32>
      tpu.vector_store %arg11[%swap3A_803, %swap3A_804], %swap3A_807 {strides = array<i32>} : memref<28x112xi32, #tpu.memory_space<vmem>>, vector<1x16xi32>,
      %get3A_808 = arith.index_cast %scan3A_591 : i32 to index
      %get3A_809 = arith.constant 80 : index
      %get3A_810 = tpu.vector_load %arg8[%get3A_808, %get3A_809] {strides = array<i32>} : memref<28x112xi32, #tpu.memory_space<vmem>>, vector<1x16xi32>,
      %get3A_811 = vector.shape_cast %get3A_810 : vector<1x16xi32> to vector<16xi32>
      %get3A_812 = arith.index_cast %scan3A_591 : i32 to index
      %get3A_813 = arith.constant 80 : index
      %get3A_814 = tpu.vector_load %arg9[%get3A_812, %get3A_813] {strides = array<i32>} : memref<28x112xi32, #tpu.memory_space<vmem>>, vector<1x16xi32>,
      %get3A_815 = vector.shape_cast %get3A_814 : vector<1x16xi32> to vector<16xi32>
      %get3A_816 = arith.index_cast %scan3A_591 : i32 to index
      %get3A_817 = arith.constant 80 : index
      %get3A_818 = tpu.vector_load %arg10[%get3A_816, %get3A_817] {strides = array<i32>} : memref<28x112xi32, #tpu.memory_space<vmem>>, vector<1x16xi32>,
      %get3A_819 = vector.shape_cast %get3A_818 : vector<1x16xi32> to vector<16xi32>
      %shift_right_arithmetic3A_820 = arith.constant 1 : i32
      %shift_right_arithmetic3A_821 = vector.broadcast %shift_right_arithmetic3A_820 : i32 to vector<16xi32>
      %shift_right_arithmetic3A_822 = arith.shrsi %get3A_811, %shift_right_arithmetic3A_821 : vector<16xi32>
      %mul3A_823 = arith.constant 1024 : i32
      %mul3A_824 = vector.broadcast %mul3A_823 : i32 to vector<16xi32>
      %mul3A_825 = arith.muli %shift_right_arithmetic3A_822, %mul3A_824 : vector<16xi32>
      %shift_right_arithmetic3A_826 = arith.constant 1 : i32
      %shift_right_arithmetic3A_827 = vector.broadcast %shift_right_arithmetic3A_826 : i32 to vector<16xi32>
      %shift_right_arithmetic3A_828 = arith.shrsi %get3A_815, %shift_right_arithmetic3A_827 : vector<16xi32>
      %mul3A_829 = arith.constant 32 : i32
      %mul3A_830 = vector.broadcast %mul3A_829 : i32 to vector<16xi32>
      %mul3A_831 = arith.muli %shift_right_arithmetic3A_828, %mul3A_830 : vector<16xi32>
      %add3A_832 = arith.addi %mul3A_825, %mul3A_831 : vector<16xi32>
      %shift_right_arithmetic3A_833 = arith.constant 1 : i32
      %shift_right_arithmetic3A_834 = vector.broadcast %shift_right_arithmetic3A_833 : i32 to vector<16xi32>
      %shift_right_arithmetic3A_835 = arith.shrsi %get3A_819, %shift_right_arithmetic3A_834 : vector<16xi32>
      %add3A_836 = arith.addi %add3A_832, %shift_right_arithmetic3A_835 : vector<16xi32>
      %sub3A_837 = vector.broadcast %mul3A_2 : i32 to vector<16xi32>
      %sub3A_838 = arith.subi %add3A_836, %sub3A_837 : vector<16xi32>
      %ge3A_839 = arith.constant 0 : i32
      %ge3A_840 = vector.broadcast %ge3A_839 : i32 to vector<16xi32>
      %ge3A_841 = arith.cmpi sge, %sub3A_838, %ge3A_840 : vector<16xi32>
      %lt3A_842 = arith.constant 16384 : i32
      %lt3A_843 = vector.broadcast %lt3A_842 : i32 to vector<16xi32>
      %lt3A_844 = arith.cmpi slt, %sub3A_838, %lt3A_843 : vector<16xi32>
      %and3A_845 = arith.andi %ge3A_841, %lt3A_844 : vector<16xi1>
      %broadcast_in_dim3A_846 = vector.broadcast %add3A_3 : i32 to vector<16xi32>
      %select_n3A_847 = arith.select %and3A_845, %sub3A_838, %broadcast_in_dim3A_846 : vector<16xi1>, vector<16xi32>
      %swap3A_848 = arith.index_cast %scan3A_591 : i32 to index
      %swap3A_849 = arith.constant 80 : index
      %swap3A_850 = tpu.vector_load %arg11[%swap3A_848, %swap3A_849] {strides = array<i32>} : memref<28x112xi32, #tpu.memory_space<vmem>>, vector<1x16xi32>,
      %swap3A_851 = vector.shape_cast %swap3A_850 : vector<1x16xi32> to vector<16xi32>
      %swap3A_852 = vector.shape_cast %select_n3A_847 : vector<16xi32> to vector<1x16xi32>
      tpu.vector_store %arg11[%swap3A_848, %swap3A_849], %swap3A_852 {strides = array<i32>} : memref<28x112xi32, #tpu.memory_space<vmem>>, vector<1x16xi32>,
      %get3A_853 = arith.index_cast %scan3A_591 : i32 to index
      %get3A_854 = arith.constant 96 : index
      %get3A_855 = tpu.vector_load %arg8[%get3A_853, %get3A_854] {strides = array<i32>} : memref<28x112xi32, #tpu.memory_space<vmem>>, vector<1x16xi32>,
      %get3A_856 = vector.shape_cast %get3A_855 : vector<1x16xi32> to vector<16xi32>
      %get3A_857 = arith.index_cast %scan3A_591 : i32 to index
      %get3A_858 = arith.constant 96 : index
      %get3A_859 = tpu.vector_load %arg9[%get3A_857, %get3A_858] {strides = array<i32>} : memref<28x112xi32, #tpu.memory_space<vmem>>, vector<1x16xi32>,
      %get3A_860 = vector.shape_cast %get3A_859 : vector<1x16xi32> to vector<16xi32>
      %get3A_861 = arith.index_cast %scan3A_591 : i32 to index
      %get3A_862 = arith.constant 96 : index
      %get3A_863 = tpu.vector_load %arg10[%get3A_861, %get3A_862] {strides = array<i32>} : memref<28x112xi32, #tpu.memory_space<vmem>>, vector<1x16xi32>,
      %get3A_864 = vector.shape_cast %get3A_863 : vector<1x16xi32> to vector<16xi32>
      %shift_right_arithmetic3A_865 = arith.constant 1 : i32
      %shift_right_arithmetic3A_866 = vector.broadcast %shift_right_arithmetic3A_865 : i32 to vector<16xi32>
      %shift_right_arithmetic3A_867 = arith.shrsi %get3A_856, %shift_right_arithmetic3A_866 : vector<16xi32>
      %mul3A_868 = arith.constant 1024 : i32
      %mul3A_869 = vector.broadcast %mul3A_868 : i32 to vector<16xi32>
      %mul3A_870 = arith.muli %shift_right_arithmetic3A_867, %mul3A_869 : vector<16xi32>
      %shift_right_arithmetic3A_871 = arith.constant 1 : i32
      %shift_right_arithmetic3A_872 = vector.broadcast %shift_right_arithmetic3A_871 : i32 to vector<16xi32>
      %shift_right_arithmetic3A_873 = arith.shrsi %get3A_860, %shift_right_arithmetic3A_872 : vector<16xi32>
      %mul3A_874 = arith.constant 32 : i32
      %mul3A_875 = vector.broadcast %mul3A_874 : i32 to vector<16xi32>
      %mul3A_876 = arith.muli %shift_right_arithmetic3A_873, %mul3A_875 : vector<16xi32>
      %add3A_877 = arith.addi %mul3A_870, %mul3A_876 : vector<16xi32>
      %shift_right_arithmetic3A_878 = arith.constant 1 : i32
      %shift_right_arithmetic3A_879 = vector.broadcast %shift_right_arithmetic3A_878 : i32 to vector<16xi32>
      %shift_right_arithmetic3A_880 = arith.shrsi %get3A_864, %shift_right_arithmetic3A_879 : vector<16xi32>
      %add3A_881 = arith.addi %add3A_877, %shift_right_arithmetic3A_880 : vector<16xi32>
      %sub3A_882 = vector.broadcast %mul3A_2 : i32 to vector<16xi32>
      %sub3A_883 = arith.subi %add3A_881, %sub3A_882 : vector<16xi32>
      %ge3A_884 = arith.constant 0 : i32
      %ge3A_885 = vector.broadcast %ge3A_884 : i32 to vector<16xi32>
      %ge3A_886 = arith.cmpi sge, %sub3A_883, %ge3A_885 : vector<16xi32>
      %lt3A_887 = arith.constant 16384 : i32
      %lt3A_888 = vector.broadcast %lt3A_887 : i32 to vector<16xi32>
      %lt3A_889 = arith.cmpi slt, %sub3A_883, %lt3A_888 : vector<16xi32>
      %and3A_890 = arith.andi %ge3A_886, %lt3A_889 : vector<16xi1>
      %broadcast_in_dim3A_891 = vector.broadcast %add3A_3 : i32 to vector<16xi32>
      %select_n3A_892 = arith.select %and3A_890, %sub3A_883, %broadcast_in_dim3A_891 : vector<16xi1>, vector<16xi32>
      %swap3A_893 = arith.index_cast %scan3A_591 : i32 to index
      %swap3A_894 = arith.constant 96 : index
      %swap3A_895 = tpu.vector_load %arg11[%swap3A_893, %swap3A_894] {strides = array<i32>} : memref<28x112xi32, #tpu.memory_space<vmem>>, vector<1x16xi32>,
      %swap3A_896 = vector.shape_cast %swap3A_895 : vector<1x16xi32> to vector<16xi32>
      %swap3A_897 = vector.shape_cast %select_n3A_892 : vector<16xi32> to vector<1x16xi32>
      tpu.vector_store %arg11[%swap3A_893, %swap3A_894], %swap3A_897 {strides = array<i32>} : memref<28x112xi32, #tpu.memory_space<vmem>>, vector<1x16xi32>,
    }
    %scan3A_8 = arith.constant 28 : i32
    %barrier3A = arith.constant 0 : index
    tpu.barrier barrier_id(%barrier3A)
    %mul3A_9 = arith.constant 3136 : i32
    %mul3A_10 = arith.muli %arg1, %mul3A_9 : i32
    %add3A_11 = arith.constant 0 : i32
    %add3A_12 = arith.addi %mul3A_10, %add3A_11 : i32
    "tpu.region"() ({
      %run_scoped3A = tpu.sem_alloc : memref<!tpu.dma_semaphore, #tpu.memory_space<semaphore_mem>>
      %dma_start3A_591 = arith.constant 0 : i32
      %dma_start3A_592 = tpu.memref_slice %arg2[%add3A_12, %dma_start3A_591] : memref<50176x64xf32, #tpu.memory_space<hbm>> -> memref<784x64xf32, #tpu.memory_space<hbm>>
      %dma_start3A_593 = arith.constant 0 : i32
      %dma_start3A_594 = tpu.memref_slice %arg2[%add3A_12, %dma_start3A_593] : memref<50176x64xf32, #tpu.memory_space<hbm>> -> memref<784x64xf32, #tpu.memory_space<hbm>>
      tpu.enqueue_dma source(%dma_start3A_594 : memref<784x64xf32, #tpu.memory_space<hbm>>) target(%arg12 : memref<784x64xf32, #tpu.memory_space<vmem>>) target_semaphore(%run_scoped3A : memref<!tpu.dma_semaphore, #tpu.memory_space<semaphore_mem>>)
      %dma_wait3A_595 = arith.constant 0 : i32
      %dma_wait3A_596 = tpu.memref_slice %arg2[%add3A_12, %dma_wait3A_595] : memref<50176x64xf32, #tpu.memory_space<hbm>> -> memref<784x64xf32, #tpu.memory_space<hbm>>
      %dma_wait3A_597 = arith.constant 0 : i32
      %dma_wait3A_598 = tpu.memref_slice %arg2[%add3A_12, %dma_wait3A_597] : memref<50176x64xf32, #tpu.memory_space<hbm>> -> memref<784x64xf32, #tpu.memory_space<hbm>>
      tpu.wait_dma2 semaphore(%run_scoped3A : memref<!tpu.dma_semaphore, #tpu.memory_space<semaphore_mem>>) src(%dma_wait3A_598 : memref<784x64xf32, #tpu.memory_space<hbm>>) dst(%arg12 : memref<784x64xf32, #tpu.memory_space<vmem>>)
      tpu.yield
    }) : () -> ()
    %dma_start3A = arith.constant 0 : i32
    %dma_start3A_13 = arith.constant 0 : i32
    %dma_start3A_14 = arith.constant 0 : i32
    %dma_start3A_15 = tpu.memref_slice %arg12[%dma_start3A_13, %dma_start3A_14] : memref<784x64xf32, #tpu.memory_space<vmem>> -> memref<112x64xf32, #tpu.memory_space<vmem>>
    %dma_start3A_16 = arith.constant 0 : i32
    %dma_start3A_17 = tpu.memref_slice %arg11[%dma_start3A, %dma_start3A_16] : memref<28x112xi32, #tpu.memory_space<vmem>> -> memref<1x112xi32, #tpu.memory_space<vmem>>
    %dma_start3A_18 = tpu.memref_squeeze %dma_start3A_17 : memref<1x112xi32, #tpu.memory_space<vmem>> -> memref<112xi32, #tpu.memory_space<vmem>>
    %dma_start3A_19 = arith.constant 0 : i32
    %dma_start3A_20 = arith.constant 0 : i32
    %dma_start3A_21 = tpu.memref_slice %arg13[%dma_start3A_19, %dma_start3A_20] : memref<16512x64xf32, #tpu.memory_space<vmem_shared>> -> memref<16512x64xf32, #tpu.memory_space<vmem_shared>>
    tpu.enqueue_indirect_dma source(%dma_start3A_15 : memref<112x64xf32, #tpu.memory_space<vmem>>) target(%dma_start3A_21 : memref<16512x64xf32, #tpu.memory_space<vmem_shared>>) offsets(%dma_start3A_18 : memref<112xi32, #tpu.memory_space<vmem>>) semaphore(%arg14 : memref<!tpu.dma_semaphore, #tpu.memory_space<semaphore_mem>>) {add = true}
    %dma_start3A_22 = arith.constant 1 : i32
    %dma_start3A_23 = arith.constant 112 : i32
    %dma_start3A_24 = arith.constant 0 : i32
    %dma_start3A_25 = tpu.memref_slice %arg12[%dma_start3A_23, %dma_start3A_24] : memref<784x64xf32, #tpu.memory_space<vmem>> -> memref<112x64xf32, #tpu.memory_space<vmem>>
    %dma_start3A_26 = arith.constant 0 : i32
    %dma_start3A_27 = tpu.memref_slice %arg11[%dma_start3A_22, %dma_start3A_26] : memref<28x112xi32, #tpu.memory_space<vmem>> -> memref<1x112xi32, #tpu.memory_space<vmem>>
    %dma_start3A_28 = tpu.memref_squeeze %dma_start3A_27 : memref<1x112xi32, #tpu.memory_space<vmem>> -> memref<112xi32, #tpu.memory_space<vmem>>
    %dma_start3A_29 = arith.constant 0 : i32
    %dma_start3A_30 = arith.constant 0 : i32
    %dma_start3A_31 = tpu.memref_slice %arg13[%dma_start3A_29, %dma_start3A_30] : memref<16512x64xf32, #tpu.memory_space<vmem_shared>> -> memref<16512x64xf32, #tpu.memory_space<vmem_shared>>
    tpu.enqueue_indirect_dma source(%dma_start3A_25 : memref<112x64xf32, #tpu.memory_space<vmem>>) target(%dma_start3A_31 : memref<16512x64xf32, #tpu.memory_space<vmem_shared>>) offsets(%dma_start3A_28 : memref<112xi32, #tpu.memory_space<vmem>>) semaphore(%arg14 : memref<!tpu.dma_semaphore, #tpu.memory_space<semaphore_mem>>) {add = true}
    %dma_start3A_32 = arith.constant 2 : i32
    %dma_start3A_33 = arith.constant 224 : i32
    %dma_start3A_34 = arith.constant 0 : i32
    %dma_start3A_35 = tpu.memref_slice %arg12[%dma_start3A_33, %dma_start3A_34] : memref<784x64xf32, #tpu.memory_space<vmem>> -> memref<112x64xf32, #tpu.memory_space<vmem>>
    %dma_start3A_36 = arith.constant 0 : i32
    %dma_start3A_37 = tpu.memref_slice %arg11[%dma_start3A_32, %dma_start3A_36] : memref<28x112xi32, #tpu.memory_space<vmem>> -> memref<1x112xi32, #tpu.memory_space<vmem>>
    %dma_start3A_38 = tpu.memref_squeeze %dma_start3A_37 : memref<1x112xi32, #tpu.memory_space<vmem>> -> memref<112xi32, #tpu.memory_space<vmem>>
    %dma_start3A_39 = arith.constant 0 : i32
    %dma_start3A_40 = arith.constant 0 : i32
    %dma_start3A_41 = tpu.memref_slice %arg13[%dma_start3A_39, %dma_start3A_40] : memref<16512x64xf32, #tpu.memory_space<vmem_shared>> -> memref<16512x64xf32, #tpu.memory_space<vmem_shared>>
    tpu.enqueue_indirect_dma source(%dma_start3A_35 : memref<112x64xf32, #tpu.memory_space<vmem>>) target(%dma_start3A_41 : memref<16512x64xf32, #tpu.memory_space<vmem_shared>>) offsets(%dma_start3A_38 : memref<112xi32, #tpu.memory_space<vmem>>) semaphore(%arg14 : memref<!tpu.dma_semaphore, #tpu.memory_space<semaphore_mem>>) {add = true}
    %dma_start3A_42 = arith.constant 3 : i32
    %dma_start3A_43 = arith.constant 336 : i32
    %dma_start3A_44 = arith.constant 0 : i32
    %dma_start3A_45 = tpu.memref_slice %arg12[%dma_start3A_43, %dma_start3A_44] : memref<784x64xf32, #tpu.memory_space<vmem>> -> memref<112x64xf32, #tpu.memory_space<vmem>>
    %dma_start3A_46 = arith.constant 0 : i32
    %dma_start3A_47 = tpu.memref_slice %arg11[%dma_start3A_42, %dma_start3A_46] : memref<28x112xi32, #tpu.memory_space<vmem>> -> memref<1x112xi32, #tpu.memory_space<vmem>>
    %dma_start3A_48 = tpu.memref_squeeze %dma_start3A_47 : memref<1x112xi32, #tpu.memory_space<vmem>> -> memref<112xi32, #tpu.memory_space<vmem>>
    %dma_start3A_49 = arith.constant 0 : i32
    %dma_start3A_50 = arith.constant 0 : i32
    %dma_start3A_51 = tpu.memref_slice %arg13[%dma_start3A_49, %dma_start3A_50] : memref<16512x64xf32, #tpu.memory_space<vmem_shared>> -> memref<16512x64xf32, #tpu.memory_space<vmem_shared>>
    tpu.enqueue_indirect_dma source(%dma_start3A_45 : memref<112x64xf32, #tpu.memory_space<vmem>>) target(%dma_start3A_51 : memref<16512x64xf32, #tpu.memory_space<vmem_shared>>) offsets(%dma_start3A_48 : memref<112xi32, #tpu.memory_space<vmem>>) semaphore(%arg14 : memref<!tpu.dma_semaphore, #tpu.memory_space<semaphore_mem>>) {add = true}
    %dma_start3A_52 = arith.constant 4 : i32
    %dma_start3A_53 = arith.constant 448 : i32
    %dma_start3A_54 = arith.constant 0 : i32
    %dma_start3A_55 = tpu.memref_slice %arg12[%dma_start3A_53, %dma_start3A_54] : memref<784x64xf32, #tpu.memory_space<vmem>> -> memref<112x64xf32, #tpu.memory_space<vmem>>
    %dma_start3A_56 = arith.constant 0 : i32
    %dma_start3A_57 = tpu.memref_slice %arg11[%dma_start3A_52, %dma_start3A_56] : memref<28x112xi32, #tpu.memory_space<vmem>> -> memref<1x112xi32, #tpu.memory_space<vmem>>
    %dma_start3A_58 = tpu.memref_squeeze %dma_start3A_57 : memref<1x112xi32, #tpu.memory_space<vmem>> -> memref<112xi32, #tpu.memory_space<vmem>>
    %dma_start3A_59 = arith.constant 0 : i32
    %dma_start3A_60 = arith.constant 0 : i32
    %dma_start3A_61 = tpu.memref_slice %arg13[%dma_start3A_59, %dma_start3A_60] : memref<16512x64xf32, #tpu.memory_space<vmem_shared>> -> memref<16512x64xf32, #tpu.memory_space<vmem_shared>>
    tpu.enqueue_indirect_dma source(%dma_start3A_55 : memref<112x64xf32, #tpu.memory_space<vmem>>) target(%dma_start3A_61 : memref<16512x64xf32, #tpu.memory_space<vmem_shared>>) offsets(%dma_start3A_58 : memref<112xi32, #tpu.memory_space<vmem>>) semaphore(%arg14 : memref<!tpu.dma_semaphore, #tpu.memory_space<semaphore_mem>>) {add = true}
    %dma_start3A_62 = arith.constant 5 : i32
    %dma_start3A_63 = arith.constant 560 : i32
    %dma_start3A_64 = arith.constant 0 : i32
    %dma_start3A_65 = tpu.memref_slice %arg12[%dma_start3A_63, %dma_start3A_64] : memref<784x64xf32, #tpu.memory_space<vmem>> -> memref<112x64xf32, #tpu.memory_space<vmem>>
    %dma_start3A_66 = arith.constant 0 : i32
    %dma_start3A_67 = tpu.memref_slice %arg11[%dma_start3A_62, %dma_start3A_66] : memref<28x112xi32, #tpu.memory_space<vmem>> -> memref<1x112xi32, #tpu.memory_space<vmem>>
    %dma_start3A_68 = tpu.memref_squeeze %dma_start3A_67 : memref<1x112xi32, #tpu.memory_space<vmem>> -> memref<112xi32, #tpu.memory_space<vmem>>
    %dma_start3A_69 = arith.constant 0 : i32
    %dma_start3A_70 = arith.constant 0 : i32
    %dma_start3A_71 = tpu.memref_slice %arg13[%dma_start3A_69, %dma_start3A_70] : memref<16512x64xf32, #tpu.memory_space<vmem_shared>> -> memref<16512x64xf32, #tpu.memory_space<vmem_shared>>
    tpu.enqueue_indirect_dma source(%dma_start3A_65 : memref<112x64xf32, #tpu.memory_space<vmem>>) target(%dma_start3A_71 : memref<16512x64xf32, #tpu.memory_space<vmem_shared>>) offsets(%dma_start3A_68 : memref<112xi32, #tpu.memory_space<vmem>>) semaphore(%arg14 : memref<!tpu.dma_semaphore, #tpu.memory_space<semaphore_mem>>) {add = true}
    %dma_start3A_72 = arith.constant 6 : i32
    %dma_start3A_73 = arith.constant 672 : i32
    %dma_start3A_74 = arith.constant 0 : i32
    %dma_start3A_75 = tpu.memref_slice %arg12[%dma_start3A_73, %dma_start3A_74] : memref<784x64xf32, #tpu.memory_space<vmem>> -> memref<112x64xf32, #tpu.memory_space<vmem>>
    %dma_start3A_76 = arith.constant 0 : i32
    %dma_start3A_77 = tpu.memref_slice %arg11[%dma_start3A_72, %dma_start3A_76] : memref<28x112xi32, #tpu.memory_space<vmem>> -> memref<1x112xi32, #tpu.memory_space<vmem>>
    %dma_start3A_78 = tpu.memref_squeeze %dma_start3A_77 : memref<1x112xi32, #tpu.memory_space<vmem>> -> memref<112xi32, #tpu.memory_space<vmem>>
    %dma_start3A_79 = arith.constant 0 : i32
    %dma_start3A_80 = arith.constant 0 : i32
    %dma_start3A_81 = tpu.memref_slice %arg13[%dma_start3A_79, %dma_start3A_80] : memref<16512x64xf32, #tpu.memory_space<vmem_shared>> -> memref<16512x64xf32, #tpu.memory_space<vmem_shared>>
    tpu.enqueue_indirect_dma source(%dma_start3A_75 : memref<112x64xf32, #tpu.memory_space<vmem>>) target(%dma_start3A_81 : memref<16512x64xf32, #tpu.memory_space<vmem_shared>>) offsets(%dma_start3A_78 : memref<112xi32, #tpu.memory_space<vmem>>) semaphore(%arg14 : memref<!tpu.dma_semaphore, #tpu.memory_space<semaphore_mem>>) {add = true}
    %dma_wait3A = arith.constant 0 : i32
    %dma_wait3A_82 = arith.constant 0 : i32
    %dma_wait3A_83 = arith.constant 0 : i32
    %dma_wait3A_84 = tpu.memref_slice %arg12[%dma_wait3A_82, %dma_wait3A_83] : memref<784x64xf32, #tpu.memory_space<vmem>> -> memref<112x64xf32, #tpu.memory_space<vmem>>
    %dma_wait3A_85 = arith.constant 0 : i32
    %dma_wait3A_86 = tpu.memref_slice %arg11[%dma_wait3A, %dma_wait3A_85] : memref<28x112xi32, #tpu.memory_space<vmem>> -> memref<1x112xi32, #tpu.memory_space<vmem>>
    %dma_wait3A_87 = tpu.memref_squeeze %dma_wait3A_86 : memref<1x112xi32, #tpu.memory_space<vmem>> -> memref<112xi32, #tpu.memory_space<vmem>>
    %dma_wait3A_88 = arith.constant 0 : i32
    %dma_wait3A_89 = arith.constant 0 : i32
    %dma_wait3A_90 = tpu.memref_slice %arg13[%dma_wait3A_88, %dma_wait3A_89] : memref<16512x64xf32, #tpu.memory_space<vmem_shared>> -> memref<16512x64xf32, #tpu.memory_space<vmem_shared>>
    tpu.wait_indirect_dma semaphore(%arg14 : memref<!tpu.dma_semaphore, #tpu.memory_space<semaphore_mem>>) src(%dma_wait3A_84 : memref<112x64xf32, #tpu.memory_space<vmem>>) dst(%dma_wait3A_90 : memref<16512x64xf32, #tpu.memory_space<vmem_shared>>)
    %dma_wait3A_91 = arith.constant 1 : i32
    %dma_wait3A_92 = arith.constant 112 : i32
    %dma_wait3A_93 = arith.constant 0 : i32
    %dma_wait3A_94 = tpu.memref_slice %arg12[%dma_wait3A_92, %dma_wait3A_93] : memref<784x64xf32, #tpu.memory_space<vmem>> -> memref<112x64xf32, #tpu.memory_space<vmem>>
    %dma_wait3A_95 = arith.constant 0 : i32
    %dma_wait3A_96 = tpu.memref_slice %arg11[%dma_wait3A_91, %dma_wait3A_95] : memref<28x112xi32, #tpu.memory_space<vmem>> -> memref<1x112xi32, #tpu.memory_space<vmem>>
    %dma_wait3A_97 = tpu.memref_squeeze %dma_wait3A_96 : memref<1x112xi32, #tpu.memory_space<vmem>> -> memref<112xi32, #tpu.memory_space<vmem>>
    %dma_wait3A_98 = arith.constant 0 : i32
    %dma_wait3A_99 = arith.constant 0 : i32
    %dma_wait3A_100 = tpu.memref_slice %arg13[%dma_wait3A_98, %dma_wait3A_99] : memref<16512x64xf32, #tpu.memory_space<vmem_shared>> -> memref<16512x64xf32, #tpu.memory_space<vmem_shared>>
    tpu.wait_indirect_dma semaphore(%arg14 : memref<!tpu.dma_semaphore, #tpu.memory_space<semaphore_mem>>) src(%dma_wait3A_94 : memref<112x64xf32, #tpu.memory_space<vmem>>) dst(%dma_wait3A_100 : memref<16512x64xf32, #tpu.memory_space<vmem_shared>>)
    %dma_wait3A_101 = arith.constant 2 : i32
    %dma_wait3A_102 = arith.constant 224 : i32
    %dma_wait3A_103 = arith.constant 0 : i32
    %dma_wait3A_104 = tpu.memref_slice %arg12[%dma_wait3A_102, %dma_wait3A_103] : memref<784x64xf32, #tpu.memory_space<vmem>> -> memref<112x64xf32, #tpu.memory_space<vmem>>
    %dma_wait3A_105 = arith.constant 0 : i32
    %dma_wait3A_106 = tpu.memref_slice %arg11[%dma_wait3A_101, %dma_wait3A_105] : memref<28x112xi32, #tpu.memory_space<vmem>> -> memref<1x112xi32, #tpu.memory_space<vmem>>
    %dma_wait3A_107 = tpu.memref_squeeze %dma_wait3A_106 : memref<1x112xi32, #tpu.memory_space<vmem>> -> memref<112xi32, #tpu.memory_space<vmem>>
    %dma_wait3A_108 = arith.constant 0 : i32
    %dma_wait3A_109 = arith.constant 0 : i32
    %dma_wait3A_110 = tpu.memref_slice %arg13[%dma_wait3A_108, %dma_wait3A_109] : memref<16512x64xf32, #tpu.memory_space<vmem_shared>> -> memref<16512x64xf32, #tpu.memory_space<vmem_shared>>
    tpu.wait_indirect_dma semaphore(%arg14 : memref<!tpu.dma_semaphore, #tpu.memory_space<semaphore_mem>>) src(%dma_wait3A_104 : memref<112x64xf32, #tpu.memory_space<vmem>>) dst(%dma_wait3A_110 : memref<16512x64xf32, #tpu.memory_space<vmem_shared>>)
    %dma_wait3A_111 = arith.constant 3 : i32
    %dma_wait3A_112 = arith.constant 336 : i32
    %dma_wait3A_113 = arith.constant 0 : i32
    %dma_wait3A_114 = tpu.memref_slice %arg12[%dma_wait3A_112, %dma_wait3A_113] : memref<784x64xf32, #tpu.memory_space<vmem>> -> memref<112x64xf32, #tpu.memory_space<vmem>>
    %dma_wait3A_115 = arith.constant 0 : i32
    %dma_wait3A_116 = tpu.memref_slice %arg11[%dma_wait3A_111, %dma_wait3A_115] : memref<28x112xi32, #tpu.memory_space<vmem>> -> memref<1x112xi32, #tpu.memory_space<vmem>>
    %dma_wait3A_117 = tpu.memref_squeeze %dma_wait3A_116 : memref<1x112xi32, #tpu.memory_space<vmem>> -> memref<112xi32, #tpu.memory_space<vmem>>
    %dma_wait3A_118 = arith.constant 0 : i32
    %dma_wait3A_119 = arith.constant 0 : i32
    %dma_wait3A_120 = tpu.memref_slice %arg13[%dma_wait3A_118, %dma_wait3A_119] : memref<16512x64xf32, #tpu.memory_space<vmem_shared>> -> memref<16512x64xf32, #tpu.memory_space<vmem_shared>>
    tpu.wait_indirect_dma semaphore(%arg14 : memref<!tpu.dma_semaphore, #tpu.memory_space<semaphore_mem>>) src(%dma_wait3A_114 : memref<112x64xf32, #tpu.memory_space<vmem>>) dst(%dma_wait3A_120 : memref<16512x64xf32, #tpu.memory_space<vmem_shared>>)
    %dma_wait3A_121 = arith.constant 4 : i32
    %dma_wait3A_122 = arith.constant 448 : i32
    %dma_wait3A_123 = arith.constant 0 : i32
    %dma_wait3A_124 = tpu.memref_slice %arg12[%dma_wait3A_122, %dma_wait3A_123] : memref<784x64xf32, #tpu.memory_space<vmem>> -> memref<112x64xf32, #tpu.memory_space<vmem>>
    %dma_wait3A_125 = arith.constant 0 : i32
    %dma_wait3A_126 = tpu.memref_slice %arg11[%dma_wait3A_121, %dma_wait3A_125] : memref<28x112xi32, #tpu.memory_space<vmem>> -> memref<1x112xi32, #tpu.memory_space<vmem>>
    %dma_wait3A_127 = tpu.memref_squeeze %dma_wait3A_126 : memref<1x112xi32, #tpu.memory_space<vmem>> -> memref<112xi32, #tpu.memory_space<vmem>>
    %dma_wait3A_128 = arith.constant 0 : i32
    %dma_wait3A_129 = arith.constant 0 : i32
    %dma_wait3A_130 = tpu.memref_slice %arg13[%dma_wait3A_128, %dma_wait3A_129] : memref<16512x64xf32, #tpu.memory_space<vmem_shared>> -> memref<16512x64xf32, #tpu.memory_space<vmem_shared>>
    tpu.wait_indirect_dma semaphore(%arg14 : memref<!tpu.dma_semaphore, #tpu.memory_space<semaphore_mem>>) src(%dma_wait3A_124 : memref<112x64xf32, #tpu.memory_space<vmem>>) dst(%dma_wait3A_130 : memref<16512x64xf32, #tpu.memory_space<vmem_shared>>)
    %dma_wait3A_131 = arith.constant 5 : i32
    %dma_wait3A_132 = arith.constant 560 : i32
    %dma_wait3A_133 = arith.constant 0 : i32
    %dma_wait3A_134 = tpu.memref_slice %arg12[%dma_wait3A_132, %dma_wait3A_133] : memref<784x64xf32, #tpu.memory_space<vmem>> -> memref<112x64xf32, #tpu.memory_space<vmem>>
    %dma_wait3A_135 = arith.constant 0 : i32
    %dma_wait3A_136 = tpu.memref_slice %arg11[%dma_wait3A_131, %dma_wait3A_135] : memref<28x112xi32, #tpu.memory_space<vmem>> -> memref<1x112xi32, #tpu.memory_space<vmem>>
    %dma_wait3A_137 = tpu.memref_squeeze %dma_wait3A_136 : memref<1x112xi32, #tpu.memory_space<vmem>> -> memref<112xi32, #tpu.memory_space<vmem>>
    %dma_wait3A_138 = arith.constant 0 : i32
    %dma_wait3A_139 = arith.constant 0 : i32
    %dma_wait3A_140 = tpu.memref_slice %arg13[%dma_wait3A_138, %dma_wait3A_139] : memref<16512x64xf32, #tpu.memory_space<vmem_shared>> -> memref<16512x64xf32, #tpu.memory_space<vmem_shared>>
    tpu.wait_indirect_dma semaphore(%arg14 : memref<!tpu.dma_semaphore, #tpu.memory_space<semaphore_mem>>) src(%dma_wait3A_134 : memref<112x64xf32, #tpu.memory_space<vmem>>) dst(%dma_wait3A_140 : memref<16512x64xf32, #tpu.memory_space<vmem_shared>>)
    %dma_wait3A_141 = arith.constant 6 : i32
    %dma_wait3A_142 = arith.constant 672 : i32
    %dma_wait3A_143 = arith.constant 0 : i32
    %dma_wait3A_144 = tpu.memref_slice %arg12[%dma_wait3A_142, %dma_wait3A_143] : memref<784x64xf32, #tpu.memory_space<vmem>> -> memref<112x64xf32, #tpu.memory_space<vmem>>
    %dma_wait3A_145 = arith.constant 0 : i32
    %dma_wait3A_146 = tpu.memref_slice %arg11[%dma_wait3A_141, %dma_wait3A_145] : memref<28x112xi32, #tpu.memory_space<vmem>> -> memref<1x112xi32, #tpu.memory_space<vmem>>
    %dma_wait3A_147 = tpu.memref_squeeze %dma_wait3A_146 : memref<1x112xi32, #tpu.memory_space<vmem>> -> memref<112xi32, #tpu.memory_space<vmem>>
    %dma_wait3A_148 = arith.constant 0 : i32
    %dma_wait3A_149 = arith.constant 0 : i32
    %dma_wait3A_150 = tpu.memref_slice %arg13[%dma_wait3A_148, %dma_wait3A_149] : memref<16512x64xf32, #tpu.memory_space<vmem_shared>> -> memref<16512x64xf32, #tpu.memory_space<vmem_shared>>
    tpu.wait_indirect_dma semaphore(%arg14 : memref<!tpu.dma_semaphore, #tpu.memory_space<semaphore_mem>>) src(%dma_wait3A_144 : memref<112x64xf32, #tpu.memory_space<vmem>>) dst(%dma_wait3A_150 : memref<16512x64xf32, #tpu.memory_space<vmem_shared>>)
    %mul3A_151 = arith.constant 3136 : i32
    %mul3A_152 = arith.muli %arg1, %mul3A_151 : i32
    %add3A_153 = arith.constant 784 : i32
    %add3A_154 = arith.addi %mul3A_152, %add3A_153 : i32
    "tpu.region"() ({
      %run_scoped3A = tpu.sem_alloc : memref<!tpu.dma_semaphore, #tpu.memory_space<semaphore_mem>>
      %dma_start3A_591 = arith.constant 0 : i32
      %dma_start3A_592 = tpu.memref_slice %arg2[%add3A_154, %dma_start3A_591] : memref<50176x64xf32, #tpu.memory_space<hbm>> -> memref<784x64xf32, #tpu.memory_space<hbm>>
      %dma_start3A_593 = arith.constant 0 : i32
      %dma_start3A_594 = tpu.memref_slice %arg2[%add3A_154, %dma_start3A_593] : memref<50176x64xf32, #tpu.memory_space<hbm>> -> memref<784x64xf32, #tpu.memory_space<hbm>>
      tpu.enqueue_dma source(%dma_start3A_594 : memref<784x64xf32, #tpu.memory_space<hbm>>) target(%arg12 : memref<784x64xf32, #tpu.memory_space<vmem>>) target_semaphore(%run_scoped3A : memref<!tpu.dma_semaphore, #tpu.memory_space<semaphore_mem>>)
      %dma_wait3A_595 = arith.constant 0 : i32
      %dma_wait3A_596 = tpu.memref_slice %arg2[%add3A_154, %dma_wait3A_595] : memref<50176x64xf32, #tpu.memory_space<hbm>> -> memref<784x64xf32, #tpu.memory_space<hbm>>
      %dma_wait3A_597 = arith.constant 0 : i32
      %dma_wait3A_598 = tpu.memref_slice %arg2[%add3A_154, %dma_wait3A_597] : memref<50176x64xf32, #tpu.memory_space<hbm>> -> memref<784x64xf32, #tpu.memory_space<hbm>>
      tpu.wait_dma2 semaphore(%run_scoped3A : memref<!tpu.dma_semaphore, #tpu.memory_space<semaphore_mem>>) src(%dma_wait3A_598 : memref<784x64xf32, #tpu.memory_space<hbm>>) dst(%arg12 : memref<784x64xf32, #tpu.memory_space<vmem>>)
      tpu.yield
    }) : () -> ()
    %dma_start3A_155 = arith.constant 7 : i32
    %dma_start3A_156 = arith.constant 0 : i32
    %dma_start3A_157 = arith.constant 0 : i32
    %dma_start3A_158 = tpu.memref_slice %arg12[%dma_start3A_156, %dma_start3A_157] : memref<784x64xf32, #tpu.memory_space<vmem>> -> memref<112x64xf32, #tpu.memory_space<vmem>>
    %dma_start3A_159 = arith.constant 0 : i32
    %dma_start3A_160 = tpu.memref_slice %arg11[%dma_start3A_155, %dma_start3A_159] : memref<28x112xi32, #tpu.memory_space<vmem>> -> memref<1x112xi32, #tpu.memory_space<vmem>>
    %dma_start3A_161 = tpu.memref_squeeze %dma_start3A_160 : memref<1x112xi32, #tpu.memory_space<vmem>> -> memref<112xi32, #tpu.memory_space<vmem>>
    %dma_start3A_162 = arith.constant 0 : i32
    %dma_start3A_163 = arith.constant 0 : i32
    %dma_start3A_164 = tpu.memref_slice %arg13[%dma_start3A_162, %dma_start3A_163] : memref<16512x64xf32, #tpu.memory_space<vmem_shared>> -> memref<16512x64xf32, #tpu.memory_space<vmem_shared>>
    tpu.enqueue_indirect_dma source(%dma_start3A_158 : memref<112x64xf32, #tpu.memory_space<vmem>>) target(%dma_start3A_164 : memref<16512x64xf32, #tpu.memory_space<vmem_shared>>) offsets(%dma_start3A_161 : memref<112xi32, #tpu.memory_space<vmem>>) semaphore(%arg14 : memref<!tpu.dma_semaphore, #tpu.memory_space<semaphore_mem>>) {add = true}
    %dma_start3A_165 = arith.constant 8 : i32
    %dma_start3A_166 = arith.constant 112 : i32
    %dma_start3A_167 = arith.constant 0 : i32
    %dma_start3A_168 = tpu.memref_slice %arg12[%dma_start3A_166, %dma_start3A_167] : memref<784x64xf32, #tpu.memory_space<vmem>> -> memref<112x64xf32, #tpu.memory_space<vmem>>
    %dma_start3A_169 = arith.constant 0 : i32
    %dma_start3A_170 = tpu.memref_slice %arg11[%dma_start3A_165, %dma_start3A_169] : memref<28x112xi32, #tpu.memory_space<vmem>> -> memref<1x112xi32, #tpu.memory_space<vmem>>
    %dma_start3A_171 = tpu.memref_squeeze %dma_start3A_170 : memref<1x112xi32, #tpu.memory_space<vmem>> -> memref<112xi32, #tpu.memory_space<vmem>>
    %dma_start3A_172 = arith.constant 0 : i32
    %dma_start3A_173 = arith.constant 0 : i32
    %dma_start3A_174 = tpu.memref_slice %arg13[%dma_start3A_172, %dma_start3A_173] : memref<16512x64xf32, #tpu.memory_space<vmem_shared>> -> memref<16512x64xf32, #tpu.memory_space<vmem_shared>>
    tpu.enqueue_indirect_dma source(%dma_start3A_168 : memref<112x64xf32, #tpu.memory_space<vmem>>) target(%dma_start3A_174 : memref<16512x64xf32, #tpu.memory_space<vmem_shared>>) offsets(%dma_start3A_171 : memref<112xi32, #tpu.memory_space<vmem>>) semaphore(%arg14 : memref<!tpu.dma_semaphore, #tpu.memory_space<semaphore_mem>>) {add = true}
    %dma_start3A_175 = arith.constant 9 : i32
    %dma_start3A_176 = arith.constant 224 : i32
    %dma_start3A_177 = arith.constant 0 : i32
    %dma_start3A_178 = tpu.memref_slice %arg12[%dma_start3A_176, %dma_start3A_177] : memref<784x64xf32, #tpu.memory_space<vmem>> -> memref<112x64xf32, #tpu.memory_space<vmem>>
    %dma_start3A_179 = arith.constant 0 : i32
    %dma_start3A_180 = tpu.memref_slice %arg11[%dma_start3A_175, %dma_start3A_179] : memref<28x112xi32, #tpu.memory_space<vmem>> -> memref<1x112xi32, #tpu.memory_space<vmem>>
    %dma_start3A_181 = tpu.memref_squeeze %dma_start3A_180 : memref<1x112xi32, #tpu.memory_space<vmem>> -> memref<112xi32, #tpu.memory_space<vmem>>
    %dma_start3A_182 = arith.constant 0 : i32
    %dma_start3A_183 = arith.constant 0 : i32
    %dma_start3A_184 = tpu.memref_slice %arg13[%dma_start3A_182, %dma_start3A_183] : memref<16512x64xf32, #tpu.memory_space<vmem_shared>> -> memref<16512x64xf32, #tpu.memory_space<vmem_shared>>
    tpu.enqueue_indirect_dma source(%dma_start3A_178 : memref<112x64xf32, #tpu.memory_space<vmem>>) target(%dma_start3A_184 : memref<16512x64xf32, #tpu.memory_space<vmem_shared>>) offsets(%dma_start3A_181 : memref<112xi32, #tpu.memory_space<vmem>>) semaphore(%arg14 : memref<!tpu.dma_semaphore, #tpu.memory_space<semaphore_mem>>) {add = true}
    %dma_start3A_185 = arith.constant 10 : i32
    %dma_start3A_186 = arith.constant 336 : i32
    %dma_start3A_187 = arith.constant 0 : i32
    %dma_start3A_188 = tpu.memref_slice %arg12[%dma_start3A_186, %dma_start3A_187] : memref<784x64xf32, #tpu.memory_space<vmem>> -> memref<112x64xf32, #tpu.memory_space<vmem>>
    %dma_start3A_189 = arith.constant 0 : i32
    %dma_start3A_190 = tpu.memref_slice %arg11[%dma_start3A_185, %dma_start3A_189] : memref<28x112xi32, #tpu.memory_space<vmem>> -> memref<1x112xi32, #tpu.memory_space<vmem>>
    %dma_start3A_191 = tpu.memref_squeeze %dma_start3A_190 : memref<1x112xi32, #tpu.memory_space<vmem>> -> memref<112xi32, #tpu.memory_space<vmem>>
    %dma_start3A_192 = arith.constant 0 : i32
    %dma_start3A_193 = arith.constant 0 : i32
    %dma_start3A_194 = tpu.memref_slice %arg13[%dma_start3A_192, %dma_start3A_193] : memref<16512x64xf32, #tpu.memory_space<vmem_shared>> -> memref<16512x64xf32, #tpu.memory_space<vmem_shared>>
    tpu.enqueue_indirect_dma source(%dma_start3A_188 : memref<112x64xf32, #tpu.memory_space<vmem>>) target(%dma_start3A_194 : memref<16512x64xf32, #tpu.memory_space<vmem_shared>>) offsets(%dma_start3A_191 : memref<112xi32, #tpu.memory_space<vmem>>) semaphore(%arg14 : memref<!tpu.dma_semaphore, #tpu.memory_space<semaphore_mem>>) {add = true}
    %dma_start3A_195 = arith.constant 11 : i32
    %dma_start3A_196 = arith.constant 448 : i32
    %dma_start3A_197 = arith.constant 0 : i32
    %dma_start3A_198 = tpu.memref_slice %arg12[%dma_start3A_196, %dma_start3A_197] : memref<784x64xf32, #tpu.memory_space<vmem>> -> memref<112x64xf32, #tpu.memory_space<vmem>>
    %dma_start3A_199 = arith.constant 0 : i32
    %dma_start3A_200 = tpu.memref_slice %arg11[%dma_start3A_195, %dma_start3A_199] : memref<28x112xi32, #tpu.memory_space<vmem>> -> memref<1x112xi32, #tpu.memory_space<vmem>>
    %dma_start3A_201 = tpu.memref_squeeze %dma_start3A_200 : memref<1x112xi32, #tpu.memory_space<vmem>> -> memref<112xi32, #tpu.memory_space<vmem>>
    %dma_start3A_202 = arith.constant 0 : i32
    %dma_start3A_203 = arith.constant 0 : i32
    %dma_start3A_204 = tpu.memref_slice %arg13[%dma_start3A_202, %dma_start3A_203] : memref<16512x64xf32, #tpu.memory_space<vmem_shared>> -> memref<16512x64xf32, #tpu.memory_space<vmem_shared>>
    tpu.enqueue_indirect_dma source(%dma_start3A_198 : memref<112x64xf32, #tpu.memory_space<vmem>>) target(%dma_start3A_204 : memref<16512x64xf32, #tpu.memory_space<vmem_shared>>) offsets(%dma_start3A_201 : memref<112xi32, #tpu.memory_space<vmem>>) semaphore(%arg14 : memref<!tpu.dma_semaphore, #tpu.memory_space<semaphore_mem>>) {add = true}
    %dma_start3A_205 = arith.constant 12 : i32
    %dma_start3A_206 = arith.constant 560 : i32
    %dma_start3A_207 = arith.constant 0 : i32
    %dma_start3A_208 = tpu.memref_slice %arg12[%dma_start3A_206, %dma_start3A_207] : memref<784x64xf32, #tpu.memory_space<vmem>> -> memref<112x64xf32, #tpu.memory_space<vmem>>
    %dma_start3A_209 = arith.constant 0 : i32
    %dma_start3A_210 = tpu.memref_slice %arg11[%dma_start3A_205, %dma_start3A_209] : memref<28x112xi32, #tpu.memory_space<vmem>> -> memref<1x112xi32, #tpu.memory_space<vmem>>
    %dma_start3A_211 = tpu.memref_squeeze %dma_start3A_210 : memref<1x112xi32, #tpu.memory_space<vmem>> -> memref<112xi32, #tpu.memory_space<vmem>>
    %dma_start3A_212 = arith.constant 0 : i32
    %dma_start3A_213 = arith.constant 0 : i32
    %dma_start3A_214 = tpu.memref_slice %arg13[%dma_start3A_212, %dma_start3A_213] : memref<16512x64xf32, #tpu.memory_space<vmem_shared>> -> memref<16512x64xf32, #tpu.memory_space<vmem_shared>>
    tpu.enqueue_indirect_dma source(%dma_start3A_208 : memref<112x64xf32, #tpu.memory_space<vmem>>) target(%dma_start3A_214 : memref<16512x64xf32, #tpu.memory_space<vmem_shared>>) offsets(%dma_start3A_211 : memref<112xi32, #tpu.memory_space<vmem>>) semaphore(%arg14 : memref<!tpu.dma_semaphore, #tpu.memory_space<semaphore_mem>>) {add = true}
    %dma_start3A_215 = arith.constant 13 : i32
    %dma_start3A_216 = arith.constant 672 : i32
    %dma_start3A_217 = arith.constant 0 : i32
    %dma_start3A_218 = tpu.memref_slice %arg12[%dma_start3A_216, %dma_start3A_217] : memref<784x64xf32, #tpu.memory_space<vmem>> -> memref<112x64xf32, #tpu.memory_space<vmem>>
    %dma_start3A_219 = arith.constant 0 : i32
    %dma_start3A_220 = tpu.memref_slice %arg11[%dma_start3A_215, %dma_start3A_219] : memref<28x112xi32, #tpu.memory_space<vmem>> -> memref<1x112xi32, #tpu.memory_space<vmem>>
    %dma_start3A_221 = tpu.memref_squeeze %dma_start3A_220 : memref<1x112xi32, #tpu.memory_space<vmem>> -> memref<112xi32, #tpu.memory_space<vmem>>
    %dma_start3A_222 = arith.constant 0 : i32
    %dma_start3A_223 = arith.constant 0 : i32
    %dma_start3A_224 = tpu.memref_slice %arg13[%dma_start3A_222, %dma_start3A_223] : memref<16512x64xf32, #tpu.memory_space<vmem_shared>> -> memref<16512x64xf32, #tpu.memory_space<vmem_shared>>
    tpu.enqueue_indirect_dma source(%dma_start3A_218 : memref<112x64xf32, #tpu.memory_space<vmem>>) target(%dma_start3A_224 : memref<16512x64xf32, #tpu.memory_space<vmem_shared>>) offsets(%dma_start3A_221 : memref<112xi32, #tpu.memory_space<vmem>>) semaphore(%arg14 : memref<!tpu.dma_semaphore, #tpu.memory_space<semaphore_mem>>) {add = true}
    %dma_wait3A_225 = arith.constant 7 : i32
    %dma_wait3A_226 = arith.constant 0 : i32
    %dma_wait3A_227 = arith.constant 0 : i32
    %dma_wait3A_228 = tpu.memref_slice %arg12[%dma_wait3A_226, %dma_wait3A_227] : memref<784x64xf32, #tpu.memory_space<vmem>> -> memref<112x64xf32, #tpu.memory_space<vmem>>
    %dma_wait3A_229 = arith.constant 0 : i32
    %dma_wait3A_230 = tpu.memref_slice %arg11[%dma_wait3A_225, %dma_wait3A_229] : memref<28x112xi32, #tpu.memory_space<vmem>> -> memref<1x112xi32, #tpu.memory_space<vmem>>
    %dma_wait3A_231 = tpu.memref_squeeze %dma_wait3A_230 : memref<1x112xi32, #tpu.memory_space<vmem>> -> memref<112xi32, #tpu.memory_space<vmem>>
    %dma_wait3A_232 = arith.constant 0 : i32
    %dma_wait3A_233 = arith.constant 0 : i32
    %dma_wait3A_234 = tpu.memref_slice %arg13[%dma_wait3A_232, %dma_wait3A_233] : memref<16512x64xf32, #tpu.memory_space<vmem_shared>> -> memref<16512x64xf32, #tpu.memory_space<vmem_shared>>
    tpu.wait_indirect_dma semaphore(%arg14 : memref<!tpu.dma_semaphore, #tpu.memory_space<semaphore_mem>>) src(%dma_wait3A_228 : memref<112x64xf32, #tpu.memory_space<vmem>>) dst(%dma_wait3A_234 : memref<16512x64xf32, #tpu.memory_space<vmem_shared>>)
    %dma_wait3A_235 = arith.constant 8 : i32
    %dma_wait3A_236 = arith.constant 112 : i32
    %dma_wait3A_237 = arith.constant 0 : i32
    %dma_wait3A_238 = tpu.memref_slice %arg12[%dma_wait3A_236, %dma_wait3A_237] : memref<784x64xf32, #tpu.memory_space<vmem>> -> memref<112x64xf32, #tpu.memory_space<vmem>>
    %dma_wait3A_239 = arith.constant 0 : i32
    %dma_wait3A_240 = tpu.memref_slice %arg11[%dma_wait3A_235, %dma_wait3A_239] : memref<28x112xi32, #tpu.memory_space<vmem>> -> memref<1x112xi32, #tpu.memory_space<vmem>>
    %dma_wait3A_241 = tpu.memref_squeeze %dma_wait3A_240 : memref<1x112xi32, #tpu.memory_space<vmem>> -> memref<112xi32, #tpu.memory_space<vmem>>
    %dma_wait3A_242 = arith.constant 0 : i32
    %dma_wait3A_243 = arith.constant 0 : i32
    %dma_wait3A_244 = tpu.memref_slice %arg13[%dma_wait3A_242, %dma_wait3A_243] : memref<16512x64xf32, #tpu.memory_space<vmem_shared>> -> memref<16512x64xf32, #tpu.memory_space<vmem_shared>>
    tpu.wait_indirect_dma semaphore(%arg14 : memref<!tpu.dma_semaphore, #tpu.memory_space<semaphore_mem>>) src(%dma_wait3A_238 : memref<112x64xf32, #tpu.memory_space<vmem>>) dst(%dma_wait3A_244 : memref<16512x64xf32, #tpu.memory_space<vmem_shared>>)
    %dma_wait3A_245 = arith.constant 9 : i32
    %dma_wait3A_246 = arith.constant 224 : i32
    %dma_wait3A_247 = arith.constant 0 : i32
    %dma_wait3A_248 = tpu.memref_slice %arg12[%dma_wait3A_246, %dma_wait3A_247] : memref<784x64xf32, #tpu.memory_space<vmem>> -> memref<112x64xf32, #tpu.memory_space<vmem>>
    %dma_wait3A_249 = arith.constant 0 : i32
    %dma_wait3A_250 = tpu.memref_slice %arg11[%dma_wait3A_245, %dma_wait3A_249] : memref<28x112xi32, #tpu.memory_space<vmem>> -> memref<1x112xi32, #tpu.memory_space<vmem>>
    %dma_wait3A_251 = tpu.memref_squeeze %dma_wait3A_250 : memref<1x112xi32, #tpu.memory_space<vmem>> -> memref<112xi32, #tpu.memory_space<vmem>>
    %dma_wait3A_252 = arith.constant 0 : i32
    %dma_wait3A_253 = arith.constant 0 : i32
    %dma_wait3A_254 = tpu.memref_slice %arg13[%dma_wait3A_252, %dma_wait3A_253] : memref<16512x64xf32, #tpu.memory_space<vmem_shared>> -> memref<16512x64xf32, #tpu.memory_space<vmem_shared>>
    tpu.wait_indirect_dma semaphore(%arg14 : memref<!tpu.dma_semaphore, #tpu.memory_space<semaphore_mem>>) src(%dma_wait3A_248 : memref<112x64xf32, #tpu.memory_space<vmem>>) dst(%dma_wait3A_254 : memref<16512x64xf32, #tpu.memory_space<vmem_shared>>)
    %dma_wait3A_255 = arith.constant 10 : i32
    %dma_wait3A_256 = arith.constant 336 : i32
    %dma_wait3A_257 = arith.constant 0 : i32
    %dma_wait3A_258 = tpu.memref_slice %arg12[%dma_wait3A_256, %dma_wait3A_257] : memref<784x64xf32, #tpu.memory_space<vmem>> -> memref<112x64xf32, #tpu.memory_space<vmem>>
    %dma_wait3A_259 = arith.constant 0 : i32
    %dma_wait3A_260 = tpu.memref_slice %arg11[%dma_wait3A_255, %dma_wait3A_259] : memref<28x112xi32, #tpu.memory_space<vmem>> -> memref<1x112xi32, #tpu.memory_space<vmem>>
    %dma_wait3A_261 = tpu.memref_squeeze %dma_wait3A_260 : memref<1x112xi32, #tpu.memory_space<vmem>> -> memref<112xi32, #tpu.memory_space<vmem>>
    %dma_wait3A_262 = arith.constant 0 : i32
    %dma_wait3A_263 = arith.constant 0 : i32
    %dma_wait3A_264 = tpu.memref_slice %arg13[%dma_wait3A_262, %dma_wait3A_263] : memref<16512x64xf32, #tpu.memory_space<vmem_shared>> -> memref<16512x64xf32, #tpu.memory_space<vmem_shared>>
    tpu.wait_indirect_dma semaphore(%arg14 : memref<!tpu.dma_semaphore, #tpu.memory_space<semaphore_mem>>) src(%dma_wait3A_258 : memref<112x64xf32, #tpu.memory_space<vmem>>) dst(%dma_wait3A_264 : memref<16512x64xf32, #tpu.memory_space<vmem_shared>>)
    %dma_wait3A_265 = arith.constant 11 : i32
    %dma_wait3A_266 = arith.constant 448 : i32
    %dma_wait3A_267 = arith.constant 0 : i32
    %dma_wait3A_268 = tpu.memref_slice %arg12[%dma_wait3A_266, %dma_wait3A_267] : memref<784x64xf32, #tpu.memory_space<vmem>> -> memref<112x64xf32, #tpu.memory_space<vmem>>
    %dma_wait3A_269 = arith.constant 0 : i32
    %dma_wait3A_270 = tpu.memref_slice %arg11[%dma_wait3A_265, %dma_wait3A_269] : memref<28x112xi32, #tpu.memory_space<vmem>> -> memref<1x112xi32, #tpu.memory_space<vmem>>
    %dma_wait3A_271 = tpu.memref_squeeze %dma_wait3A_270 : memref<1x112xi32, #tpu.memory_space<vmem>> -> memref<112xi32, #tpu.memory_space<vmem>>
    %dma_wait3A_272 = arith.constant 0 : i32
    %dma_wait3A_273 = arith.constant 0 : i32
    %dma_wait3A_274 = tpu.memref_slice %arg13[%dma_wait3A_272, %dma_wait3A_273] : memref<16512x64xf32, #tpu.memory_space<vmem_shared>> -> memref<16512x64xf32, #tpu.memory_space<vmem_shared>>
    tpu.wait_indirect_dma semaphore(%arg14 : memref<!tpu.dma_semaphore, #tpu.memory_space<semaphore_mem>>) src(%dma_wait3A_268 : memref<112x64xf32, #tpu.memory_space<vmem>>) dst(%dma_wait3A_274 : memref<16512x64xf32, #tpu.memory_space<vmem_shared>>)
    %dma_wait3A_275 = arith.constant 12 : i32
    %dma_wait3A_276 = arith.constant 560 : i32
    %dma_wait3A_277 = arith.constant 0 : i32
    %dma_wait3A_278 = tpu.memref_slice %arg12[%dma_wait3A_276, %dma_wait3A_277] : memref<784x64xf32, #tpu.memory_space<vmem>> -> memref<112x64xf32, #tpu.memory_space<vmem>>
    %dma_wait3A_279 = arith.constant 0 : i32
    %dma_wait3A_280 = tpu.memref_slice %arg11[%dma_wait3A_275, %dma_wait3A_279] : memref<28x112xi32, #tpu.memory_space<vmem>> -> memref<1x112xi32, #tpu.memory_space<vmem>>
    %dma_wait3A_281 = tpu.memref_squeeze %dma_wait3A_280 : memref<1x112xi32, #tpu.memory_space<vmem>> -> memref<112xi32, #tpu.memory_space<vmem>>
    %dma_wait3A_282 = arith.constant 0 : i32
    %dma_wait3A_283 = arith.constant 0 : i32
    %dma_wait3A_284 = tpu.memref_slice %arg13[%dma_wait3A_282, %dma_wait3A_283] : memref<16512x64xf32, #tpu.memory_space<vmem_shared>> -> memref<16512x64xf32, #tpu.memory_space<vmem_shared>>
    tpu.wait_indirect_dma semaphore(%arg14 : memref<!tpu.dma_semaphore, #tpu.memory_space<semaphore_mem>>) src(%dma_wait3A_278 : memref<112x64xf32, #tpu.memory_space<vmem>>) dst(%dma_wait3A_284 : memref<16512x64xf32, #tpu.memory_space<vmem_shared>>)
    %dma_wait3A_285 = arith.constant 13 : i32
    %dma_wait3A_286 = arith.constant 672 : i32
    %dma_wait3A_287 = arith.constant 0 : i32
    %dma_wait3A_288 = tpu.memref_slice %arg12[%dma_wait3A_286, %dma_wait3A_287] : memref<784x64xf32, #tpu.memory_space<vmem>> -> memref<112x64xf32, #tpu.memory_space<vmem>>
    %dma_wait3A_289 = arith.constant 0 : i32
    %dma_wait3A_290 = tpu.memref_slice %arg11[%dma_wait3A_285, %dma_wait3A_289] : memref<28x112xi32, #tpu.memory_space<vmem>> -> memref<1x112xi32, #tpu.memory_space<vmem>>
    %dma_wait3A_291 = tpu.memref_squeeze %dma_wait3A_290 : memref<1x112xi32, #tpu.memory_space<vmem>> -> memref<112xi32, #tpu.memory_space<vmem>>
    %dma_wait3A_292 = arith.constant 0 : i32
    %dma_wait3A_293 = arith.constant 0 : i32
    %dma_wait3A_294 = tpu.memref_slice %arg13[%dma_wait3A_292, %dma_wait3A_293] : memref<16512x64xf32, #tpu.memory_space<vmem_shared>> -> memref<16512x64xf32, #tpu.memory_space<vmem_shared>>
    tpu.wait_indirect_dma semaphore(%arg14 : memref<!tpu.dma_semaphore, #tpu.memory_space<semaphore_mem>>) src(%dma_wait3A_288 : memref<112x64xf32, #tpu.memory_space<vmem>>) dst(%dma_wait3A_294 : memref<16512x64xf32, #tpu.memory_space<vmem_shared>>)
    %mul3A_295 = arith.constant 3136 : i32
    %mul3A_296 = arith.muli %arg1, %mul3A_295 : i32
    %add3A_297 = arith.constant 1568 : i32
    %add3A_298 = arith.addi %mul3A_296, %add3A_297 : i32
    "tpu.region"() ({
      %run_scoped3A = tpu.sem_alloc : memref<!tpu.dma_semaphore, #tpu.memory_space<semaphore_mem>>
      %dma_start3A_591 = arith.constant 0 : i32
      %dma_start3A_592 = tpu.memref_slice %arg2[%add3A_298, %dma_start3A_591] : memref<50176x64xf32, #tpu.memory_space<hbm>> -> memref<784x64xf32, #tpu.memory_space<hbm>>
      %dma_start3A_593 = arith.constant 0 : i32
      %dma_start3A_594 = tpu.memref_slice %arg2[%add3A_298, %dma_start3A_593] : memref<50176x64xf32, #tpu.memory_space<hbm>> -> memref<784x64xf32, #tpu.memory_space<hbm>>
      tpu.enqueue_dma source(%dma_start3A_594 : memref<784x64xf32, #tpu.memory_space<hbm>>) target(%arg12 : memref<784x64xf32, #tpu.memory_space<vmem>>) target_semaphore(%run_scoped3A : memref<!tpu.dma_semaphore, #tpu.memory_space<semaphore_mem>>)
      %dma_wait3A_595 = arith.constant 0 : i32
      %dma_wait3A_596 = tpu.memref_slice %arg2[%add3A_298, %dma_wait3A_595] : memref<50176x64xf32, #tpu.memory_space<hbm>> -> memref<784x64xf32, #tpu.memory_space<hbm>>
      %dma_wait3A_597 = arith.constant 0 : i32
      %dma_wait3A_598 = tpu.memref_slice %arg2[%add3A_298, %dma_wait3A_597] : memref<50176x64xf32, #tpu.memory_space<hbm>> -> memref<784x64xf32, #tpu.memory_space<hbm>>
      tpu.wait_dma2 semaphore(%run_scoped3A : memref<!tpu.dma_semaphore, #tpu.memory_space<semaphore_mem>>) src(%dma_wait3A_598 : memref<784x64xf32, #tpu.memory_space<hbm>>) dst(%arg12 : memref<784x64xf32, #tpu.memory_space<vmem>>)
      tpu.yield
    }) : () -> ()
    %dma_start3A_299 = arith.constant 14 : i32
    %dma_start3A_300 = arith.constant 0 : i32
    %dma_start3A_301 = arith.constant 0 : i32
    %dma_start3A_302 = tpu.memref_slice %arg12[%dma_start3A_300, %dma_start3A_301] : memref<784x64xf32, #tpu.memory_space<vmem>> -> memref<112x64xf32, #tpu.memory_space<vmem>>
    %dma_start3A_303 = arith.constant 0 : i32
    %dma_start3A_304 = tpu.memref_slice %arg11[%dma_start3A_299, %dma_start3A_303] : memref<28x112xi32, #tpu.memory_space<vmem>> -> memref<1x112xi32, #tpu.memory_space<vmem>>
    %dma_start3A_305 = tpu.memref_squeeze %dma_start3A_304 : memref<1x112xi32, #tpu.memory_space<vmem>> -> memref<112xi32, #tpu.memory_space<vmem>>
    %dma_start3A_306 = arith.constant 0 : i32
    %dma_start3A_307 = arith.constant 0 : i32
    %dma_start3A_308 = tpu.memref_slice %arg13[%dma_start3A_306, %dma_start3A_307] : memref<16512x64xf32, #tpu.memory_space<vmem_shared>> -> memref<16512x64xf32, #tpu.memory_space<vmem_shared>>
    tpu.enqueue_indirect_dma source(%dma_start3A_302 : memref<112x64xf32, #tpu.memory_space<vmem>>) target(%dma_start3A_308 : memref<16512x64xf32, #tpu.memory_space<vmem_shared>>) offsets(%dma_start3A_305 : memref<112xi32, #tpu.memory_space<vmem>>) semaphore(%arg14 : memref<!tpu.dma_semaphore, #tpu.memory_space<semaphore_mem>>) {add = true}
    %dma_start3A_309 = arith.constant 15 : i32
    %dma_start3A_310 = arith.constant 112 : i32
    %dma_start3A_311 = arith.constant 0 : i32
    %dma_start3A_312 = tpu.memref_slice %arg12[%dma_start3A_310, %dma_start3A_311] : memref<784x64xf32, #tpu.memory_space<vmem>> -> memref<112x64xf32, #tpu.memory_space<vmem>>
    %dma_start3A_313 = arith.constant 0 : i32
    %dma_start3A_314 = tpu.memref_slice %arg11[%dma_start3A_309, %dma_start3A_313] : memref<28x112xi32, #tpu.memory_space<vmem>> -> memref<1x112xi32, #tpu.memory_space<vmem>>
    %dma_start3A_315 = tpu.memref_squeeze %dma_start3A_314 : memref<1x112xi32, #tpu.memory_space<vmem>> -> memref<112xi32, #tpu.memory_space<vmem>>
    %dma_start3A_316 = arith.constant 0 : i32
    %dma_start3A_317 = arith.constant 0 : i32
    %dma_start3A_318 = tpu.memref_slice %arg13[%dma_start3A_316, %dma_start3A_317] : memref<16512x64xf32, #tpu.memory_space<vmem_shared>> -> memref<16512x64xf32, #tpu.memory_space<vmem_shared>>
    tpu.enqueue_indirect_dma source(%dma_start3A_312 : memref<112x64xf32, #tpu.memory_space<vmem>>) target(%dma_start3A_318 : memref<16512x64xf32, #tpu.memory_space<vmem_shared>>) offsets(%dma_start3A_315 : memref<112xi32, #tpu.memory_space<vmem>>) semaphore(%arg14 : memref<!tpu.dma_semaphore, #tpu.memory_space<semaphore_mem>>) {add = true}
    %dma_start3A_319 = arith.constant 16 : i32
    %dma_start3A_320 = arith.constant 224 : i32
    %dma_start3A_321 = arith.constant 0 : i32
    %dma_start3A_322 = tpu.memref_slice %arg12[%dma_start3A_320, %dma_start3A_321] : memref<784x64xf32, #tpu.memory_space<vmem>> -> memref<112x64xf32, #tpu.memory_space<vmem>>
    %dma_start3A_323 = arith.constant 0 : i32
    %dma_start3A_324 = tpu.memref_slice %arg11[%dma_start3A_319, %dma_start3A_323] : memref<28x112xi32, #tpu.memory_space<vmem>> -> memref<1x112xi32, #tpu.memory_space<vmem>>
    %dma_start3A_325 = tpu.memref_squeeze %dma_start3A_324 : memref<1x112xi32, #tpu.memory_space<vmem>> -> memref<112xi32, #tpu.memory_space<vmem>>
    %dma_start3A_326 = arith.constant 0 : i32
    %dma_start3A_327 = arith.constant 0 : i32
    %dma_start3A_328 = tpu.memref_slice %arg13[%dma_start3A_326, %dma_start3A_327] : memref<16512x64xf32, #tpu.memory_space<vmem_shared>> -> memref<16512x64xf32, #tpu.memory_space<vmem_shared>>
    tpu.enqueue_indirect_dma source(%dma_start3A_322 : memref<112x64xf32, #tpu.memory_space<vmem>>) target(%dma_start3A_328 : memref<16512x64xf32, #tpu.memory_space<vmem_shared>>) offsets(%dma_start3A_325 : memref<112xi32, #tpu.memory_space<vmem>>) semaphore(%arg14 : memref<!tpu.dma_semaphore, #tpu.memory_space<semaphore_mem>>) {add = true}
    %dma_start3A_329 = arith.constant 17 : i32
    %dma_start3A_330 = arith.constant 336 : i32
    %dma_start3A_331 = arith.constant 0 : i32
    %dma_start3A_332 = tpu.memref_slice %arg12[%dma_start3A_330, %dma_start3A_331] : memref<784x64xf32, #tpu.memory_space<vmem>> -> memref<112x64xf32, #tpu.memory_space<vmem>>
    %dma_start3A_333 = arith.constant 0 : i32
    %dma_start3A_334 = tpu.memref_slice %arg11[%dma_start3A_329, %dma_start3A_333] : memref<28x112xi32, #tpu.memory_space<vmem>> -> memref<1x112xi32, #tpu.memory_space<vmem>>
    %dma_start3A_335 = tpu.memref_squeeze %dma_start3A_334 : memref<1x112xi32, #tpu.memory_space<vmem>> -> memref<112xi32, #tpu.memory_space<vmem>>
    %dma_start3A_336 = arith.constant 0 : i32
    %dma_start3A_337 = arith.constant 0 : i32
    %dma_start3A_338 = tpu.memref_slice %arg13[%dma_start3A_336, %dma_start3A_337] : memref<16512x64xf32, #tpu.memory_space<vmem_shared>> -> memref<16512x64xf32, #tpu.memory_space<vmem_shared>>
    tpu.enqueue_indirect_dma source(%dma_start3A_332 : memref<112x64xf32, #tpu.memory_space<vmem>>) target(%dma_start3A_338 : memref<16512x64xf32, #tpu.memory_space<vmem_shared>>) offsets(%dma_start3A_335 : memref<112xi32, #tpu.memory_space<vmem>>) semaphore(%arg14 : memref<!tpu.dma_semaphore, #tpu.memory_space<semaphore_mem>>) {add = true}
    %dma_start3A_339 = arith.constant 18 : i32
    %dma_start3A_340 = arith.constant 448 : i32
    %dma_start3A_341 = arith.constant 0 : i32
    %dma_start3A_342 = tpu.memref_slice %arg12[%dma_start3A_340, %dma_start3A_341] : memref<784x64xf32, #tpu.memory_space<vmem>> -> memref<112x64xf32, #tpu.memory_space<vmem>>
    %dma_start3A_343 = arith.constant 0 : i32
    %dma_start3A_344 = tpu.memref_slice %arg11[%dma_start3A_339, %dma_start3A_343] : memref<28x112xi32, #tpu.memory_space<vmem>> -> memref<1x112xi32, #tpu.memory_space<vmem>>
    %dma_start3A_345 = tpu.memref_squeeze %dma_start3A_344 : memref<1x112xi32, #tpu.memory_space<vmem>> -> memref<112xi32, #tpu.memory_space<vmem>>
    %dma_start3A_346 = arith.constant 0 : i32
    %dma_start3A_347 = arith.constant 0 : i32
    %dma_start3A_348 = tpu.memref_slice %arg13[%dma_start3A_346, %dma_start3A_347] : memref<16512x64xf32, #tpu.memory_space<vmem_shared>> -> memref<16512x64xf32, #tpu.memory_space<vmem_shared>>
    tpu.enqueue_indirect_dma source(%dma_start3A_342 : memref<112x64xf32, #tpu.memory_space<vmem>>) target(%dma_start3A_348 : memref<16512x64xf32, #tpu.memory_space<vmem_shared>>) offsets(%dma_start3A_345 : memref<112xi32, #tpu.memory_space<vmem>>) semaphore(%arg14 : memref<!tpu.dma_semaphore, #tpu.memory_space<semaphore_mem>>) {add = true}
    %dma_start3A_349 = arith.constant 19 : i32
    %dma_start3A_350 = arith.constant 560 : i32
    %dma_start3A_351 = arith.constant 0 : i32
    %dma_start3A_352 = tpu.memref_slice %arg12[%dma_start3A_350, %dma_start3A_351] : memref<784x64xf32, #tpu.memory_space<vmem>> -> memref<112x64xf32, #tpu.memory_space<vmem>>
    %dma_start3A_353 = arith.constant 0 : i32
    %dma_start3A_354 = tpu.memref_slice %arg11[%dma_start3A_349, %dma_start3A_353] : memref<28x112xi32, #tpu.memory_space<vmem>> -> memref<1x112xi32, #tpu.memory_space<vmem>>
    %dma_start3A_355 = tpu.memref_squeeze %dma_start3A_354 : memref<1x112xi32, #tpu.memory_space<vmem>> -> memref<112xi32, #tpu.memory_space<vmem>>
    %dma_start3A_356 = arith.constant 0 : i32
    %dma_start3A_357 = arith.constant 0 : i32
    %dma_start3A_358 = tpu.memref_slice %arg13[%dma_start3A_356, %dma_start3A_357] : memref<16512x64xf32, #tpu.memory_space<vmem_shared>> -> memref<16512x64xf32, #tpu.memory_space<vmem_shared>>
    tpu.enqueue_indirect_dma source(%dma_start3A_352 : memref<112x64xf32, #tpu.memory_space<vmem>>) target(%dma_start3A_358 : memref<16512x64xf32, #tpu.memory_space<vmem_shared>>) offsets(%dma_start3A_355 : memref<112xi32, #tpu.memory_space<vmem>>) semaphore(%arg14 : memref<!tpu.dma_semaphore, #tpu.memory_space<semaphore_mem>>) {add = true}
    %dma_start3A_359 = arith.constant 20 : i32
    %dma_start3A_360 = arith.constant 672 : i32
    %dma_start3A_361 = arith.constant 0 : i32
    %dma_start3A_362 = tpu.memref_slice %arg12[%dma_start3A_360, %dma_start3A_361] : memref<784x64xf32, #tpu.memory_space<vmem>> -> memref<112x64xf32, #tpu.memory_space<vmem>>
    %dma_start3A_363 = arith.constant 0 : i32
    %dma_start3A_364 = tpu.memref_slice %arg11[%dma_start3A_359, %dma_start3A_363] : memref<28x112xi32, #tpu.memory_space<vmem>> -> memref<1x112xi32, #tpu.memory_space<vmem>>
    %dma_start3A_365 = tpu.memref_squeeze %dma_start3A_364 : memref<1x112xi32, #tpu.memory_space<vmem>> -> memref<112xi32, #tpu.memory_space<vmem>>
    %dma_start3A_366 = arith.constant 0 : i32
    %dma_start3A_367 = arith.constant 0 : i32
    %dma_start3A_368 = tpu.memref_slice %arg13[%dma_start3A_366, %dma_start3A_367] : memref<16512x64xf32, #tpu.memory_space<vmem_shared>> -> memref<16512x64xf32, #tpu.memory_space<vmem_shared>>
    tpu.enqueue_indirect_dma source(%dma_start3A_362 : memref<112x64xf32, #tpu.memory_space<vmem>>) target(%dma_start3A_368 : memref<16512x64xf32, #tpu.memory_space<vmem_shared>>) offsets(%dma_start3A_365 : memref<112xi32, #tpu.memory_space<vmem>>) semaphore(%arg14 : memref<!tpu.dma_semaphore, #tpu.memory_space<semaphore_mem>>) {add = true}
    %dma_wait3A_369 = arith.constant 14 : i32
    %dma_wait3A_370 = arith.constant 0 : i32
    %dma_wait3A_371 = arith.constant 0 : i32
    %dma_wait3A_372 = tpu.memref_slice %arg12[%dma_wait3A_370, %dma_wait3A_371] : memref<784x64xf32, #tpu.memory_space<vmem>> -> memref<112x64xf32, #tpu.memory_space<vmem>>
    %dma_wait3A_373 = arith.constant 0 : i32
    %dma_wait3A_374 = tpu.memref_slice %arg11[%dma_wait3A_369, %dma_wait3A_373] : memref<28x112xi32, #tpu.memory_space<vmem>> -> memref<1x112xi32, #tpu.memory_space<vmem>>
    %dma_wait3A_375 = tpu.memref_squeeze %dma_wait3A_374 : memref<1x112xi32, #tpu.memory_space<vmem>> -> memref<112xi32, #tpu.memory_space<vmem>>
    %dma_wait3A_376 = arith.constant 0 : i32
    %dma_wait3A_377 = arith.constant 0 : i32
    %dma_wait3A_378 = tpu.memref_slice %arg13[%dma_wait3A_376, %dma_wait3A_377] : memref<16512x64xf32, #tpu.memory_space<vmem_shared>> -> memref<16512x64xf32, #tpu.memory_space<vmem_shared>>
    tpu.wait_indirect_dma semaphore(%arg14 : memref<!tpu.dma_semaphore, #tpu.memory_space<semaphore_mem>>) src(%dma_wait3A_372 : memref<112x64xf32, #tpu.memory_space<vmem>>) dst(%dma_wait3A_378 : memref<16512x64xf32, #tpu.memory_space<vmem_shared>>)
    %dma_wait3A_379 = arith.constant 15 : i32
    %dma_wait3A_380 = arith.constant 112 : i32
    %dma_wait3A_381 = arith.constant 0 : i32
    %dma_wait3A_382 = tpu.memref_slice %arg12[%dma_wait3A_380, %dma_wait3A_381] : memref<784x64xf32, #tpu.memory_space<vmem>> -> memref<112x64xf32, #tpu.memory_space<vmem>>
    %dma_wait3A_383 = arith.constant 0 : i32
    %dma_wait3A_384 = tpu.memref_slice %arg11[%dma_wait3A_379, %dma_wait3A_383] : memref<28x112xi32, #tpu.memory_space<vmem>> -> memref<1x112xi32, #tpu.memory_space<vmem>>
    %dma_wait3A_385 = tpu.memref_squeeze %dma_wait3A_384 : memref<1x112xi32, #tpu.memory_space<vmem>> -> memref<112xi32, #tpu.memory_space<vmem>>
    %dma_wait3A_386 = arith.constant 0 : i32
    %dma_wait3A_387 = arith.constant 0 : i32
    %dma_wait3A_388 = tpu.memref_slice %arg13[%dma_wait3A_386, %dma_wait3A_387] : memref<16512x64xf32, #tpu.memory_space<vmem_shared>> -> memref<16512x64xf32, #tpu.memory_space<vmem_shared>>
    tpu.wait_indirect_dma semaphore(%arg14 : memref<!tpu.dma_semaphore, #tpu.memory_space<semaphore_mem>>) src(%dma_wait3A_382 : memref<112x64xf32, #tpu.memory_space<vmem>>) dst(%dma_wait3A_388 : memref<16512x64xf32, #tpu.memory_space<vmem_shared>>)
    %dma_wait3A_389 = arith.constant 16 : i32
    %dma_wait3A_390 = arith.constant 224 : i32
    %dma_wait3A_391 = arith.constant 0 : i32
    %dma_wait3A_392 = tpu.memref_slice %arg12[%dma_wait3A_390, %dma_wait3A_391] : memref<784x64xf32, #tpu.memory_space<vmem>> -> memref<112x64xf32, #tpu.memory_space<vmem>>
    %dma_wait3A_393 = arith.constant 0 : i32
    %dma_wait3A_394 = tpu.memref_slice %arg11[%dma_wait3A_389, %dma_wait3A_393] : memref<28x112xi32, #tpu.memory_space<vmem>> -> memref<1x112xi32, #tpu.memory_space<vmem>>
    %dma_wait3A_395 = tpu.memref_squeeze %dma_wait3A_394 : memref<1x112xi32, #tpu.memory_space<vmem>> -> memref<112xi32, #tpu.memory_space<vmem>>
    %dma_wait3A_396 = arith.constant 0 : i32
    %dma_wait3A_397 = arith.constant 0 : i32
    %dma_wait3A_398 = tpu.memref_slice %arg13[%dma_wait3A_396, %dma_wait3A_397] : memref<16512x64xf32, #tpu.memory_space<vmem_shared>> -> memref<16512x64xf32, #tpu.memory_space<vmem_shared>>
    tpu.wait_indirect_dma semaphore(%arg14 : memref<!tpu.dma_semaphore, #tpu.memory_space<semaphore_mem>>) src(%dma_wait3A_392 : memref<112x64xf32, #tpu.memory_space<vmem>>) dst(%dma_wait3A_398 : memref<16512x64xf32, #tpu.memory_space<vmem_shared>>)
    %dma_wait3A_399 = arith.constant 17 : i32
    %dma_wait3A_400 = arith.constant 336 : i32
    %dma_wait3A_401 = arith.constant 0 : i32
    %dma_wait3A_402 = tpu.memref_slice %arg12[%dma_wait3A_400, %dma_wait3A_401] : memref<784x64xf32, #tpu.memory_space<vmem>> -> memref<112x64xf32, #tpu.memory_space<vmem>>
    %dma_wait3A_403 = arith.constant 0 : i32
    %dma_wait3A_404 = tpu.memref_slice %arg11[%dma_wait3A_399, %dma_wait3A_403] : memref<28x112xi32, #tpu.memory_space<vmem>> -> memref<1x112xi32, #tpu.memory_space<vmem>>
    %dma_wait3A_405 = tpu.memref_squeeze %dma_wait3A_404 : memref<1x112xi32, #tpu.memory_space<vmem>> -> memref<112xi32, #tpu.memory_space<vmem>>
    %dma_wait3A_406 = arith.constant 0 : i32
    %dma_wait3A_407 = arith.constant 0 : i32
    %dma_wait3A_408 = tpu.memref_slice %arg13[%dma_wait3A_406, %dma_wait3A_407] : memref<16512x64xf32, #tpu.memory_space<vmem_shared>> -> memref<16512x64xf32, #tpu.memory_space<vmem_shared>>
    tpu.wait_indirect_dma semaphore(%arg14 : memref<!tpu.dma_semaphore, #tpu.memory_space<semaphore_mem>>) src(%dma_wait3A_402 : memref<112x64xf32, #tpu.memory_space<vmem>>) dst(%dma_wait3A_408 : memref<16512x64xf32, #tpu.memory_space<vmem_shared>>)
    %dma_wait3A_409 = arith.constant 18 : i32
    %dma_wait3A_410 = arith.constant 448 : i32
    %dma_wait3A_411 = arith.constant 0 : i32
    %dma_wait3A_412 = tpu.memref_slice %arg12[%dma_wait3A_410, %dma_wait3A_411] : memref<784x64xf32, #tpu.memory_space<vmem>> -> memref<112x64xf32, #tpu.memory_space<vmem>>
    %dma_wait3A_413 = arith.constant 0 : i32
    %dma_wait3A_414 = tpu.memref_slice %arg11[%dma_wait3A_409, %dma_wait3A_413] : memref<28x112xi32, #tpu.memory_space<vmem>> -> memref<1x112xi32, #tpu.memory_space<vmem>>
    %dma_wait3A_415 = tpu.memref_squeeze %dma_wait3A_414 : memref<1x112xi32, #tpu.memory_space<vmem>> -> memref<112xi32, #tpu.memory_space<vmem>>
    %dma_wait3A_416 = arith.constant 0 : i32
    %dma_wait3A_417 = arith.constant 0 : i32
    %dma_wait3A_418 = tpu.memref_slice %arg13[%dma_wait3A_416, %dma_wait3A_417] : memref<16512x64xf32, #tpu.memory_space<vmem_shared>> -> memref<16512x64xf32, #tpu.memory_space<vmem_shared>>
    tpu.wait_indirect_dma semaphore(%arg14 : memref<!tpu.dma_semaphore, #tpu.memory_space<semaphore_mem>>) src(%dma_wait3A_412 : memref<112x64xf32, #tpu.memory_space<vmem>>) dst(%dma_wait3A_418 : memref<16512x64xf32, #tpu.memory_space<vmem_shared>>)
    %dma_wait3A_419 = arith.constant 19 : i32
    %dma_wait3A_420 = arith.constant 560 : i32
    %dma_wait3A_421 = arith.constant 0 : i32
    %dma_wait3A_422 = tpu.memref_slice %arg12[%dma_wait3A_420, %dma_wait3A_421] : memref<784x64xf32, #tpu.memory_space<vmem>> -> memref<112x64xf32, #tpu.memory_space<vmem>>
    %dma_wait3A_423 = arith.constant 0 : i32
    %dma_wait3A_424 = tpu.memref_slice %arg11[%dma_wait3A_419, %dma_wait3A_423] : memref<28x112xi32, #tpu.memory_space<vmem>> -> memref<1x112xi32, #tpu.memory_space<vmem>>
    %dma_wait3A_425 = tpu.memref_squeeze %dma_wait3A_424 : memref<1x112xi32, #tpu.memory_space<vmem>> -> memref<112xi32, #tpu.memory_space<vmem>>
    %dma_wait3A_426 = arith.constant 0 : i32
    %dma_wait3A_427 = arith.constant 0 : i32
    %dma_wait3A_428 = tpu.memref_slice %arg13[%dma_wait3A_426, %dma_wait3A_427] : memref<16512x64xf32, #tpu.memory_space<vmem_shared>> -> memref<16512x64xf32, #tpu.memory_space<vmem_shared>>
    tpu.wait_indirect_dma semaphore(%arg14 : memref<!tpu.dma_semaphore, #tpu.memory_space<semaphore_mem>>) src(%dma_wait3A_422 : memref<112x64xf32, #tpu.memory_space<vmem>>) dst(%dma_wait3A_428 : memref<16512x64xf32, #tpu.memory_space<vmem_shared>>)
    %dma_wait3A_429 = arith.constant 20 : i32
    %dma_wait3A_430 = arith.constant 672 : i32
    %dma_wait3A_431 = arith.constant 0 : i32
    %dma_wait3A_432 = tpu.memref_slice %arg12[%dma_wait3A_430, %dma_wait3A_431] : memref<784x64xf32, #tpu.memory_space<vmem>> -> memref<112x64xf32, #tpu.memory_space<vmem>>
    %dma_wait3A_433 = arith.constant 0 : i32
    %dma_wait3A_434 = tpu.memref_slice %arg11[%dma_wait3A_429, %dma_wait3A_433] : memref<28x112xi32, #tpu.memory_space<vmem>> -> memref<1x112xi32, #tpu.memory_space<vmem>>
    %dma_wait3A_435 = tpu.memref_squeeze %dma_wait3A_434 : memref<1x112xi32, #tpu.memory_space<vmem>> -> memref<112xi32, #tpu.memory_space<vmem>>
    %dma_wait3A_436 = arith.constant 0 : i32
    %dma_wait3A_437 = arith.constant 0 : i32
    %dma_wait3A_438 = tpu.memref_slice %arg13[%dma_wait3A_436, %dma_wait3A_437] : memref<16512x64xf32, #tpu.memory_space<vmem_shared>> -> memref<16512x64xf32, #tpu.memory_space<vmem_shared>>
    tpu.wait_indirect_dma semaphore(%arg14 : memref<!tpu.dma_semaphore, #tpu.memory_space<semaphore_mem>>) src(%dma_wait3A_432 : memref<112x64xf32, #tpu.memory_space<vmem>>) dst(%dma_wait3A_438 : memref<16512x64xf32, #tpu.memory_space<vmem_shared>>)
    %mul3A_439 = arith.constant 3136 : i32
    %mul3A_440 = arith.muli %arg1, %mul3A_439 : i32
    %add3A_441 = arith.constant 2352 : i32
    %add3A_442 = arith.addi %mul3A_440, %add3A_441 : i32
    "tpu.region"() ({
      %run_scoped3A = tpu.sem_alloc : memref<!tpu.dma_semaphore, #tpu.memory_space<semaphore_mem>>
      %dma_start3A_591 = arith.constant 0 : i32
      %dma_start3A_592 = tpu.memref_slice %arg2[%add3A_442, %dma_start3A_591] : memref<50176x64xf32, #tpu.memory_space<hbm>> -> memref<784x64xf32, #tpu.memory_space<hbm>>
      %dma_start3A_593 = arith.constant 0 : i32
      %dma_start3A_594 = tpu.memref_slice %arg2[%add3A_442, %dma_start3A_593] : memref<50176x64xf32, #tpu.memory_space<hbm>> -> memref<784x64xf32, #tpu.memory_space<hbm>>
      tpu.enqueue_dma source(%dma_start3A_594 : memref<784x64xf32, #tpu.memory_space<hbm>>) target(%arg12 : memref<784x64xf32, #tpu.memory_space<vmem>>) target_semaphore(%run_scoped3A : memref<!tpu.dma_semaphore, #tpu.memory_space<semaphore_mem>>)
      %dma_wait3A_595 = arith.constant 0 : i32
      %dma_wait3A_596 = tpu.memref_slice %arg2[%add3A_442, %dma_wait3A_595] : memref<50176x64xf32, #tpu.memory_space<hbm>> -> memref<784x64xf32, #tpu.memory_space<hbm>>
      %dma_wait3A_597 = arith.constant 0 : i32
      %dma_wait3A_598 = tpu.memref_slice %arg2[%add3A_442, %dma_wait3A_597] : memref<50176x64xf32, #tpu.memory_space<hbm>> -> memref<784x64xf32, #tpu.memory_space<hbm>>
      tpu.wait_dma2 semaphore(%run_scoped3A : memref<!tpu.dma_semaphore, #tpu.memory_space<semaphore_mem>>) src(%dma_wait3A_598 : memref<784x64xf32, #tpu.memory_space<hbm>>) dst(%arg12 : memref<784x64xf32, #tpu.memory_space<vmem>>)
      tpu.yield
    }) : () -> ()
    %dma_start3A_443 = arith.constant 21 : i32
    %dma_start3A_444 = arith.constant 0 : i32
    %dma_start3A_445 = arith.constant 0 : i32
    %dma_start3A_446 = tpu.memref_slice %arg12[%dma_start3A_444, %dma_start3A_445] : memref<784x64xf32, #tpu.memory_space<vmem>> -> memref<112x64xf32, #tpu.memory_space<vmem>>
    %dma_start3A_447 = arith.constant 0 : i32
    %dma_start3A_448 = tpu.memref_slice %arg11[%dma_start3A_443, %dma_start3A_447] : memref<28x112xi32, #tpu.memory_space<vmem>> -> memref<1x112xi32, #tpu.memory_space<vmem>>
    %dma_start3A_449 = tpu.memref_squeeze %dma_start3A_448 : memref<1x112xi32, #tpu.memory_space<vmem>> -> memref<112xi32, #tpu.memory_space<vmem>>
    %dma_start3A_450 = arith.constant 0 : i32
    %dma_start3A_451 = arith.constant 0 : i32
    %dma_start3A_452 = tpu.memref_slice %arg13[%dma_start3A_450, %dma_start3A_451] : memref<16512x64xf32, #tpu.memory_space<vmem_shared>> -> memref<16512x64xf32, #tpu.memory_space<vmem_shared>>
    tpu.enqueue_indirect_dma source(%dma_start3A_446 : memref<112x64xf32, #tpu.memory_space<vmem>>) target(%dma_start3A_452 : memref<16512x64xf32, #tpu.memory_space<vmem_shared>>) offsets(%dma_start3A_449 : memref<112xi32, #tpu.memory_space<vmem>>) semaphore(%arg14 : memref<!tpu.dma_semaphore, #tpu.memory_space<semaphore_mem>>) {add = true}
    %dma_start3A_453 = arith.constant 22 : i32
    %dma_start3A_454 = arith.constant 112 : i32
    %dma_start3A_455 = arith.constant 0 : i32
    %dma_start3A_456 = tpu.memref_slice %arg12[%dma_start3A_454, %dma_start3A_455] : memref<784x64xf32, #tpu.memory_space<vmem>> -> memref<112x64xf32, #tpu.memory_space<vmem>>
    %dma_start3A_457 = arith.constant 0 : i32
    %dma_start3A_458 = tpu.memref_slice %arg11[%dma_start3A_453, %dma_start3A_457] : memref<28x112xi32, #tpu.memory_space<vmem>> -> memref<1x112xi32, #tpu.memory_space<vmem>>
    %dma_start3A_459 = tpu.memref_squeeze %dma_start3A_458 : memref<1x112xi32, #tpu.memory_space<vmem>> -> memref<112xi32, #tpu.memory_space<vmem>>
    %dma_start3A_460 = arith.constant 0 : i32
    %dma_start3A_461 = arith.constant 0 : i32
    %dma_start3A_462 = tpu.memref_slice %arg13[%dma_start3A_460, %dma_start3A_461] : memref<16512x64xf32, #tpu.memory_space<vmem_shared>> -> memref<16512x64xf32, #tpu.memory_space<vmem_shared>>
    tpu.enqueue_indirect_dma source(%dma_start3A_456 : memref<112x64xf32, #tpu.memory_space<vmem>>) target(%dma_start3A_462 : memref<16512x64xf32, #tpu.memory_space<vmem_shared>>) offsets(%dma_start3A_459 : memref<112xi32, #tpu.memory_space<vmem>>) semaphore(%arg14 : memref<!tpu.dma_semaphore, #tpu.memory_space<semaphore_mem>>) {add = true}
    %dma_start3A_463 = arith.constant 23 : i32
    %dma_start3A_464 = arith.constant 224 : i32
    %dma_start3A_465 = arith.constant 0 : i32
    %dma_start3A_466 = tpu.memref_slice %arg12[%dma_start3A_464, %dma_start3A_465] : memref<784x64xf32, #tpu.memory_space<vmem>> -> memref<112x64xf32, #tpu.memory_space<vmem>>
    %dma_start3A_467 = arith.constant 0 : i32
    %dma_start3A_468 = tpu.memref_slice %arg11[%dma_start3A_463, %dma_start3A_467] : memref<28x112xi32, #tpu.memory_space<vmem>> -> memref<1x112xi32, #tpu.memory_space<vmem>>
    %dma_start3A_469 = tpu.memref_squeeze %dma_start3A_468 : memref<1x112xi32, #tpu.memory_space<vmem>> -> memref<112xi32, #tpu.memory_space<vmem>>
    %dma_start3A_470 = arith.constant 0 : i32
    %dma_start3A_471 = arith.constant 0 : i32
    %dma_start3A_472 = tpu.memref_slice %arg13[%dma_start3A_470, %dma_start3A_471] : memref<16512x64xf32, #tpu.memory_space<vmem_shared>> -> memref<16512x64xf32, #tpu.memory_space<vmem_shared>>
    tpu.enqueue_indirect_dma source(%dma_start3A_466 : memref<112x64xf32, #tpu.memory_space<vmem>>) target(%dma_start3A_472 : memref<16512x64xf32, #tpu.memory_space<vmem_shared>>) offsets(%dma_start3A_469 : memref<112xi32, #tpu.memory_space<vmem>>) semaphore(%arg14 : memref<!tpu.dma_semaphore, #tpu.memory_space<semaphore_mem>>) {add = true}
    %dma_start3A_473 = arith.constant 24 : i32
    %dma_start3A_474 = arith.constant 336 : i32
    %dma_start3A_475 = arith.constant 0 : i32
    %dma_start3A_476 = tpu.memref_slice %arg12[%dma_start3A_474, %dma_start3A_475] : memref<784x64xf32, #tpu.memory_space<vmem>> -> memref<112x64xf32, #tpu.memory_space<vmem>>
    %dma_start3A_477 = arith.constant 0 : i32
    %dma_start3A_478 = tpu.memref_slice %arg11[%dma_start3A_473, %dma_start3A_477] : memref<28x112xi32, #tpu.memory_space<vmem>> -> memref<1x112xi32, #tpu.memory_space<vmem>>
    %dma_start3A_479 = tpu.memref_squeeze %dma_start3A_478 : memref<1x112xi32, #tpu.memory_space<vmem>> -> memref<112xi32, #tpu.memory_space<vmem>>
    %dma_start3A_480 = arith.constant 0 : i32
    %dma_start3A_481 = arith.constant 0 : i32
    %dma_start3A_482 = tpu.memref_slice %arg13[%dma_start3A_480, %dma_start3A_481] : memref<16512x64xf32, #tpu.memory_space<vmem_shared>> -> memref<16512x64xf32, #tpu.memory_space<vmem_shared>>
    tpu.enqueue_indirect_dma source(%dma_start3A_476 : memref<112x64xf32, #tpu.memory_space<vmem>>) target(%dma_start3A_482 : memref<16512x64xf32, #tpu.memory_space<vmem_shared>>) offsets(%dma_start3A_479 : memref<112xi32, #tpu.memory_space<vmem>>) semaphore(%arg14 : memref<!tpu.dma_semaphore, #tpu.memory_space<semaphore_mem>>) {add = true}
    %dma_start3A_483 = arith.constant 25 : i32
    %dma_start3A_484 = arith.constant 448 : i32
    %dma_start3A_485 = arith.constant 0 : i32
    %dma_start3A_486 = tpu.memref_slice %arg12[%dma_start3A_484, %dma_start3A_485] : memref<784x64xf32, #tpu.memory_space<vmem>> -> memref<112x64xf32, #tpu.memory_space<vmem>>
    %dma_start3A_487 = arith.constant 0 : i32
    %dma_start3A_488 = tpu.memref_slice %arg11[%dma_start3A_483, %dma_start3A_487] : memref<28x112xi32, #tpu.memory_space<vmem>> -> memref<1x112xi32, #tpu.memory_space<vmem>>
    %dma_start3A_489 = tpu.memref_squeeze %dma_start3A_488 : memref<1x112xi32, #tpu.memory_space<vmem>> -> memref<112xi32, #tpu.memory_space<vmem>>
    %dma_start3A_490 = arith.constant 0 : i32
    %dma_start3A_491 = arith.constant 0 : i32
    %dma_start3A_492 = tpu.memref_slice %arg13[%dma_start3A_490, %dma_start3A_491] : memref<16512x64xf32, #tpu.memory_space<vmem_shared>> -> memref<16512x64xf32, #tpu.memory_space<vmem_shared>>
    tpu.enqueue_indirect_dma source(%dma_start3A_486 : memref<112x64xf32, #tpu.memory_space<vmem>>) target(%dma_start3A_492 : memref<16512x64xf32, #tpu.memory_space<vmem_shared>>) offsets(%dma_start3A_489 : memref<112xi32, #tpu.memory_space<vmem>>) semaphore(%arg14 : memref<!tpu.dma_semaphore, #tpu.memory_space<semaphore_mem>>) {add = true}
    %dma_start3A_493 = arith.constant 26 : i32
    %dma_start3A_494 = arith.constant 560 : i32
    %dma_start3A_495 = arith.constant 0 : i32
    %dma_start3A_496 = tpu.memref_slice %arg12[%dma_start3A_494, %dma_start3A_495] : memref<784x64xf32, #tpu.memory_space<vmem>> -> memref<112x64xf32, #tpu.memory_space<vmem>>
    %dma_start3A_497 = arith.constant 0 : i32
    %dma_start3A_498 = tpu.memref_slice %arg11[%dma_start3A_493, %dma_start3A_497] : memref<28x112xi32, #tpu.memory_space<vmem>> -> memref<1x112xi32, #tpu.memory_space<vmem>>
    %dma_start3A_499 = tpu.memref_squeeze %dma_start3A_498 : memref<1x112xi32, #tpu.memory_space<vmem>> -> memref<112xi32, #tpu.memory_space<vmem>>
    %dma_start3A_500 = arith.constant 0 : i32
    %dma_start3A_501 = arith.constant 0 : i32
    %dma_start3A_502 = tpu.memref_slice %arg13[%dma_start3A_500, %dma_start3A_501] : memref<16512x64xf32, #tpu.memory_space<vmem_shared>> -> memref<16512x64xf32, #tpu.memory_space<vmem_shared>>
    tpu.enqueue_indirect_dma source(%dma_start3A_496 : memref<112x64xf32, #tpu.memory_space<vmem>>) target(%dma_start3A_502 : memref<16512x64xf32, #tpu.memory_space<vmem_shared>>) offsets(%dma_start3A_499 : memref<112xi32, #tpu.memory_space<vmem>>) semaphore(%arg14 : memref<!tpu.dma_semaphore, #tpu.memory_space<semaphore_mem>>) {add = true}
    %dma_start3A_503 = arith.constant 27 : i32
    %dma_start3A_504 = arith.constant 672 : i32
    %dma_start3A_505 = arith.constant 0 : i32
    %dma_start3A_506 = tpu.memref_slice %arg12[%dma_start3A_504, %dma_start3A_505] : memref<784x64xf32, #tpu.memory_space<vmem>> -> memref<112x64xf32, #tpu.memory_space<vmem>>
    %dma_start3A_507 = arith.constant 0 : i32
    %dma_start3A_508 = tpu.memref_slice %arg11[%dma_start3A_503, %dma_start3A_507] : memref<28x112xi32, #tpu.memory_space<vmem>> -> memref<1x112xi32, #tpu.memory_space<vmem>>
    %dma_start3A_509 = tpu.memref_squeeze %dma_start3A_508 : memref<1x112xi32, #tpu.memory_space<vmem>> -> memref<112xi32, #tpu.memory_space<vmem>>
    %dma_start3A_510 = arith.constant 0 : i32
    %dma_start3A_511 = arith.constant 0 : i32
    %dma_start3A_512 = tpu.memref_slice %arg13[%dma_start3A_510, %dma_start3A_511] : memref<16512x64xf32, #tpu.memory_space<vmem_shared>> -> memref<16512x64xf32, #tpu.memory_space<vmem_shared>>
    tpu.enqueue_indirect_dma source(%dma_start3A_506 : memref<112x64xf32, #tpu.memory_space<vmem>>) target(%dma_start3A_512 : memref<16512x64xf32, #tpu.memory_space<vmem_shared>>) offsets(%dma_start3A_509 : memref<112xi32, #tpu.memory_space<vmem>>) semaphore(%arg14 : memref<!tpu.dma_semaphore, #tpu.memory_space<semaphore_mem>>) {add = true}
    %dma_wait3A_513 = arith.constant 21 : i32
    %dma_wait3A_514 = arith.constant 0 : i32
    %dma_wait3A_515 = arith.constant 0 : i32
    %dma_wait3A_516 = tpu.memref_slice %arg12[%dma_wait3A_514, %dma_wait3A_515] : memref<784x64xf32, #tpu.memory_space<vmem>> -> memref<112x64xf32, #tpu.memory_space<vmem>>
    %dma_wait3A_517 = arith.constant 0 : i32
    %dma_wait3A_518 = tpu.memref_slice %arg11[%dma_wait3A_513, %dma_wait3A_517] : memref<28x112xi32, #tpu.memory_space<vmem>> -> memref<1x112xi32, #tpu.memory_space<vmem>>
    %dma_wait3A_519 = tpu.memref_squeeze %dma_wait3A_518 : memref<1x112xi32, #tpu.memory_space<vmem>> -> memref<112xi32, #tpu.memory_space<vmem>>
    %dma_wait3A_520 = arith.constant 0 : i32
    %dma_wait3A_521 = arith.constant 0 : i32
    %dma_wait3A_522 = tpu.memref_slice %arg13[%dma_wait3A_520, %dma_wait3A_521] : memref<16512x64xf32, #tpu.memory_space<vmem_shared>> -> memref<16512x64xf32, #tpu.memory_space<vmem_shared>>
    tpu.wait_indirect_dma semaphore(%arg14 : memref<!tpu.dma_semaphore, #tpu.memory_space<semaphore_mem>>) src(%dma_wait3A_516 : memref<112x64xf32, #tpu.memory_space<vmem>>) dst(%dma_wait3A_522 : memref<16512x64xf32, #tpu.memory_space<vmem_shared>>)
    %dma_wait3A_523 = arith.constant 22 : i32
    %dma_wait3A_524 = arith.constant 112 : i32
    %dma_wait3A_525 = arith.constant 0 : i32
    %dma_wait3A_526 = tpu.memref_slice %arg12[%dma_wait3A_524, %dma_wait3A_525] : memref<784x64xf32, #tpu.memory_space<vmem>> -> memref<112x64xf32, #tpu.memory_space<vmem>>
    %dma_wait3A_527 = arith.constant 0 : i32
    %dma_wait3A_528 = tpu.memref_slice %arg11[%dma_wait3A_523, %dma_wait3A_527] : memref<28x112xi32, #tpu.memory_space<vmem>> -> memref<1x112xi32, #tpu.memory_space<vmem>>
    %dma_wait3A_529 = tpu.memref_squeeze %dma_wait3A_528 : memref<1x112xi32, #tpu.memory_space<vmem>> -> memref<112xi32, #tpu.memory_space<vmem>>
    %dma_wait3A_530 = arith.constant 0 : i32
    %dma_wait3A_531 = arith.constant 0 : i32
    %dma_wait3A_532 = tpu.memref_slice %arg13[%dma_wait3A_530, %dma_wait3A_531] : memref<16512x64xf32, #tpu.memory_space<vmem_shared>> -> memref<16512x64xf32, #tpu.memory_space<vmem_shared>>
    tpu.wait_indirect_dma semaphore(%arg14 : memref<!tpu.dma_semaphore, #tpu.memory_space<semaphore_mem>>) src(%dma_wait3A_526 : memref<112x64xf32, #tpu.memory_space<vmem>>) dst(%dma_wait3A_532 : memref<16512x64xf32, #tpu.memory_space<vmem_shared>>)
    %dma_wait3A_533 = arith.constant 23 : i32
    %dma_wait3A_534 = arith.constant 224 : i32
    %dma_wait3A_535 = arith.constant 0 : i32
    %dma_wait3A_536 = tpu.memref_slice %arg12[%dma_wait3A_534, %dma_wait3A_535] : memref<784x64xf32, #tpu.memory_space<vmem>> -> memref<112x64xf32, #tpu.memory_space<vmem>>
    %dma_wait3A_537 = arith.constant 0 : i32
    %dma_wait3A_538 = tpu.memref_slice %arg11[%dma_wait3A_533, %dma_wait3A_537] : memref<28x112xi32, #tpu.memory_space<vmem>> -> memref<1x112xi32, #tpu.memory_space<vmem>>
    %dma_wait3A_539 = tpu.memref_squeeze %dma_wait3A_538 : memref<1x112xi32, #tpu.memory_space<vmem>> -> memref<112xi32, #tpu.memory_space<vmem>>
    %dma_wait3A_540 = arith.constant 0 : i32
    %dma_wait3A_541 = arith.constant 0 : i32
    %dma_wait3A_542 = tpu.memref_slice %arg13[%dma_wait3A_540, %dma_wait3A_541] : memref<16512x64xf32, #tpu.memory_space<vmem_shared>> -> memref<16512x64xf32, #tpu.memory_space<vmem_shared>>
    tpu.wait_indirect_dma semaphore(%arg14 : memref<!tpu.dma_semaphore, #tpu.memory_space<semaphore_mem>>) src(%dma_wait3A_536 : memref<112x64xf32, #tpu.memory_space<vmem>>) dst(%dma_wait3A_542 : memref<16512x64xf32, #tpu.memory_space<vmem_shared>>)
    %dma_wait3A_543 = arith.constant 24 : i32
    %dma_wait3A_544 = arith.constant 336 : i32
    %dma_wait3A_545 = arith.constant 0 : i32
    %dma_wait3A_546 = tpu.memref_slice %arg12[%dma_wait3A_544, %dma_wait3A_545] : memref<784x64xf32, #tpu.memory_space<vmem>> -> memref<112x64xf32, #tpu.memory_space<vmem>>
    %dma_wait3A_547 = arith.constant 0 : i32
    %dma_wait3A_548 = tpu.memref_slice %arg11[%dma_wait3A_543, %dma_wait3A_547] : memref<28x112xi32, #tpu.memory_space<vmem>> -> memref<1x112xi32, #tpu.memory_space<vmem>>
    %dma_wait3A_549 = tpu.memref_squeeze %dma_wait3A_548 : memref<1x112xi32, #tpu.memory_space<vmem>> -> memref<112xi32, #tpu.memory_space<vmem>>
    %dma_wait3A_550 = arith.constant 0 : i32
    %dma_wait3A_551 = arith.constant 0 : i32
    %dma_wait3A_552 = tpu.memref_slice %arg13[%dma_wait3A_550, %dma_wait3A_551] : memref<16512x64xf32, #tpu.memory_space<vmem_shared>> -> memref<16512x64xf32, #tpu.memory_space<vmem_shared>>
    tpu.wait_indirect_dma semaphore(%arg14 : memref<!tpu.dma_semaphore, #tpu.memory_space<semaphore_mem>>) src(%dma_wait3A_546 : memref<112x64xf32, #tpu.memory_space<vmem>>) dst(%dma_wait3A_552 : memref<16512x64xf32, #tpu.memory_space<vmem_shared>>)
    %dma_wait3A_553 = arith.constant 25 : i32
    %dma_wait3A_554 = arith.constant 448 : i32
    %dma_wait3A_555 = arith.constant 0 : i32
    %dma_wait3A_556 = tpu.memref_slice %arg12[%dma_wait3A_554, %dma_wait3A_555] : memref<784x64xf32, #tpu.memory_space<vmem>> -> memref<112x64xf32, #tpu.memory_space<vmem>>
    %dma_wait3A_557 = arith.constant 0 : i32
    %dma_wait3A_558 = tpu.memref_slice %arg11[%dma_wait3A_553, %dma_wait3A_557] : memref<28x112xi32, #tpu.memory_space<vmem>> -> memref<1x112xi32, #tpu.memory_space<vmem>>
    %dma_wait3A_559 = tpu.memref_squeeze %dma_wait3A_558 : memref<1x112xi32, #tpu.memory_space<vmem>> -> memref<112xi32, #tpu.memory_space<vmem>>
    %dma_wait3A_560 = arith.constant 0 : i32
    %dma_wait3A_561 = arith.constant 0 : i32
    %dma_wait3A_562 = tpu.memref_slice %arg13[%dma_wait3A_560, %dma_wait3A_561] : memref<16512x64xf32, #tpu.memory_space<vmem_shared>> -> memref<16512x64xf32, #tpu.memory_space<vmem_shared>>
    tpu.wait_indirect_dma semaphore(%arg14 : memref<!tpu.dma_semaphore, #tpu.memory_space<semaphore_mem>>) src(%dma_wait3A_556 : memref<112x64xf32, #tpu.memory_space<vmem>>) dst(%dma_wait3A_562 : memref<16512x64xf32, #tpu.memory_space<vmem_shared>>)
    %dma_wait3A_563 = arith.constant 26 : i32
    %dma_wait3A_564 = arith.constant 560 : i32
    %dma_wait3A_565 = arith.constant 0 : i32
    %dma_wait3A_566 = tpu.memref_slice %arg12[%dma_wait3A_564, %dma_wait3A_565] : memref<784x64xf32, #tpu.memory_space<vmem>> -> memref<112x64xf32, #tpu.memory_space<vmem>>
    %dma_wait3A_567 = arith.constant 0 : i32
    %dma_wait3A_568 = tpu.memref_slice %arg11[%dma_wait3A_563, %dma_wait3A_567] : memref<28x112xi32, #tpu.memory_space<vmem>> -> memref<1x112xi32, #tpu.memory_space<vmem>>
    %dma_wait3A_569 = tpu.memref_squeeze %dma_wait3A_568 : memref<1x112xi32, #tpu.memory_space<vmem>> -> memref<112xi32, #tpu.memory_space<vmem>>
    %dma_wait3A_570 = arith.constant 0 : i32
    %dma_wait3A_571 = arith.constant 0 : i32
    %dma_wait3A_572 = tpu.memref_slice %arg13[%dma_wait3A_570, %dma_wait3A_571] : memref<16512x64xf32, #tpu.memory_space<vmem_shared>> -> memref<16512x64xf32, #tpu.memory_space<vmem_shared>>
    tpu.wait_indirect_dma semaphore(%arg14 : memref<!tpu.dma_semaphore, #tpu.memory_space<semaphore_mem>>) src(%dma_wait3A_566 : memref<112x64xf32, #tpu.memory_space<vmem>>) dst(%dma_wait3A_572 : memref<16512x64xf32, #tpu.memory_space<vmem_shared>>)
    %dma_wait3A_573 = arith.constant 27 : i32
    %dma_wait3A_574 = arith.constant 672 : i32
    %dma_wait3A_575 = arith.constant 0 : i32
    %dma_wait3A_576 = tpu.memref_slice %arg12[%dma_wait3A_574, %dma_wait3A_575] : memref<784x64xf32, #tpu.memory_space<vmem>> -> memref<112x64xf32, #tpu.memory_space<vmem>>
    %dma_wait3A_577 = arith.constant 0 : i32
    %dma_wait3A_578 = tpu.memref_slice %arg11[%dma_wait3A_573, %dma_wait3A_577] : memref<28x112xi32, #tpu.memory_space<vmem>> -> memref<1x112xi32, #tpu.memory_space<vmem>>
    %dma_wait3A_579 = tpu.memref_squeeze %dma_wait3A_578 : memref<1x112xi32, #tpu.memory_space<vmem>> -> memref<112xi32, #tpu.memory_space<vmem>>
    %dma_wait3A_580 = arith.constant 0 : i32
    %dma_wait3A_581 = arith.constant 0 : i32
    %dma_wait3A_582 = tpu.memref_slice %arg13[%dma_wait3A_580, %dma_wait3A_581] : memref<16512x64xf32, #tpu.memory_space<vmem_shared>> -> memref<16512x64xf32, #tpu.memory_space<vmem_shared>>
    tpu.wait_indirect_dma semaphore(%arg14 : memref<!tpu.dma_semaphore, #tpu.memory_space<semaphore_mem>>) src(%dma_wait3A_576 : memref<112x64xf32, #tpu.memory_space<vmem>>) dst(%dma_wait3A_582 : memref<16512x64xf32, #tpu.memory_space<vmem_shared>>)
    %barrier3A_583 = arith.constant 0 : index
    tpu.barrier barrier_id(%barrier3A_583)
    %mul3A_584 = arith.constant 1024 : i32
    %mul3A_585 = arith.muli %arg1, %mul3A_584 : i32
    %mul3A_586 = arith.constant 16384 : i32
    %mul3A_587 = arith.muli %arg0, %mul3A_586 : i32
    %mul3A_588 = arith.constant 1024 : i32
    %mul3A_589 = arith.muli %arg1, %mul3A_588 : i32
    %add3A_590 = arith.addi %mul3A_587, %mul3A_589 : i32
    "tpu.region"() ({
      %run_scoped3A = tpu.sem_alloc : memref<!tpu.dma_semaphore, #tpu.memory_space<semaphore_mem>>
      %dma_start3A_591 = arith.constant 0 : i32
      %dma_start3A_592 = tpu.memref_slice %arg7[%add3A_590, %dma_start3A_591] : memref<32768x64xf32, #tpu.memory_space<hbm>> -> memref<1024x64xf32, #tpu.memory_space<hbm>>
      %dma_start3A_593 = arith.constant 0 : i32
      %dma_start3A_594 = tpu.memref_slice %arg13[%mul3A_585, %dma_start3A_593] : memref<16512x64xf32, #tpu.memory_space<vmem_shared>> -> memref<1024x64xf32, #tpu.memory_space<vmem_shared>>
      tpu.enqueue_dma source(%dma_start3A_594 : memref<1024x64xf32, #tpu.memory_space<vmem_shared>>) target(%dma_start3A_592 : memref<1024x64xf32, #tpu.memory_space<hbm>>) target_semaphore(%run_scoped3A : memref<!tpu.dma_semaphore, #tpu.memory_space<semaphore_mem>>)
      %dma_wait3A_595 = arith.constant 0 : i32
      %dma_wait3A_596 = tpu.memref_slice %arg7[%add3A_590, %dma_wait3A_595] : memref<32768x64xf32, #tpu.memory_space<hbm>> -> memref<1024x64xf32, #tpu.memory_space<hbm>>
      %dma_wait3A_597 = arith.constant 0 : i32
      %dma_wait3A_598 = tpu.memref_slice %arg13[%mul3A_585, %dma_wait3A_597] : memref<16512x64xf32, #tpu.memory_space<vmem_shared>> -> memref<1024x64xf32, #tpu.memory_space<vmem_shared>>
      tpu.wait_dma2 semaphore(%run_scoped3A : memref<!tpu.dma_semaphore, #tpu.memory_space<semaphore_mem>>) src(%dma_wait3A_598 : memref<1024x64xf32, #tpu.memory_space<vmem_shared>>) dst(%dma_wait3A_596 : memref<1024x64xf32, #tpu.memory_space<hbm>>)
      tpu.yield
    }) : () -> ()
    return
  }
}

#map = affine_map<(d0, d1) -> (0, 0)>
#map1 = affine_map<(d0, d1) -> (0, 0, 0)>
module attributes {stable_mosaic.version = 14 : i64} {
  func.func @gather_kernel(%arg0: i32, %arg1: i32, %arg2: memref<32768x64xf32, #tpu.memory_space<hbm>>, %arg3: memref<32x14x112xi32, #tpu.memory_space<hbm>>, %arg4: memref<32x14x112xi32, #tpu.memory_space<hbm>>, %arg5: memref<32x14x112xi32, #tpu.memory_space<hbm>>, %arg6: memref<50176x64xf32, #tpu.memory_space<hbm>>, %arg7: memref<14x112xi32, #tpu.memory_space<vmem>>, %arg8: memref<14x112xi32, #tpu.memory_space<vmem>>, %arg9: memref<14x112xi32, #tpu.memory_space<vmem>>, %arg10: memref<14x112xi32, #tpu.memory_space<vmem>>, %arg11: memref<1568x64xf32, #tpu.memory_space<vmem>>, %arg12: memref<!tpu.dma_semaphore, #tpu.memory_space<semaphore_mem>>) attributes {dimension_semantics = [#tpu.dimension_semantics<core_parallel>, #tpu.dimension_semantics<subcore_parallel>], iteration_bounds = array<i64: 2, 16>, scalar_prefetch = 0 : i64, scratch_operands = 6 : i64, tpu.core_type = #tpu.core_type<sc_vector_subcore>, window_params = [{transform_indices = #map}, {transform_indices = #map1}, {transform_indices = #map1}, {transform_indices = #map1}, {transform_indices = #map}]} {
    %mul3A = arith.constant 2 : i32
    %mul3A_0 = arith.muli %arg1, %mul3A : i32
    %add3A = arith.addi %mul3A_0, %arg0 : i32
    "tpu.region"() ({
      %run_scoped3A = tpu.sem_alloc : memref<!tpu.dma_semaphore, #tpu.memory_space<semaphore_mem>>
      %dma_start3A_286 = arith.constant 0 : i32
      %dma_start3A_287 = arith.constant 0 : i32
      %dma_start3A_288 = tpu.memref_slice %arg3[%add3A, %dma_start3A_286, %dma_start3A_287] : memref<32x14x112xi32, #tpu.memory_space<hbm>> -> memref<1x14x112xi32, #tpu.memory_space<hbm>>
      %dma_start3A_289 = tpu.memref_squeeze %dma_start3A_288 : memref<1x14x112xi32, #tpu.memory_space<hbm>> -> memref<14x112xi32, #tpu.memory_space<hbm>>
      %dma_start3A_290 = arith.constant 0 : i32
      %dma_start3A_291 = arith.constant 0 : i32
      %dma_start3A_292 = tpu.memref_slice %arg3[%add3A, %dma_start3A_290, %dma_start3A_291] : memref<32x14x112xi32, #tpu.memory_space<hbm>> -> memref<1x14x112xi32, #tpu.memory_space<hbm>>
      %dma_start3A_293 = tpu.memref_squeeze %dma_start3A_292 : memref<1x14x112xi32, #tpu.memory_space<hbm>> -> memref<14x112xi32, #tpu.memory_space<hbm>>
      tpu.enqueue_dma source(%dma_start3A_293 : memref<14x112xi32, #tpu.memory_space<hbm>>) target(%arg7 : memref<14x112xi32, #tpu.memory_space<vmem>>) target_semaphore(%run_scoped3A : memref<!tpu.dma_semaphore, #tpu.memory_space<semaphore_mem>>)
      %dma_wait3A_294 = arith.constant 0 : i32
      %dma_wait3A_295 = arith.constant 0 : i32
      %dma_wait3A_296 = tpu.memref_slice %arg3[%add3A, %dma_wait3A_294, %dma_wait3A_295] : memref<32x14x112xi32, #tpu.memory_space<hbm>> -> memref<1x14x112xi32, #tpu.memory_space<hbm>>
      %dma_wait3A_297 = tpu.memref_squeeze %dma_wait3A_296 : memref<1x14x112xi32, #tpu.memory_space<hbm>> -> memref<14x112xi32, #tpu.memory_space<hbm>>
      %dma_wait3A_298 = arith.constant 0 : i32
      %dma_wait3A_299 = arith.constant 0 : i32
      %dma_wait3A_300 = tpu.memref_slice %arg3[%add3A, %dma_wait3A_298, %dma_wait3A_299] : memref<32x14x112xi32, #tpu.memory_space<hbm>> -> memref<1x14x112xi32, #tpu.memory_space<hbm>>
      %dma_wait3A_301 = tpu.memref_squeeze %dma_wait3A_300 : memref<1x14x112xi32, #tpu.memory_space<hbm>> -> memref<14x112xi32, #tpu.memory_space<hbm>>
      tpu.wait_dma2 semaphore(%run_scoped3A : memref<!tpu.dma_semaphore, #tpu.memory_space<semaphore_mem>>) src(%dma_wait3A_301 : memref<14x112xi32, #tpu.memory_space<hbm>>) dst(%arg7 : memref<14x112xi32, #tpu.memory_space<vmem>>)
      tpu.yield
    }) : () -> ()
    "tpu.region"() ({
      %run_scoped3A = tpu.sem_alloc : memref<!tpu.dma_semaphore, #tpu.memory_space<semaphore_mem>>
      %dma_start3A_286 = arith.constant 0 : i32
      %dma_start3A_287 = arith.constant 0 : i32
      %dma_start3A_288 = tpu.memref_slice %arg4[%add3A, %dma_start3A_286, %dma_start3A_287] : memref<32x14x112xi32, #tpu.memory_space<hbm>> -> memref<1x14x112xi32, #tpu.memory_space<hbm>>
      %dma_start3A_289 = tpu.memref_squeeze %dma_start3A_288 : memref<1x14x112xi32, #tpu.memory_space<hbm>> -> memref<14x112xi32, #tpu.memory_space<hbm>>
      %dma_start3A_290 = arith.constant 0 : i32
      %dma_start3A_291 = arith.constant 0 : i32
      %dma_start3A_292 = tpu.memref_slice %arg4[%add3A, %dma_start3A_290, %dma_start3A_291] : memref<32x14x112xi32, #tpu.memory_space<hbm>> -> memref<1x14x112xi32, #tpu.memory_space<hbm>>
      %dma_start3A_293 = tpu.memref_squeeze %dma_start3A_292 : memref<1x14x112xi32, #tpu.memory_space<hbm>> -> memref<14x112xi32, #tpu.memory_space<hbm>>
      tpu.enqueue_dma source(%dma_start3A_293 : memref<14x112xi32, #tpu.memory_space<hbm>>) target(%arg8 : memref<14x112xi32, #tpu.memory_space<vmem>>) target_semaphore(%run_scoped3A : memref<!tpu.dma_semaphore, #tpu.memory_space<semaphore_mem>>)
      %dma_wait3A_294 = arith.constant 0 : i32
      %dma_wait3A_295 = arith.constant 0 : i32
      %dma_wait3A_296 = tpu.memref_slice %arg4[%add3A, %dma_wait3A_294, %dma_wait3A_295] : memref<32x14x112xi32, #tpu.memory_space<hbm>> -> memref<1x14x112xi32, #tpu.memory_space<hbm>>
      %dma_wait3A_297 = tpu.memref_squeeze %dma_wait3A_296 : memref<1x14x112xi32, #tpu.memory_space<hbm>> -> memref<14x112xi32, #tpu.memory_space<hbm>>
      %dma_wait3A_298 = arith.constant 0 : i32
      %dma_wait3A_299 = arith.constant 0 : i32
      %dma_wait3A_300 = tpu.memref_slice %arg4[%add3A, %dma_wait3A_298, %dma_wait3A_299] : memref<32x14x112xi32, #tpu.memory_space<hbm>> -> memref<1x14x112xi32, #tpu.memory_space<hbm>>
      %dma_wait3A_301 = tpu.memref_squeeze %dma_wait3A_300 : memref<1x14x112xi32, #tpu.memory_space<hbm>> -> memref<14x112xi32, #tpu.memory_space<hbm>>
      tpu.wait_dma2 semaphore(%run_scoped3A : memref<!tpu.dma_semaphore, #tpu.memory_space<semaphore_mem>>) src(%dma_wait3A_301 : memref<14x112xi32, #tpu.memory_space<hbm>>) dst(%arg8 : memref<14x112xi32, #tpu.memory_space<vmem>>)
      tpu.yield
    }) : () -> ()
    "tpu.region"() ({
      %run_scoped3A = tpu.sem_alloc : memref<!tpu.dma_semaphore, #tpu.memory_space<semaphore_mem>>
      %dma_start3A_286 = arith.constant 0 : i32
      %dma_start3A_287 = arith.constant 0 : i32
      %dma_start3A_288 = tpu.memref_slice %arg5[%add3A, %dma_start3A_286, %dma_start3A_287] : memref<32x14x112xi32, #tpu.memory_space<hbm>> -> memref<1x14x112xi32, #tpu.memory_space<hbm>>
      %dma_start3A_289 = tpu.memref_squeeze %dma_start3A_288 : memref<1x14x112xi32, #tpu.memory_space<hbm>> -> memref<14x112xi32, #tpu.memory_space<hbm>>
      %dma_start3A_290 = arith.constant 0 : i32
      %dma_start3A_291 = arith.constant 0 : i32
      %dma_start3A_292 = tpu.memref_slice %arg5[%add3A, %dma_start3A_290, %dma_start3A_291] : memref<32x14x112xi32, #tpu.memory_space<hbm>> -> memref<1x14x112xi32, #tpu.memory_space<hbm>>
      %dma_start3A_293 = tpu.memref_squeeze %dma_start3A_292 : memref<1x14x112xi32, #tpu.memory_space<hbm>> -> memref<14x112xi32, #tpu.memory_space<hbm>>
      tpu.enqueue_dma source(%dma_start3A_293 : memref<14x112xi32, #tpu.memory_space<hbm>>) target(%arg9 : memref<14x112xi32, #tpu.memory_space<vmem>>) target_semaphore(%run_scoped3A : memref<!tpu.dma_semaphore, #tpu.memory_space<semaphore_mem>>)
      %dma_wait3A_294 = arith.constant 0 : i32
      %dma_wait3A_295 = arith.constant 0 : i32
      %dma_wait3A_296 = tpu.memref_slice %arg5[%add3A, %dma_wait3A_294, %dma_wait3A_295] : memref<32x14x112xi32, #tpu.memory_space<hbm>> -> memref<1x14x112xi32, #tpu.memory_space<hbm>>
      %dma_wait3A_297 = tpu.memref_squeeze %dma_wait3A_296 : memref<1x14x112xi32, #tpu.memory_space<hbm>> -> memref<14x112xi32, #tpu.memory_space<hbm>>
      %dma_wait3A_298 = arith.constant 0 : i32
      %dma_wait3A_299 = arith.constant 0 : i32
      %dma_wait3A_300 = tpu.memref_slice %arg5[%add3A, %dma_wait3A_298, %dma_wait3A_299] : memref<32x14x112xi32, #tpu.memory_space<hbm>> -> memref<1x14x112xi32, #tpu.memory_space<hbm>>
      %dma_wait3A_301 = tpu.memref_squeeze %dma_wait3A_300 : memref<1x14x112xi32, #tpu.memory_space<hbm>> -> memref<14x112xi32, #tpu.memory_space<hbm>>
      tpu.wait_dma2 semaphore(%run_scoped3A : memref<!tpu.dma_semaphore, #tpu.memory_space<semaphore_mem>>) src(%dma_wait3A_301 : memref<14x112xi32, #tpu.memory_space<hbm>>) dst(%arg9 : memref<14x112xi32, #tpu.memory_space<vmem>>)
      tpu.yield
    }) : () -> ()
    %scan3A = arith.constant 0 : i32
    %scan3A_1 = arith.constant 0 : i32
    %scan3A_2 = arith.constant 14 : i32
    %scan3A_3 = arith.addi %scan3A_1, %scan3A_2 : i32
    %scan3A_4 = arith.constant 1 : i32
    scf.for %scan3A_286 = %scan3A_1 to %scan3A_3 step %scan3A_4  : i32 {
      %get3A = arith.index_cast %scan3A_286 : i32 to index
      %get3A_287 = arith.constant 0 : index
      %get3A_288 = tpu.vector_load %arg7[%get3A, %get3A_287] {strides = array<i32>} : memref<14x112xi32, #tpu.memory_space<vmem>>, vector<1x16xi32>,
      %get3A_289 = vector.shape_cast %get3A_288 : vector<1x16xi32> to vector<16xi32>
      %get3A_290 = arith.index_cast %scan3A_286 : i32 to index
      %get3A_291 = arith.constant 0 : index
      %get3A_292 = tpu.vector_load %arg8[%get3A_290, %get3A_291] {strides = array<i32>} : memref<14x112xi32, #tpu.memory_space<vmem>>, vector<1x16xi32>,
      %get3A_293 = vector.shape_cast %get3A_292 : vector<1x16xi32> to vector<16xi32>
      %get3A_294 = arith.index_cast %scan3A_286 : i32 to index
      %get3A_295 = arith.constant 0 : index
      %get3A_296 = tpu.vector_load %arg9[%get3A_294, %get3A_295] {strides = array<i32>} : memref<14x112xi32, #tpu.memory_space<vmem>>, vector<1x16xi32>,
      %get3A_297 = vector.shape_cast %get3A_296 : vector<1x16xi32> to vector<16xi32>
      %shift_right_arithmetic3A = arith.constant 1 : i32
      %shift_right_arithmetic3A_298 = vector.broadcast %shift_right_arithmetic3A : i32 to vector<16xi32>
      %shift_right_arithmetic3A_299 = arith.shrsi %get3A_289, %shift_right_arithmetic3A_298 : vector<16xi32>
      %mul3A_300 = arith.constant 1024 : i32
      %mul3A_301 = vector.broadcast %mul3A_300 : i32 to vector<16xi32>
      %mul3A_302 = arith.muli %shift_right_arithmetic3A_299, %mul3A_301 : vector<16xi32>
      %shift_right_arithmetic3A_303 = arith.constant 1 : i32
      %shift_right_arithmetic3A_304 = vector.broadcast %shift_right_arithmetic3A_303 : i32 to vector<16xi32>
      %shift_right_arithmetic3A_305 = arith.shrsi %get3A_293, %shift_right_arithmetic3A_304 : vector<16xi32>
      %mul3A_306 = arith.constant 32 : i32
      %mul3A_307 = vector.broadcast %mul3A_306 : i32 to vector<16xi32>
      %mul3A_308 = arith.muli %shift_right_arithmetic3A_305, %mul3A_307 : vector<16xi32>
      %add3A_309 = arith.addi %mul3A_302, %mul3A_308 : vector<16xi32>
      %shift_right_arithmetic3A_310 = arith.constant 1 : i32
      %shift_right_arithmetic3A_311 = vector.broadcast %shift_right_arithmetic3A_310 : i32 to vector<16xi32>
      %shift_right_arithmetic3A_312 = arith.shrsi %get3A_297, %shift_right_arithmetic3A_311 : vector<16xi32>
      %add3A_313 = arith.addi %add3A_309, %shift_right_arithmetic3A_312 : vector<16xi32>
      %swap3A = arith.index_cast %scan3A_286 : i32 to index
      %swap3A_314 = arith.constant 0 : index
      %swap3A_315 = tpu.vector_load %arg10[%swap3A, %swap3A_314] {strides = array<i32>} : memref<14x112xi32, #tpu.memory_space<vmem>>, vector<1x16xi32>,
      %swap3A_316 = vector.shape_cast %swap3A_315 : vector<1x16xi32> to vector<16xi32>
      %swap3A_317 = vector.shape_cast %add3A_313 : vector<16xi32> to vector<1x16xi32>
      tpu.vector_store %arg10[%swap3A, %swap3A_314], %swap3A_317 {strides = array<i32>} : memref<14x112xi32, #tpu.memory_space<vmem>>, vector<1x16xi32>,
      %get3A_318 = arith.index_cast %scan3A_286 : i32 to index
      %get3A_319 = arith.constant 16 : index
      %get3A_320 = tpu.vector_load %arg7[%get3A_318, %get3A_319] {strides = array<i32>} : memref<14x112xi32, #tpu.memory_space<vmem>>, vector<1x16xi32>,
      %get3A_321 = vector.shape_cast %get3A_320 : vector<1x16xi32> to vector<16xi32>
      %get3A_322 = arith.index_cast %scan3A_286 : i32 to index
      %get3A_323 = arith.constant 16 : index
      %get3A_324 = tpu.vector_load %arg8[%get3A_322, %get3A_323] {strides = array<i32>} : memref<14x112xi32, #tpu.memory_space<vmem>>, vector<1x16xi32>,
      %get3A_325 = vector.shape_cast %get3A_324 : vector<1x16xi32> to vector<16xi32>
      %get3A_326 = arith.index_cast %scan3A_286 : i32 to index
      %get3A_327 = arith.constant 16 : index
      %get3A_328 = tpu.vector_load %arg9[%get3A_326, %get3A_327] {strides = array<i32>} : memref<14x112xi32, #tpu.memory_space<vmem>>, vector<1x16xi32>,
      %get3A_329 = vector.shape_cast %get3A_328 : vector<1x16xi32> to vector<16xi32>
      %shift_right_arithmetic3A_330 = arith.constant 1 : i32
      %shift_right_arithmetic3A_331 = vector.broadcast %shift_right_arithmetic3A_330 : i32 to vector<16xi32>
      %shift_right_arithmetic3A_332 = arith.shrsi %get3A_321, %shift_right_arithmetic3A_331 : vector<16xi32>
      %mul3A_333 = arith.constant 1024 : i32
      %mul3A_334 = vector.broadcast %mul3A_333 : i32 to vector<16xi32>
      %mul3A_335 = arith.muli %shift_right_arithmetic3A_332, %mul3A_334 : vector<16xi32>
      %shift_right_arithmetic3A_336 = arith.constant 1 : i32
      %shift_right_arithmetic3A_337 = vector.broadcast %shift_right_arithmetic3A_336 : i32 to vector<16xi32>
      %shift_right_arithmetic3A_338 = arith.shrsi %get3A_325, %shift_right_arithmetic3A_337 : vector<16xi32>
      %mul3A_339 = arith.constant 32 : i32
      %mul3A_340 = vector.broadcast %mul3A_339 : i32 to vector<16xi32>
      %mul3A_341 = arith.muli %shift_right_arithmetic3A_338, %mul3A_340 : vector<16xi32>
      %add3A_342 = arith.addi %mul3A_335, %mul3A_341 : vector<16xi32>
      %shift_right_arithmetic3A_343 = arith.constant 1 : i32
      %shift_right_arithmetic3A_344 = vector.broadcast %shift_right_arithmetic3A_343 : i32 to vector<16xi32>
      %shift_right_arithmetic3A_345 = arith.shrsi %get3A_329, %shift_right_arithmetic3A_344 : vector<16xi32>
      %add3A_346 = arith.addi %add3A_342, %shift_right_arithmetic3A_345 : vector<16xi32>
      %swap3A_347 = arith.index_cast %scan3A_286 : i32 to index
      %swap3A_348 = arith.constant 16 : index
      %swap3A_349 = tpu.vector_load %arg10[%swap3A_347, %swap3A_348] {strides = array<i32>} : memref<14x112xi32, #tpu.memory_space<vmem>>, vector<1x16xi32>,
      %swap3A_350 = vector.shape_cast %swap3A_349 : vector<1x16xi32> to vector<16xi32>
      %swap3A_351 = vector.shape_cast %add3A_346 : vector<16xi32> to vector<1x16xi32>
      tpu.vector_store %arg10[%swap3A_347, %swap3A_348], %swap3A_351 {strides = array<i32>} : memref<14x112xi32, #tpu.memory_space<vmem>>, vector<1x16xi32>,
      %get3A_352 = arith.index_cast %scan3A_286 : i32 to index
      %get3A_353 = arith.constant 32 : index
      %get3A_354 = tpu.vector_load %arg7[%get3A_352, %get3A_353] {strides = array<i32>} : memref<14x112xi32, #tpu.memory_space<vmem>>, vector<1x16xi32>,
      %get3A_355 = vector.shape_cast %get3A_354 : vector<1x16xi32> to vector<16xi32>
      %get3A_356 = arith.index_cast %scan3A_286 : i32 to index
      %get3A_357 = arith.constant 32 : index
      %get3A_358 = tpu.vector_load %arg8[%get3A_356, %get3A_357] {strides = array<i32>} : memref<14x112xi32, #tpu.memory_space<vmem>>, vector<1x16xi32>,
      %get3A_359 = vector.shape_cast %get3A_358 : vector<1x16xi32> to vector<16xi32>
      %get3A_360 = arith.index_cast %scan3A_286 : i32 to index
      %get3A_361 = arith.constant 32 : index
      %get3A_362 = tpu.vector_load %arg9[%get3A_360, %get3A_361] {strides = array<i32>} : memref<14x112xi32, #tpu.memory_space<vmem>>, vector<1x16xi32>,
      %get3A_363 = vector.shape_cast %get3A_362 : vector<1x16xi32> to vector<16xi32>
      %shift_right_arithmetic3A_364 = arith.constant 1 : i32
      %shift_right_arithmetic3A_365 = vector.broadcast %shift_right_arithmetic3A_364 : i32 to vector<16xi32>
      %shift_right_arithmetic3A_366 = arith.shrsi %get3A_355, %shift_right_arithmetic3A_365 : vector<16xi32>
      %mul3A_367 = arith.constant 1024 : i32
      %mul3A_368 = vector.broadcast %mul3A_367 : i32 to vector<16xi32>
      %mul3A_369 = arith.muli %shift_right_arithmetic3A_366, %mul3A_368 : vector<16xi32>
      %shift_right_arithmetic3A_370 = arith.constant 1 : i32
      %shift_right_arithmetic3A_371 = vector.broadcast %shift_right_arithmetic3A_370 : i32 to vector<16xi32>
      %shift_right_arithmetic3A_372 = arith.shrsi %get3A_359, %shift_right_arithmetic3A_371 : vector<16xi32>
      %mul3A_373 = arith.constant 32 : i32
      %mul3A_374 = vector.broadcast %mul3A_373 : i32 to vector<16xi32>
      %mul3A_375 = arith.muli %shift_right_arithmetic3A_372, %mul3A_374 : vector<16xi32>
      %add3A_376 = arith.addi %mul3A_369, %mul3A_375 : vector<16xi32>
      %shift_right_arithmetic3A_377 = arith.constant 1 : i32
      %shift_right_arithmetic3A_378 = vector.broadcast %shift_right_arithmetic3A_377 : i32 to vector<16xi32>
      %shift_right_arithmetic3A_379 = arith.shrsi %get3A_363, %shift_right_arithmetic3A_378 : vector<16xi32>
      %add3A_380 = arith.addi %add3A_376, %shift_right_arithmetic3A_379 : vector<16xi32>
      %swap3A_381 = arith.index_cast %scan3A_286 : i32 to index
      %swap3A_382 = arith.constant 32 : index
      %swap3A_383 = tpu.vector_load %arg10[%swap3A_381, %swap3A_382] {strides = array<i32>} : memref<14x112xi32, #tpu.memory_space<vmem>>, vector<1x16xi32>,
      %swap3A_384 = vector.shape_cast %swap3A_383 : vector<1x16xi32> to vector<16xi32>
      %swap3A_385 = vector.shape_cast %add3A_380 : vector<16xi32> to vector<1x16xi32>
      tpu.vector_store %arg10[%swap3A_381, %swap3A_382], %swap3A_385 {strides = array<i32>} : memref<14x112xi32, #tpu.memory_space<vmem>>, vector<1x16xi32>,
      %get3A_386 = arith.index_cast %scan3A_286 : i32 to index
      %get3A_387 = arith.constant 48 : index
      %get3A_388 = tpu.vector_load %arg7[%get3A_386, %get3A_387] {strides = array<i32>} : memref<14x112xi32, #tpu.memory_space<vmem>>, vector<1x16xi32>,
      %get3A_389 = vector.shape_cast %get3A_388 : vector<1x16xi32> to vector<16xi32>
      %get3A_390 = arith.index_cast %scan3A_286 : i32 to index
      %get3A_391 = arith.constant 48 : index
      %get3A_392 = tpu.vector_load %arg8[%get3A_390, %get3A_391] {strides = array<i32>} : memref<14x112xi32, #tpu.memory_space<vmem>>, vector<1x16xi32>,
      %get3A_393 = vector.shape_cast %get3A_392 : vector<1x16xi32> to vector<16xi32>
      %get3A_394 = arith.index_cast %scan3A_286 : i32 to index
      %get3A_395 = arith.constant 48 : index
      %get3A_396 = tpu.vector_load %arg9[%get3A_394, %get3A_395] {strides = array<i32>} : memref<14x112xi32, #tpu.memory_space<vmem>>, vector<1x16xi32>,
      %get3A_397 = vector.shape_cast %get3A_396 : vector<1x16xi32> to vector<16xi32>
      %shift_right_arithmetic3A_398 = arith.constant 1 : i32
      %shift_right_arithmetic3A_399 = vector.broadcast %shift_right_arithmetic3A_398 : i32 to vector<16xi32>
      %shift_right_arithmetic3A_400 = arith.shrsi %get3A_389, %shift_right_arithmetic3A_399 : vector<16xi32>
      %mul3A_401 = arith.constant 1024 : i32
      %mul3A_402 = vector.broadcast %mul3A_401 : i32 to vector<16xi32>
      %mul3A_403 = arith.muli %shift_right_arithmetic3A_400, %mul3A_402 : vector<16xi32>
      %shift_right_arithmetic3A_404 = arith.constant 1 : i32
      %shift_right_arithmetic3A_405 = vector.broadcast %shift_right_arithmetic3A_404 : i32 to vector<16xi32>
      %shift_right_arithmetic3A_406 = arith.shrsi %get3A_393, %shift_right_arithmetic3A_405 : vector<16xi32>
      %mul3A_407 = arith.constant 32 : i32
      %mul3A_408 = vector.broadcast %mul3A_407 : i32 to vector<16xi32>
      %mul3A_409 = arith.muli %shift_right_arithmetic3A_406, %mul3A_408 : vector<16xi32>
      %add3A_410 = arith.addi %mul3A_403, %mul3A_409 : vector<16xi32>
      %shift_right_arithmetic3A_411 = arith.constant 1 : i32
      %shift_right_arithmetic3A_412 = vector.broadcast %shift_right_arithmetic3A_411 : i32 to vector<16xi32>
      %shift_right_arithmetic3A_413 = arith.shrsi %get3A_397, %shift_right_arithmetic3A_412 : vector<16xi32>
      %add3A_414 = arith.addi %add3A_410, %shift_right_arithmetic3A_413 : vector<16xi32>
      %swap3A_415 = arith.index_cast %scan3A_286 : i32 to index
      %swap3A_416 = arith.constant 48 : index
      %swap3A_417 = tpu.vector_load %arg10[%swap3A_415, %swap3A_416] {strides = array<i32>} : memref<14x112xi32, #tpu.memory_space<vmem>>, vector<1x16xi32>,
      %swap3A_418 = vector.shape_cast %swap3A_417 : vector<1x16xi32> to vector<16xi32>
      %swap3A_419 = vector.shape_cast %add3A_414 : vector<16xi32> to vector<1x16xi32>
      tpu.vector_store %arg10[%swap3A_415, %swap3A_416], %swap3A_419 {strides = array<i32>} : memref<14x112xi32, #tpu.memory_space<vmem>>, vector<1x16xi32>,
      %get3A_420 = arith.index_cast %scan3A_286 : i32 to index
      %get3A_421 = arith.constant 64 : index
      %get3A_422 = tpu.vector_load %arg7[%get3A_420, %get3A_421] {strides = array<i32>} : memref<14x112xi32, #tpu.memory_space<vmem>>, vector<1x16xi32>,
      %get3A_423 = vector.shape_cast %get3A_422 : vector<1x16xi32> to vector<16xi32>
      %get3A_424 = arith.index_cast %scan3A_286 : i32 to index
      %get3A_425 = arith.constant 64 : index
      %get3A_426 = tpu.vector_load %arg8[%get3A_424, %get3A_425] {strides = array<i32>} : memref<14x112xi32, #tpu.memory_space<vmem>>, vector<1x16xi32>,
      %get3A_427 = vector.shape_cast %get3A_426 : vector<1x16xi32> to vector<16xi32>
      %get3A_428 = arith.index_cast %scan3A_286 : i32 to index
      %get3A_429 = arith.constant 64 : index
      %get3A_430 = tpu.vector_load %arg9[%get3A_428, %get3A_429] {strides = array<i32>} : memref<14x112xi32, #tpu.memory_space<vmem>>, vector<1x16xi32>,
      %get3A_431 = vector.shape_cast %get3A_430 : vector<1x16xi32> to vector<16xi32>
      %shift_right_arithmetic3A_432 = arith.constant 1 : i32
      %shift_right_arithmetic3A_433 = vector.broadcast %shift_right_arithmetic3A_432 : i32 to vector<16xi32>
      %shift_right_arithmetic3A_434 = arith.shrsi %get3A_423, %shift_right_arithmetic3A_433 : vector<16xi32>
      %mul3A_435 = arith.constant 1024 : i32
      %mul3A_436 = vector.broadcast %mul3A_435 : i32 to vector<16xi32>
      %mul3A_437 = arith.muli %shift_right_arithmetic3A_434, %mul3A_436 : vector<16xi32>
      %shift_right_arithmetic3A_438 = arith.constant 1 : i32
      %shift_right_arithmetic3A_439 = vector.broadcast %shift_right_arithmetic3A_438 : i32 to vector<16xi32>
      %shift_right_arithmetic3A_440 = arith.shrsi %get3A_427, %shift_right_arithmetic3A_439 : vector<16xi32>
      %mul3A_441 = arith.constant 32 : i32
      %mul3A_442 = vector.broadcast %mul3A_441 : i32 to vector<16xi32>
      %mul3A_443 = arith.muli %shift_right_arithmetic3A_440, %mul3A_442 : vector<16xi32>
      %add3A_444 = arith.addi %mul3A_437, %mul3A_443 : vector<16xi32>
      %shift_right_arithmetic3A_445 = arith.constant 1 : i32
      %shift_right_arithmetic3A_446 = vector.broadcast %shift_right_arithmetic3A_445 : i32 to vector<16xi32>
      %shift_right_arithmetic3A_447 = arith.shrsi %get3A_431, %shift_right_arithmetic3A_446 : vector<16xi32>
      %add3A_448 = arith.addi %add3A_444, %shift_right_arithmetic3A_447 : vector<16xi32>
      %swap3A_449 = arith.index_cast %scan3A_286 : i32 to index
      %swap3A_450 = arith.constant 64 : index
      %swap3A_451 = tpu.vector_load %arg10[%swap3A_449, %swap3A_450] {strides = array<i32>} : memref<14x112xi32, #tpu.memory_space<vmem>>, vector<1x16xi32>,
      %swap3A_452 = vector.shape_cast %swap3A_451 : vector<1x16xi32> to vector<16xi32>
      %swap3A_453 = vector.shape_cast %add3A_448 : vector<16xi32> to vector<1x16xi32>
      tpu.vector_store %arg10[%swap3A_449, %swap3A_450], %swap3A_453 {strides = array<i32>} : memref<14x112xi32, #tpu.memory_space<vmem>>, vector<1x16xi32>,
      %get3A_454 = arith.index_cast %scan3A_286 : i32 to index
      %get3A_455 = arith.constant 80 : index
      %get3A_456 = tpu.vector_load %arg7[%get3A_454, %get3A_455] {strides = array<i32>} : memref<14x112xi32, #tpu.memory_space<vmem>>, vector<1x16xi32>,
      %get3A_457 = vector.shape_cast %get3A_456 : vector<1x16xi32> to vector<16xi32>
      %get3A_458 = arith.index_cast %scan3A_286 : i32 to index
      %get3A_459 = arith.constant 80 : index
      %get3A_460 = tpu.vector_load %arg8[%get3A_458, %get3A_459] {strides = array<i32>} : memref<14x112xi32, #tpu.memory_space<vmem>>, vector<1x16xi32>,
      %get3A_461 = vector.shape_cast %get3A_460 : vector<1x16xi32> to vector<16xi32>
      %get3A_462 = arith.index_cast %scan3A_286 : i32 to index
      %get3A_463 = arith.constant 80 : index
      %get3A_464 = tpu.vector_load %arg9[%get3A_462, %get3A_463] {strides = array<i32>} : memref<14x112xi32, #tpu.memory_space<vmem>>, vector<1x16xi32>,
      %get3A_465 = vector.shape_cast %get3A_464 : vector<1x16xi32> to vector<16xi32>
      %shift_right_arithmetic3A_466 = arith.constant 1 : i32
      %shift_right_arithmetic3A_467 = vector.broadcast %shift_right_arithmetic3A_466 : i32 to vector<16xi32>
      %shift_right_arithmetic3A_468 = arith.shrsi %get3A_457, %shift_right_arithmetic3A_467 : vector<16xi32>
      %mul3A_469 = arith.constant 1024 : i32
      %mul3A_470 = vector.broadcast %mul3A_469 : i32 to vector<16xi32>
      %mul3A_471 = arith.muli %shift_right_arithmetic3A_468, %mul3A_470 : vector<16xi32>
      %shift_right_arithmetic3A_472 = arith.constant 1 : i32
      %shift_right_arithmetic3A_473 = vector.broadcast %shift_right_arithmetic3A_472 : i32 to vector<16xi32>
      %shift_right_arithmetic3A_474 = arith.shrsi %get3A_461, %shift_right_arithmetic3A_473 : vector<16xi32>
      %mul3A_475 = arith.constant 32 : i32
      %mul3A_476 = vector.broadcast %mul3A_475 : i32 to vector<16xi32>
      %mul3A_477 = arith.muli %shift_right_arithmetic3A_474, %mul3A_476 : vector<16xi32>
      %add3A_478 = arith.addi %mul3A_471, %mul3A_477 : vector<16xi32>
      %shift_right_arithmetic3A_479 = arith.constant 1 : i32
      %shift_right_arithmetic3A_480 = vector.broadcast %shift_right_arithmetic3A_479 : i32 to vector<16xi32>
      %shift_right_arithmetic3A_481 = arith.shrsi %get3A_465, %shift_right_arithmetic3A_480 : vector<16xi32>
      %add3A_482 = arith.addi %add3A_478, %shift_right_arithmetic3A_481 : vector<16xi32>
      %swap3A_483 = arith.index_cast %scan3A_286 : i32 to index
      %swap3A_484 = arith.constant 80 : index
      %swap3A_485 = tpu.vector_load %arg10[%swap3A_483, %swap3A_484] {strides = array<i32>} : memref<14x112xi32, #tpu.memory_space<vmem>>, vector<1x16xi32>,
      %swap3A_486 = vector.shape_cast %swap3A_485 : vector<1x16xi32> to vector<16xi32>
      %swap3A_487 = vector.shape_cast %add3A_482 : vector<16xi32> to vector<1x16xi32>
      tpu.vector_store %arg10[%swap3A_483, %swap3A_484], %swap3A_487 {strides = array<i32>} : memref<14x112xi32, #tpu.memory_space<vmem>>, vector<1x16xi32>,
      %get3A_488 = arith.index_cast %scan3A_286 : i32 to index
      %get3A_489 = arith.constant 96 : index
      %get3A_490 = tpu.vector_load %arg7[%get3A_488, %get3A_489] {strides = array<i32>} : memref<14x112xi32, #tpu.memory_space<vmem>>, vector<1x16xi32>,
      %get3A_491 = vector.shape_cast %get3A_490 : vector<1x16xi32> to vector<16xi32>
      %get3A_492 = arith.index_cast %scan3A_286 : i32 to index
      %get3A_493 = arith.constant 96 : index
      %get3A_494 = tpu.vector_load %arg8[%get3A_492, %get3A_493] {strides = array<i32>} : memref<14x112xi32, #tpu.memory_space<vmem>>, vector<1x16xi32>,
      %get3A_495 = vector.shape_cast %get3A_494 : vector<1x16xi32> to vector<16xi32>
      %get3A_496 = arith.index_cast %scan3A_286 : i32 to index
      %get3A_497 = arith.constant 96 : index
      %get3A_498 = tpu.vector_load %arg9[%get3A_496, %get3A_497] {strides = array<i32>} : memref<14x112xi32, #tpu.memory_space<vmem>>, vector<1x16xi32>,
      %get3A_499 = vector.shape_cast %get3A_498 : vector<1x16xi32> to vector<16xi32>
      %shift_right_arithmetic3A_500 = arith.constant 1 : i32
      %shift_right_arithmetic3A_501 = vector.broadcast %shift_right_arithmetic3A_500 : i32 to vector<16xi32>
      %shift_right_arithmetic3A_502 = arith.shrsi %get3A_491, %shift_right_arithmetic3A_501 : vector<16xi32>
      %mul3A_503 = arith.constant 1024 : i32
      %mul3A_504 = vector.broadcast %mul3A_503 : i32 to vector<16xi32>
      %mul3A_505 = arith.muli %shift_right_arithmetic3A_502, %mul3A_504 : vector<16xi32>
      %shift_right_arithmetic3A_506 = arith.constant 1 : i32
      %shift_right_arithmetic3A_507 = vector.broadcast %shift_right_arithmetic3A_506 : i32 to vector<16xi32>
      %shift_right_arithmetic3A_508 = arith.shrsi %get3A_495, %shift_right_arithmetic3A_507 : vector<16xi32>
      %mul3A_509 = arith.constant 32 : i32
      %mul3A_510 = vector.broadcast %mul3A_509 : i32 to vector<16xi32>
      %mul3A_511 = arith.muli %shift_right_arithmetic3A_508, %mul3A_510 : vector<16xi32>
      %add3A_512 = arith.addi %mul3A_505, %mul3A_511 : vector<16xi32>
      %shift_right_arithmetic3A_513 = arith.constant 1 : i32
      %shift_right_arithmetic3A_514 = vector.broadcast %shift_right_arithmetic3A_513 : i32 to vector<16xi32>
      %shift_right_arithmetic3A_515 = arith.shrsi %get3A_499, %shift_right_arithmetic3A_514 : vector<16xi32>
      %add3A_516 = arith.addi %add3A_512, %shift_right_arithmetic3A_515 : vector<16xi32>
      %swap3A_517 = arith.index_cast %scan3A_286 : i32 to index
      %swap3A_518 = arith.constant 96 : index
      %swap3A_519 = tpu.vector_load %arg10[%swap3A_517, %swap3A_518] {strides = array<i32>} : memref<14x112xi32, #tpu.memory_space<vmem>>, vector<1x16xi32>,
      %swap3A_520 = vector.shape_cast %swap3A_519 : vector<1x16xi32> to vector<16xi32>
      %swap3A_521 = vector.shape_cast %add3A_516 : vector<16xi32> to vector<1x16xi32>
      tpu.vector_store %arg10[%swap3A_517, %swap3A_518], %swap3A_521 {strides = array<i32>} : memref<14x112xi32, #tpu.memory_space<vmem>>, vector<1x16xi32>,
    }
    %scan3A_5 = arith.constant 14 : i32
    %dma_start3A = arith.constant 0 : i32
    %dma_start3A_6 = arith.constant 0 : i32
    %dma_start3A_7 = arith.constant 0 : i32
    %dma_start3A_8 = tpu.memref_slice %arg11[%dma_start3A_6, %dma_start3A_7] : memref<1568x64xf32, #tpu.memory_space<vmem>> -> memref<112x64xf32, #tpu.memory_space<vmem>>
    %dma_start3A_9 = arith.constant 0 : i32
    %dma_start3A_10 = tpu.memref_slice %arg10[%dma_start3A, %dma_start3A_9] : memref<14x112xi32, #tpu.memory_space<vmem>> -> memref<1x112xi32, #tpu.memory_space<vmem>>
    %dma_start3A_11 = tpu.memref_squeeze %dma_start3A_10 : memref<1x112xi32, #tpu.memory_space<vmem>> -> memref<112xi32, #tpu.memory_space<vmem>>
    %dma_start3A_12 = arith.constant 0 : i32
    %dma_start3A_13 = arith.constant 0 : i32
    %dma_start3A_14 = tpu.memref_slice %arg2[%dma_start3A_12, %dma_start3A_13] : memref<32768x64xf32, #tpu.memory_space<hbm>> -> memref<32768x64xf32, #tpu.memory_space<hbm>>
    tpu.enqueue_indirect_dma source(%dma_start3A_14 : memref<32768x64xf32, #tpu.memory_space<hbm>>) target(%dma_start3A_8 : memref<112x64xf32, #tpu.memory_space<vmem>>) offsets(%dma_start3A_11 : memref<112xi32, #tpu.memory_space<vmem>>) semaphore(%arg12 : memref<!tpu.dma_semaphore, #tpu.memory_space<semaphore_mem>>)
    %dma_start3A_15 = arith.constant 1 : i32
    %dma_start3A_16 = arith.constant 112 : i32
    %dma_start3A_17 = arith.constant 0 : i32
    %dma_start3A_18 = tpu.memref_slice %arg11[%dma_start3A_16, %dma_start3A_17] : memref<1568x64xf32, #tpu.memory_space<vmem>> -> memref<112x64xf32, #tpu.memory_space<vmem>>
    %dma_start3A_19 = arith.constant 0 : i32
    %dma_start3A_20 = tpu.memref_slice %arg10[%dma_start3A_15, %dma_start3A_19] : memref<14x112xi32, #tpu.memory_space<vmem>> -> memref<1x112xi32, #tpu.memory_space<vmem>>
    %dma_start3A_21 = tpu.memref_squeeze %dma_start3A_20 : memref<1x112xi32, #tpu.memory_space<vmem>> -> memref<112xi32, #tpu.memory_space<vmem>>
    %dma_start3A_22 = arith.constant 0 : i32
    %dma_start3A_23 = arith.constant 0 : i32
    %dma_start3A_24 = tpu.memref_slice %arg2[%dma_start3A_22, %dma_start3A_23] : memref<32768x64xf32, #tpu.memory_space<hbm>> -> memref<32768x64xf32, #tpu.memory_space<hbm>>
    tpu.enqueue_indirect_dma source(%dma_start3A_24 : memref<32768x64xf32, #tpu.memory_space<hbm>>) target(%dma_start3A_18 : memref<112x64xf32, #tpu.memory_space<vmem>>) offsets(%dma_start3A_21 : memref<112xi32, #tpu.memory_space<vmem>>) semaphore(%arg12 : memref<!tpu.dma_semaphore, #tpu.memory_space<semaphore_mem>>)
    %dma_start3A_25 = arith.constant 2 : i32
    %dma_start3A_26 = arith.constant 224 : i32
    %dma_start3A_27 = arith.constant 0 : i32
    %dma_start3A_28 = tpu.memref_slice %arg11[%dma_start3A_26, %dma_start3A_27] : memref<1568x64xf32, #tpu.memory_space<vmem>> -> memref<112x64xf32, #tpu.memory_space<vmem>>
    %dma_start3A_29 = arith.constant 0 : i32
    %dma_start3A_30 = tpu.memref_slice %arg10[%dma_start3A_25, %dma_start3A_29] : memref<14x112xi32, #tpu.memory_space<vmem>> -> memref<1x112xi32, #tpu.memory_space<vmem>>
    %dma_start3A_31 = tpu.memref_squeeze %dma_start3A_30 : memref<1x112xi32, #tpu.memory_space<vmem>> -> memref<112xi32, #tpu.memory_space<vmem>>
    %dma_start3A_32 = arith.constant 0 : i32
    %dma_start3A_33 = arith.constant 0 : i32
    %dma_start3A_34 = tpu.memref_slice %arg2[%dma_start3A_32, %dma_start3A_33] : memref<32768x64xf32, #tpu.memory_space<hbm>> -> memref<32768x64xf32, #tpu.memory_space<hbm>>
    tpu.enqueue_indirect_dma source(%dma_start3A_34 : memref<32768x64xf32, #tpu.memory_space<hbm>>) target(%dma_start3A_28 : memref<112x64xf32, #tpu.memory_space<vmem>>) offsets(%dma_start3A_31 : memref<112xi32, #tpu.memory_space<vmem>>) semaphore(%arg12 : memref<!tpu.dma_semaphore, #tpu.memory_space<semaphore_mem>>)
    %dma_start3A_35 = arith.constant 3 : i32
    %dma_start3A_36 = arith.constant 336 : i32
    %dma_start3A_37 = arith.constant 0 : i32
    %dma_start3A_38 = tpu.memref_slice %arg11[%dma_start3A_36, %dma_start3A_37] : memref<1568x64xf32, #tpu.memory_space<vmem>> -> memref<112x64xf32, #tpu.memory_space<vmem>>
    %dma_start3A_39 = arith.constant 0 : i32
    %dma_start3A_40 = tpu.memref_slice %arg10[%dma_start3A_35, %dma_start3A_39] : memref<14x112xi32, #tpu.memory_space<vmem>> -> memref<1x112xi32, #tpu.memory_space<vmem>>
    %dma_start3A_41 = tpu.memref_squeeze %dma_start3A_40 : memref<1x112xi32, #tpu.memory_space<vmem>> -> memref<112xi32, #tpu.memory_space<vmem>>
    %dma_start3A_42 = arith.constant 0 : i32
    %dma_start3A_43 = arith.constant 0 : i32
    %dma_start3A_44 = tpu.memref_slice %arg2[%dma_start3A_42, %dma_start3A_43] : memref<32768x64xf32, #tpu.memory_space<hbm>> -> memref<32768x64xf32, #tpu.memory_space<hbm>>
    tpu.enqueue_indirect_dma source(%dma_start3A_44 : memref<32768x64xf32, #tpu.memory_space<hbm>>) target(%dma_start3A_38 : memref<112x64xf32, #tpu.memory_space<vmem>>) offsets(%dma_start3A_41 : memref<112xi32, #tpu.memory_space<vmem>>) semaphore(%arg12 : memref<!tpu.dma_semaphore, #tpu.memory_space<semaphore_mem>>)
    %dma_start3A_45 = arith.constant 4 : i32
    %dma_start3A_46 = arith.constant 448 : i32
    %dma_start3A_47 = arith.constant 0 : i32
    %dma_start3A_48 = tpu.memref_slice %arg11[%dma_start3A_46, %dma_start3A_47] : memref<1568x64xf32, #tpu.memory_space<vmem>> -> memref<112x64xf32, #tpu.memory_space<vmem>>
    %dma_start3A_49 = arith.constant 0 : i32
    %dma_start3A_50 = tpu.memref_slice %arg10[%dma_start3A_45, %dma_start3A_49] : memref<14x112xi32, #tpu.memory_space<vmem>> -> memref<1x112xi32, #tpu.memory_space<vmem>>
    %dma_start3A_51 = tpu.memref_squeeze %dma_start3A_50 : memref<1x112xi32, #tpu.memory_space<vmem>> -> memref<112xi32, #tpu.memory_space<vmem>>
    %dma_start3A_52 = arith.constant 0 : i32
    %dma_start3A_53 = arith.constant 0 : i32
    %dma_start3A_54 = tpu.memref_slice %arg2[%dma_start3A_52, %dma_start3A_53] : memref<32768x64xf32, #tpu.memory_space<hbm>> -> memref<32768x64xf32, #tpu.memory_space<hbm>>
    tpu.enqueue_indirect_dma source(%dma_start3A_54 : memref<32768x64xf32, #tpu.memory_space<hbm>>) target(%dma_start3A_48 : memref<112x64xf32, #tpu.memory_space<vmem>>) offsets(%dma_start3A_51 : memref<112xi32, #tpu.memory_space<vmem>>) semaphore(%arg12 : memref<!tpu.dma_semaphore, #tpu.memory_space<semaphore_mem>>)
    %dma_start3A_55 = arith.constant 5 : i32
    %dma_start3A_56 = arith.constant 560 : i32
    %dma_start3A_57 = arith.constant 0 : i32
    %dma_start3A_58 = tpu.memref_slice %arg11[%dma_start3A_56, %dma_start3A_57] : memref<1568x64xf32, #tpu.memory_space<vmem>> -> memref<112x64xf32, #tpu.memory_space<vmem>>
    %dma_start3A_59 = arith.constant 0 : i32
    %dma_start3A_60 = tpu.memref_slice %arg10[%dma_start3A_55, %dma_start3A_59] : memref<14x112xi32, #tpu.memory_space<vmem>> -> memref<1x112xi32, #tpu.memory_space<vmem>>
    %dma_start3A_61 = tpu.memref_squeeze %dma_start3A_60 : memref<1x112xi32, #tpu.memory_space<vmem>> -> memref<112xi32, #tpu.memory_space<vmem>>
    %dma_start3A_62 = arith.constant 0 : i32
    %dma_start3A_63 = arith.constant 0 : i32
    %dma_start3A_64 = tpu.memref_slice %arg2[%dma_start3A_62, %dma_start3A_63] : memref<32768x64xf32, #tpu.memory_space<hbm>> -> memref<32768x64xf32, #tpu.memory_space<hbm>>
    tpu.enqueue_indirect_dma source(%dma_start3A_64 : memref<32768x64xf32, #tpu.memory_space<hbm>>) target(%dma_start3A_58 : memref<112x64xf32, #tpu.memory_space<vmem>>) offsets(%dma_start3A_61 : memref<112xi32, #tpu.memory_space<vmem>>) semaphore(%arg12 : memref<!tpu.dma_semaphore, #tpu.memory_space<semaphore_mem>>)
    %dma_start3A_65 = arith.constant 6 : i32
    %dma_start3A_66 = arith.constant 672 : i32
    %dma_start3A_67 = arith.constant 0 : i32
    %dma_start3A_68 = tpu.memref_slice %arg11[%dma_start3A_66, %dma_start3A_67] : memref<1568x64xf32, #tpu.memory_space<vmem>> -> memref<112x64xf32, #tpu.memory_space<vmem>>
    %dma_start3A_69 = arith.constant 0 : i32
    %dma_start3A_70 = tpu.memref_slice %arg10[%dma_start3A_65, %dma_start3A_69] : memref<14x112xi32, #tpu.memory_space<vmem>> -> memref<1x112xi32, #tpu.memory_space<vmem>>
    %dma_start3A_71 = tpu.memref_squeeze %dma_start3A_70 : memref<1x112xi32, #tpu.memory_space<vmem>> -> memref<112xi32, #tpu.memory_space<vmem>>
    %dma_start3A_72 = arith.constant 0 : i32
    %dma_start3A_73 = arith.constant 0 : i32
    %dma_start3A_74 = tpu.memref_slice %arg2[%dma_start3A_72, %dma_start3A_73] : memref<32768x64xf32, #tpu.memory_space<hbm>> -> memref<32768x64xf32, #tpu.memory_space<hbm>>
    tpu.enqueue_indirect_dma source(%dma_start3A_74 : memref<32768x64xf32, #tpu.memory_space<hbm>>) target(%dma_start3A_68 : memref<112x64xf32, #tpu.memory_space<vmem>>) offsets(%dma_start3A_71 : memref<112xi32, #tpu.memory_space<vmem>>) semaphore(%arg12 : memref<!tpu.dma_semaphore, #tpu.memory_space<semaphore_mem>>)
    %dma_start3A_75 = arith.constant 7 : i32
    %dma_start3A_76 = arith.constant 784 : i32
    %dma_start3A_77 = arith.constant 0 : i32
    %dma_start3A_78 = tpu.memref_slice %arg11[%dma_start3A_76, %dma_start3A_77] : memref<1568x64xf32, #tpu.memory_space<vmem>> -> memref<112x64xf32, #tpu.memory_space<vmem>>
    %dma_start3A_79 = arith.constant 0 : i32
    %dma_start3A_80 = tpu.memref_slice %arg10[%dma_start3A_75, %dma_start3A_79] : memref<14x112xi32, #tpu.memory_space<vmem>> -> memref<1x112xi32, #tpu.memory_space<vmem>>
    %dma_start3A_81 = tpu.memref_squeeze %dma_start3A_80 : memref<1x112xi32, #tpu.memory_space<vmem>> -> memref<112xi32, #tpu.memory_space<vmem>>
    %dma_start3A_82 = arith.constant 0 : i32
    %dma_start3A_83 = arith.constant 0 : i32
    %dma_start3A_84 = tpu.memref_slice %arg2[%dma_start3A_82, %dma_start3A_83] : memref<32768x64xf32, #tpu.memory_space<hbm>> -> memref<32768x64xf32, #tpu.memory_space<hbm>>
    tpu.enqueue_indirect_dma source(%dma_start3A_84 : memref<32768x64xf32, #tpu.memory_space<hbm>>) target(%dma_start3A_78 : memref<112x64xf32, #tpu.memory_space<vmem>>) offsets(%dma_start3A_81 : memref<112xi32, #tpu.memory_space<vmem>>) semaphore(%arg12 : memref<!tpu.dma_semaphore, #tpu.memory_space<semaphore_mem>>)
    %dma_start3A_85 = arith.constant 8 : i32
    %dma_start3A_86 = arith.constant 896 : i32
    %dma_start3A_87 = arith.constant 0 : i32
    %dma_start3A_88 = tpu.memref_slice %arg11[%dma_start3A_86, %dma_start3A_87] : memref<1568x64xf32, #tpu.memory_space<vmem>> -> memref<112x64xf32, #tpu.memory_space<vmem>>
    %dma_start3A_89 = arith.constant 0 : i32
    %dma_start3A_90 = tpu.memref_slice %arg10[%dma_start3A_85, %dma_start3A_89] : memref<14x112xi32, #tpu.memory_space<vmem>> -> memref<1x112xi32, #tpu.memory_space<vmem>>
    %dma_start3A_91 = tpu.memref_squeeze %dma_start3A_90 : memref<1x112xi32, #tpu.memory_space<vmem>> -> memref<112xi32, #tpu.memory_space<vmem>>
    %dma_start3A_92 = arith.constant 0 : i32
    %dma_start3A_93 = arith.constant 0 : i32
    %dma_start3A_94 = tpu.memref_slice %arg2[%dma_start3A_92, %dma_start3A_93] : memref<32768x64xf32, #tpu.memory_space<hbm>> -> memref<32768x64xf32, #tpu.memory_space<hbm>>
    tpu.enqueue_indirect_dma source(%dma_start3A_94 : memref<32768x64xf32, #tpu.memory_space<hbm>>) target(%dma_start3A_88 : memref<112x64xf32, #tpu.memory_space<vmem>>) offsets(%dma_start3A_91 : memref<112xi32, #tpu.memory_space<vmem>>) semaphore(%arg12 : memref<!tpu.dma_semaphore, #tpu.memory_space<semaphore_mem>>)
    %dma_start3A_95 = arith.constant 9 : i32
    %dma_start3A_96 = arith.constant 1008 : i32
    %dma_start3A_97 = arith.constant 0 : i32
    %dma_start3A_98 = tpu.memref_slice %arg11[%dma_start3A_96, %dma_start3A_97] : memref<1568x64xf32, #tpu.memory_space<vmem>> -> memref<112x64xf32, #tpu.memory_space<vmem>>
    %dma_start3A_99 = arith.constant 0 : i32
    %dma_start3A_100 = tpu.memref_slice %arg10[%dma_start3A_95, %dma_start3A_99] : memref<14x112xi32, #tpu.memory_space<vmem>> -> memref<1x112xi32, #tpu.memory_space<vmem>>
    %dma_start3A_101 = tpu.memref_squeeze %dma_start3A_100 : memref<1x112xi32, #tpu.memory_space<vmem>> -> memref<112xi32, #tpu.memory_space<vmem>>
    %dma_start3A_102 = arith.constant 0 : i32
    %dma_start3A_103 = arith.constant 0 : i32
    %dma_start3A_104 = tpu.memref_slice %arg2[%dma_start3A_102, %dma_start3A_103] : memref<32768x64xf32, #tpu.memory_space<hbm>> -> memref<32768x64xf32, #tpu.memory_space<hbm>>
    tpu.enqueue_indirect_dma source(%dma_start3A_104 : memref<32768x64xf32, #tpu.memory_space<hbm>>) target(%dma_start3A_98 : memref<112x64xf32, #tpu.memory_space<vmem>>) offsets(%dma_start3A_101 : memref<112xi32, #tpu.memory_space<vmem>>) semaphore(%arg12 : memref<!tpu.dma_semaphore, #tpu.memory_space<semaphore_mem>>)
    %dma_start3A_105 = arith.constant 10 : i32
    %dma_start3A_106 = arith.constant 1120 : i32
    %dma_start3A_107 = arith.constant 0 : i32
    %dma_start3A_108 = tpu.memref_slice %arg11[%dma_start3A_106, %dma_start3A_107] : memref<1568x64xf32, #tpu.memory_space<vmem>> -> memref<112x64xf32, #tpu.memory_space<vmem>>
    %dma_start3A_109 = arith.constant 0 : i32
    %dma_start3A_110 = tpu.memref_slice %arg10[%dma_start3A_105, %dma_start3A_109] : memref<14x112xi32, #tpu.memory_space<vmem>> -> memref<1x112xi32, #tpu.memory_space<vmem>>
    %dma_start3A_111 = tpu.memref_squeeze %dma_start3A_110 : memref<1x112xi32, #tpu.memory_space<vmem>> -> memref<112xi32, #tpu.memory_space<vmem>>
    %dma_start3A_112 = arith.constant 0 : i32
    %dma_start3A_113 = arith.constant 0 : i32
    %dma_start3A_114 = tpu.memref_slice %arg2[%dma_start3A_112, %dma_start3A_113] : memref<32768x64xf32, #tpu.memory_space<hbm>> -> memref<32768x64xf32, #tpu.memory_space<hbm>>
    tpu.enqueue_indirect_dma source(%dma_start3A_114 : memref<32768x64xf32, #tpu.memory_space<hbm>>) target(%dma_start3A_108 : memref<112x64xf32, #tpu.memory_space<vmem>>) offsets(%dma_start3A_111 : memref<112xi32, #tpu.memory_space<vmem>>) semaphore(%arg12 : memref<!tpu.dma_semaphore, #tpu.memory_space<semaphore_mem>>)
    %dma_start3A_115 = arith.constant 11 : i32
    %dma_start3A_116 = arith.constant 1232 : i32
    %dma_start3A_117 = arith.constant 0 : i32
    %dma_start3A_118 = tpu.memref_slice %arg11[%dma_start3A_116, %dma_start3A_117] : memref<1568x64xf32, #tpu.memory_space<vmem>> -> memref<112x64xf32, #tpu.memory_space<vmem>>
    %dma_start3A_119 = arith.constant 0 : i32
    %dma_start3A_120 = tpu.memref_slice %arg10[%dma_start3A_115, %dma_start3A_119] : memref<14x112xi32, #tpu.memory_space<vmem>> -> memref<1x112xi32, #tpu.memory_space<vmem>>
    %dma_start3A_121 = tpu.memref_squeeze %dma_start3A_120 : memref<1x112xi32, #tpu.memory_space<vmem>> -> memref<112xi32, #tpu.memory_space<vmem>>
    %dma_start3A_122 = arith.constant 0 : i32
    %dma_start3A_123 = arith.constant 0 : i32
    %dma_start3A_124 = tpu.memref_slice %arg2[%dma_start3A_122, %dma_start3A_123] : memref<32768x64xf32, #tpu.memory_space<hbm>> -> memref<32768x64xf32, #tpu.memory_space<hbm>>
    tpu.enqueue_indirect_dma source(%dma_start3A_124 : memref<32768x64xf32, #tpu.memory_space<hbm>>) target(%dma_start3A_118 : memref<112x64xf32, #tpu.memory_space<vmem>>) offsets(%dma_start3A_121 : memref<112xi32, #tpu.memory_space<vmem>>) semaphore(%arg12 : memref<!tpu.dma_semaphore, #tpu.memory_space<semaphore_mem>>)
    %dma_start3A_125 = arith.constant 12 : i32
    %dma_start3A_126 = arith.constant 1344 : i32
    %dma_start3A_127 = arith.constant 0 : i32
    %dma_start3A_128 = tpu.memref_slice %arg11[%dma_start3A_126, %dma_start3A_127] : memref<1568x64xf32, #tpu.memory_space<vmem>> -> memref<112x64xf32, #tpu.memory_space<vmem>>
    %dma_start3A_129 = arith.constant 0 : i32
    %dma_start3A_130 = tpu.memref_slice %arg10[%dma_start3A_125, %dma_start3A_129] : memref<14x112xi32, #tpu.memory_space<vmem>> -> memref<1x112xi32, #tpu.memory_space<vmem>>
    %dma_start3A_131 = tpu.memref_squeeze %dma_start3A_130 : memref<1x112xi32, #tpu.memory_space<vmem>> -> memref<112xi32, #tpu.memory_space<vmem>>
    %dma_start3A_132 = arith.constant 0 : i32
    %dma_start3A_133 = arith.constant 0 : i32
    %dma_start3A_134 = tpu.memref_slice %arg2[%dma_start3A_132, %dma_start3A_133] : memref<32768x64xf32, #tpu.memory_space<hbm>> -> memref<32768x64xf32, #tpu.memory_space<hbm>>
    tpu.enqueue_indirect_dma source(%dma_start3A_134 : memref<32768x64xf32, #tpu.memory_space<hbm>>) target(%dma_start3A_128 : memref<112x64xf32, #tpu.memory_space<vmem>>) offsets(%dma_start3A_131 : memref<112xi32, #tpu.memory_space<vmem>>) semaphore(%arg12 : memref<!tpu.dma_semaphore, #tpu.memory_space<semaphore_mem>>)
    %dma_start3A_135 = arith.constant 13 : i32
    %dma_start3A_136 = arith.constant 1456 : i32
    %dma_start3A_137 = arith.constant 0 : i32
    %dma_start3A_138 = tpu.memref_slice %arg11[%dma_start3A_136, %dma_start3A_137] : memref<1568x64xf32, #tpu.memory_space<vmem>> -> memref<112x64xf32, #tpu.memory_space<vmem>>
    %dma_start3A_139 = arith.constant 0 : i32
    %dma_start3A_140 = tpu.memref_slice %arg10[%dma_start3A_135, %dma_start3A_139] : memref<14x112xi32, #tpu.memory_space<vmem>> -> memref<1x112xi32, #tpu.memory_space<vmem>>
    %dma_start3A_141 = tpu.memref_squeeze %dma_start3A_140 : memref<1x112xi32, #tpu.memory_space<vmem>> -> memref<112xi32, #tpu.memory_space<vmem>>
    %dma_start3A_142 = arith.constant 0 : i32
    %dma_start3A_143 = arith.constant 0 : i32
    %dma_start3A_144 = tpu.memref_slice %arg2[%dma_start3A_142, %dma_start3A_143] : memref<32768x64xf32, #tpu.memory_space<hbm>> -> memref<32768x64xf32, #tpu.memory_space<hbm>>
    tpu.enqueue_indirect_dma source(%dma_start3A_144 : memref<32768x64xf32, #tpu.memory_space<hbm>>) target(%dma_start3A_138 : memref<112x64xf32, #tpu.memory_space<vmem>>) offsets(%dma_start3A_141 : memref<112xi32, #tpu.memory_space<vmem>>) semaphore(%arg12 : memref<!tpu.dma_semaphore, #tpu.memory_space<semaphore_mem>>)
    %dma_wait3A = arith.constant 0 : i32
    %dma_wait3A_145 = arith.constant 0 : i32
    %dma_wait3A_146 = arith.constant 0 : i32
    %dma_wait3A_147 = tpu.memref_slice %arg11[%dma_wait3A_145, %dma_wait3A_146] : memref<1568x64xf32, #tpu.memory_space<vmem>> -> memref<112x64xf32, #tpu.memory_space<vmem>>
    %dma_wait3A_148 = arith.constant 0 : i32
    %dma_wait3A_149 = tpu.memref_slice %arg10[%dma_wait3A, %dma_wait3A_148] : memref<14x112xi32, #tpu.memory_space<vmem>> -> memref<1x112xi32, #tpu.memory_space<vmem>>
    %dma_wait3A_150 = tpu.memref_squeeze %dma_wait3A_149 : memref<1x112xi32, #tpu.memory_space<vmem>> -> memref<112xi32, #tpu.memory_space<vmem>>
    %dma_wait3A_151 = arith.constant 0 : i32
    %dma_wait3A_152 = arith.constant 0 : i32
    %dma_wait3A_153 = tpu.memref_slice %arg2[%dma_wait3A_151, %dma_wait3A_152] : memref<32768x64xf32, #tpu.memory_space<hbm>> -> memref<32768x64xf32, #tpu.memory_space<hbm>>
    tpu.wait_indirect_dma semaphore(%arg12 : memref<!tpu.dma_semaphore, #tpu.memory_space<semaphore_mem>>) src(%dma_wait3A_153 : memref<32768x64xf32, #tpu.memory_space<hbm>>) dst(%dma_wait3A_147 : memref<112x64xf32, #tpu.memory_space<vmem>>)
    %dma_wait3A_154 = arith.constant 1 : i32
    %dma_wait3A_155 = arith.constant 112 : i32
    %dma_wait3A_156 = arith.constant 0 : i32
    %dma_wait3A_157 = tpu.memref_slice %arg11[%dma_wait3A_155, %dma_wait3A_156] : memref<1568x64xf32, #tpu.memory_space<vmem>> -> memref<112x64xf32, #tpu.memory_space<vmem>>
    %dma_wait3A_158 = arith.constant 0 : i32
    %dma_wait3A_159 = tpu.memref_slice %arg10[%dma_wait3A_154, %dma_wait3A_158] : memref<14x112xi32, #tpu.memory_space<vmem>> -> memref<1x112xi32, #tpu.memory_space<vmem>>
    %dma_wait3A_160 = tpu.memref_squeeze %dma_wait3A_159 : memref<1x112xi32, #tpu.memory_space<vmem>> -> memref<112xi32, #tpu.memory_space<vmem>>
    %dma_wait3A_161 = arith.constant 0 : i32
    %dma_wait3A_162 = arith.constant 0 : i32
    %dma_wait3A_163 = tpu.memref_slice %arg2[%dma_wait3A_161, %dma_wait3A_162] : memref<32768x64xf32, #tpu.memory_space<hbm>> -> memref<32768x64xf32, #tpu.memory_space<hbm>>
    tpu.wait_indirect_dma semaphore(%arg12 : memref<!tpu.dma_semaphore, #tpu.memory_space<semaphore_mem>>) src(%dma_wait3A_163 : memref<32768x64xf32, #tpu.memory_space<hbm>>) dst(%dma_wait3A_157 : memref<112x64xf32, #tpu.memory_space<vmem>>)
    %dma_wait3A_164 = arith.constant 2 : i32
    %dma_wait3A_165 = arith.constant 224 : i32
    %dma_wait3A_166 = arith.constant 0 : i32
    %dma_wait3A_167 = tpu.memref_slice %arg11[%dma_wait3A_165, %dma_wait3A_166] : memref<1568x64xf32, #tpu.memory_space<vmem>> -> memref<112x64xf32, #tpu.memory_space<vmem>>
    %dma_wait3A_168 = arith.constant 0 : i32
    %dma_wait3A_169 = tpu.memref_slice %arg10[%dma_wait3A_164, %dma_wait3A_168] : memref<14x112xi32, #tpu.memory_space<vmem>> -> memref<1x112xi32, #tpu.memory_space<vmem>>
    %dma_wait3A_170 = tpu.memref_squeeze %dma_wait3A_169 : memref<1x112xi32, #tpu.memory_space<vmem>> -> memref<112xi32, #tpu.memory_space<vmem>>
    %dma_wait3A_171 = arith.constant 0 : i32
    %dma_wait3A_172 = arith.constant 0 : i32
    %dma_wait3A_173 = tpu.memref_slice %arg2[%dma_wait3A_171, %dma_wait3A_172] : memref<32768x64xf32, #tpu.memory_space<hbm>> -> memref<32768x64xf32, #tpu.memory_space<hbm>>
    tpu.wait_indirect_dma semaphore(%arg12 : memref<!tpu.dma_semaphore, #tpu.memory_space<semaphore_mem>>) src(%dma_wait3A_173 : memref<32768x64xf32, #tpu.memory_space<hbm>>) dst(%dma_wait3A_167 : memref<112x64xf32, #tpu.memory_space<vmem>>)
    %dma_wait3A_174 = arith.constant 3 : i32
    %dma_wait3A_175 = arith.constant 336 : i32
    %dma_wait3A_176 = arith.constant 0 : i32
    %dma_wait3A_177 = tpu.memref_slice %arg11[%dma_wait3A_175, %dma_wait3A_176] : memref<1568x64xf32, #tpu.memory_space<vmem>> -> memref<112x64xf32, #tpu.memory_space<vmem>>
    %dma_wait3A_178 = arith.constant 0 : i32
    %dma_wait3A_179 = tpu.memref_slice %arg10[%dma_wait3A_174, %dma_wait3A_178] : memref<14x112xi32, #tpu.memory_space<vmem>> -> memref<1x112xi32, #tpu.memory_space<vmem>>
    %dma_wait3A_180 = tpu.memref_squeeze %dma_wait3A_179 : memref<1x112xi32, #tpu.memory_space<vmem>> -> memref<112xi32, #tpu.memory_space<vmem>>
    %dma_wait3A_181 = arith.constant 0 : i32
    %dma_wait3A_182 = arith.constant 0 : i32
    %dma_wait3A_183 = tpu.memref_slice %arg2[%dma_wait3A_181, %dma_wait3A_182] : memref<32768x64xf32, #tpu.memory_space<hbm>> -> memref<32768x64xf32, #tpu.memory_space<hbm>>
    tpu.wait_indirect_dma semaphore(%arg12 : memref<!tpu.dma_semaphore, #tpu.memory_space<semaphore_mem>>) src(%dma_wait3A_183 : memref<32768x64xf32, #tpu.memory_space<hbm>>) dst(%dma_wait3A_177 : memref<112x64xf32, #tpu.memory_space<vmem>>)
    %dma_wait3A_184 = arith.constant 4 : i32
    %dma_wait3A_185 = arith.constant 448 : i32
    %dma_wait3A_186 = arith.constant 0 : i32
    %dma_wait3A_187 = tpu.memref_slice %arg11[%dma_wait3A_185, %dma_wait3A_186] : memref<1568x64xf32, #tpu.memory_space<vmem>> -> memref<112x64xf32, #tpu.memory_space<vmem>>
    %dma_wait3A_188 = arith.constant 0 : i32
    %dma_wait3A_189 = tpu.memref_slice %arg10[%dma_wait3A_184, %dma_wait3A_188] : memref<14x112xi32, #tpu.memory_space<vmem>> -> memref<1x112xi32, #tpu.memory_space<vmem>>
    %dma_wait3A_190 = tpu.memref_squeeze %dma_wait3A_189 : memref<1x112xi32, #tpu.memory_space<vmem>> -> memref<112xi32, #tpu.memory_space<vmem>>
    %dma_wait3A_191 = arith.constant 0 : i32
    %dma_wait3A_192 = arith.constant 0 : i32
    %dma_wait3A_193 = tpu.memref_slice %arg2[%dma_wait3A_191, %dma_wait3A_192] : memref<32768x64xf32, #tpu.memory_space<hbm>> -> memref<32768x64xf32, #tpu.memory_space<hbm>>
    tpu.wait_indirect_dma semaphore(%arg12 : memref<!tpu.dma_semaphore, #tpu.memory_space<semaphore_mem>>) src(%dma_wait3A_193 : memref<32768x64xf32, #tpu.memory_space<hbm>>) dst(%dma_wait3A_187 : memref<112x64xf32, #tpu.memory_space<vmem>>)
    %dma_wait3A_194 = arith.constant 5 : i32
    %dma_wait3A_195 = arith.constant 560 : i32
    %dma_wait3A_196 = arith.constant 0 : i32
    %dma_wait3A_197 = tpu.memref_slice %arg11[%dma_wait3A_195, %dma_wait3A_196] : memref<1568x64xf32, #tpu.memory_space<vmem>> -> memref<112x64xf32, #tpu.memory_space<vmem>>
    %dma_wait3A_198 = arith.constant 0 : i32
    %dma_wait3A_199 = tpu.memref_slice %arg10[%dma_wait3A_194, %dma_wait3A_198] : memref<14x112xi32, #tpu.memory_space<vmem>> -> memref<1x112xi32, #tpu.memory_space<vmem>>
    %dma_wait3A_200 = tpu.memref_squeeze %dma_wait3A_199 : memref<1x112xi32, #tpu.memory_space<vmem>> -> memref<112xi32, #tpu.memory_space<vmem>>
    %dma_wait3A_201 = arith.constant 0 : i32
    %dma_wait3A_202 = arith.constant 0 : i32
    %dma_wait3A_203 = tpu.memref_slice %arg2[%dma_wait3A_201, %dma_wait3A_202] : memref<32768x64xf32, #tpu.memory_space<hbm>> -> memref<32768x64xf32, #tpu.memory_space<hbm>>
    tpu.wait_indirect_dma semaphore(%arg12 : memref<!tpu.dma_semaphore, #tpu.memory_space<semaphore_mem>>) src(%dma_wait3A_203 : memref<32768x64xf32, #tpu.memory_space<hbm>>) dst(%dma_wait3A_197 : memref<112x64xf32, #tpu.memory_space<vmem>>)
    %dma_wait3A_204 = arith.constant 6 : i32
    %dma_wait3A_205 = arith.constant 672 : i32
    %dma_wait3A_206 = arith.constant 0 : i32
    %dma_wait3A_207 = tpu.memref_slice %arg11[%dma_wait3A_205, %dma_wait3A_206] : memref<1568x64xf32, #tpu.memory_space<vmem>> -> memref<112x64xf32, #tpu.memory_space<vmem>>
    %dma_wait3A_208 = arith.constant 0 : i32
    %dma_wait3A_209 = tpu.memref_slice %arg10[%dma_wait3A_204, %dma_wait3A_208] : memref<14x112xi32, #tpu.memory_space<vmem>> -> memref<1x112xi32, #tpu.memory_space<vmem>>
    %dma_wait3A_210 = tpu.memref_squeeze %dma_wait3A_209 : memref<1x112xi32, #tpu.memory_space<vmem>> -> memref<112xi32, #tpu.memory_space<vmem>>
    %dma_wait3A_211 = arith.constant 0 : i32
    %dma_wait3A_212 = arith.constant 0 : i32
    %dma_wait3A_213 = tpu.memref_slice %arg2[%dma_wait3A_211, %dma_wait3A_212] : memref<32768x64xf32, #tpu.memory_space<hbm>> -> memref<32768x64xf32, #tpu.memory_space<hbm>>
    tpu.wait_indirect_dma semaphore(%arg12 : memref<!tpu.dma_semaphore, #tpu.memory_space<semaphore_mem>>) src(%dma_wait3A_213 : memref<32768x64xf32, #tpu.memory_space<hbm>>) dst(%dma_wait3A_207 : memref<112x64xf32, #tpu.memory_space<vmem>>)
    %dma_wait3A_214 = arith.constant 7 : i32
    %dma_wait3A_215 = arith.constant 784 : i32
    %dma_wait3A_216 = arith.constant 0 : i32
    %dma_wait3A_217 = tpu.memref_slice %arg11[%dma_wait3A_215, %dma_wait3A_216] : memref<1568x64xf32, #tpu.memory_space<vmem>> -> memref<112x64xf32, #tpu.memory_space<vmem>>
    %dma_wait3A_218 = arith.constant 0 : i32
    %dma_wait3A_219 = tpu.memref_slice %arg10[%dma_wait3A_214, %dma_wait3A_218] : memref<14x112xi32, #tpu.memory_space<vmem>> -> memref<1x112xi32, #tpu.memory_space<vmem>>
    %dma_wait3A_220 = tpu.memref_squeeze %dma_wait3A_219 : memref<1x112xi32, #tpu.memory_space<vmem>> -> memref<112xi32, #tpu.memory_space<vmem>>
    %dma_wait3A_221 = arith.constant 0 : i32
    %dma_wait3A_222 = arith.constant 0 : i32
    %dma_wait3A_223 = tpu.memref_slice %arg2[%dma_wait3A_221, %dma_wait3A_222] : memref<32768x64xf32, #tpu.memory_space<hbm>> -> memref<32768x64xf32, #tpu.memory_space<hbm>>
    tpu.wait_indirect_dma semaphore(%arg12 : memref<!tpu.dma_semaphore, #tpu.memory_space<semaphore_mem>>) src(%dma_wait3A_223 : memref<32768x64xf32, #tpu.memory_space<hbm>>) dst(%dma_wait3A_217 : memref<112x64xf32, #tpu.memory_space<vmem>>)
    %dma_wait3A_224 = arith.constant 8 : i32
    %dma_wait3A_225 = arith.constant 896 : i32
    %dma_wait3A_226 = arith.constant 0 : i32
    %dma_wait3A_227 = tpu.memref_slice %arg11[%dma_wait3A_225, %dma_wait3A_226] : memref<1568x64xf32, #tpu.memory_space<vmem>> -> memref<112x64xf32, #tpu.memory_space<vmem>>
    %dma_wait3A_228 = arith.constant 0 : i32
    %dma_wait3A_229 = tpu.memref_slice %arg10[%dma_wait3A_224, %dma_wait3A_228] : memref<14x112xi32, #tpu.memory_space<vmem>> -> memref<1x112xi32, #tpu.memory_space<vmem>>
    %dma_wait3A_230 = tpu.memref_squeeze %dma_wait3A_229 : memref<1x112xi32, #tpu.memory_space<vmem>> -> memref<112xi32, #tpu.memory_space<vmem>>
    %dma_wait3A_231 = arith.constant 0 : i32
    %dma_wait3A_232 = arith.constant 0 : i32
    %dma_wait3A_233 = tpu.memref_slice %arg2[%dma_wait3A_231, %dma_wait3A_232] : memref<32768x64xf32, #tpu.memory_space<hbm>> -> memref<32768x64xf32, #tpu.memory_space<hbm>>
    tpu.wait_indirect_dma semaphore(%arg12 : memref<!tpu.dma_semaphore, #tpu.memory_space<semaphore_mem>>) src(%dma_wait3A_233 : memref<32768x64xf32, #tpu.memory_space<hbm>>) dst(%dma_wait3A_227 : memref<112x64xf32, #tpu.memory_space<vmem>>)
    %dma_wait3A_234 = arith.constant 9 : i32
    %dma_wait3A_235 = arith.constant 1008 : i32
    %dma_wait3A_236 = arith.constant 0 : i32
    %dma_wait3A_237 = tpu.memref_slice %arg11[%dma_wait3A_235, %dma_wait3A_236] : memref<1568x64xf32, #tpu.memory_space<vmem>> -> memref<112x64xf32, #tpu.memory_space<vmem>>
    %dma_wait3A_238 = arith.constant 0 : i32
    %dma_wait3A_239 = tpu.memref_slice %arg10[%dma_wait3A_234, %dma_wait3A_238] : memref<14x112xi32, #tpu.memory_space<vmem>> -> memref<1x112xi32, #tpu.memory_space<vmem>>
    %dma_wait3A_240 = tpu.memref_squeeze %dma_wait3A_239 : memref<1x112xi32, #tpu.memory_space<vmem>> -> memref<112xi32, #tpu.memory_space<vmem>>
    %dma_wait3A_241 = arith.constant 0 : i32
    %dma_wait3A_242 = arith.constant 0 : i32
    %dma_wait3A_243 = tpu.memref_slice %arg2[%dma_wait3A_241, %dma_wait3A_242] : memref<32768x64xf32, #tpu.memory_space<hbm>> -> memref<32768x64xf32, #tpu.memory_space<hbm>>
    tpu.wait_indirect_dma semaphore(%arg12 : memref<!tpu.dma_semaphore, #tpu.memory_space<semaphore_mem>>) src(%dma_wait3A_243 : memref<32768x64xf32, #tpu.memory_space<hbm>>) dst(%dma_wait3A_237 : memref<112x64xf32, #tpu.memory_space<vmem>>)
    %dma_wait3A_244 = arith.constant 10 : i32
    %dma_wait3A_245 = arith.constant 1120 : i32
    %dma_wait3A_246 = arith.constant 0 : i32
    %dma_wait3A_247 = tpu.memref_slice %arg11[%dma_wait3A_245, %dma_wait3A_246] : memref<1568x64xf32, #tpu.memory_space<vmem>> -> memref<112x64xf32, #tpu.memory_space<vmem>>
    %dma_wait3A_248 = arith.constant 0 : i32
    %dma_wait3A_249 = tpu.memref_slice %arg10[%dma_wait3A_244, %dma_wait3A_248] : memref<14x112xi32, #tpu.memory_space<vmem>> -> memref<1x112xi32, #tpu.memory_space<vmem>>
    %dma_wait3A_250 = tpu.memref_squeeze %dma_wait3A_249 : memref<1x112xi32, #tpu.memory_space<vmem>> -> memref<112xi32, #tpu.memory_space<vmem>>
    %dma_wait3A_251 = arith.constant 0 : i32
    %dma_wait3A_252 = arith.constant 0 : i32
    %dma_wait3A_253 = tpu.memref_slice %arg2[%dma_wait3A_251, %dma_wait3A_252] : memref<32768x64xf32, #tpu.memory_space<hbm>> -> memref<32768x64xf32, #tpu.memory_space<hbm>>
    tpu.wait_indirect_dma semaphore(%arg12 : memref<!tpu.dma_semaphore, #tpu.memory_space<semaphore_mem>>) src(%dma_wait3A_253 : memref<32768x64xf32, #tpu.memory_space<hbm>>) dst(%dma_wait3A_247 : memref<112x64xf32, #tpu.memory_space<vmem>>)
    %dma_wait3A_254 = arith.constant 11 : i32
    %dma_wait3A_255 = arith.constant 1232 : i32
    %dma_wait3A_256 = arith.constant 0 : i32
    %dma_wait3A_257 = tpu.memref_slice %arg11[%dma_wait3A_255, %dma_wait3A_256] : memref<1568x64xf32, #tpu.memory_space<vmem>> -> memref<112x64xf32, #tpu.memory_space<vmem>>
    %dma_wait3A_258 = arith.constant 0 : i32
    %dma_wait3A_259 = tpu.memref_slice %arg10[%dma_wait3A_254, %dma_wait3A_258] : memref<14x112xi32, #tpu.memory_space<vmem>> -> memref<1x112xi32, #tpu.memory_space<vmem>>
    %dma_wait3A_260 = tpu.memref_squeeze %dma_wait3A_259 : memref<1x112xi32, #tpu.memory_space<vmem>> -> memref<112xi32, #tpu.memory_space<vmem>>
    %dma_wait3A_261 = arith.constant 0 : i32
    %dma_wait3A_262 = arith.constant 0 : i32
    %dma_wait3A_263 = tpu.memref_slice %arg2[%dma_wait3A_261, %dma_wait3A_262] : memref<32768x64xf32, #tpu.memory_space<hbm>> -> memref<32768x64xf32, #tpu.memory_space<hbm>>
    tpu.wait_indirect_dma semaphore(%arg12 : memref<!tpu.dma_semaphore, #tpu.memory_space<semaphore_mem>>) src(%dma_wait3A_263 : memref<32768x64xf32, #tpu.memory_space<hbm>>) dst(%dma_wait3A_257 : memref<112x64xf32, #tpu.memory_space<vmem>>)
    %dma_wait3A_264 = arith.constant 12 : i32
    %dma_wait3A_265 = arith.constant 1344 : i32
    %dma_wait3A_266 = arith.constant 0 : i32
    %dma_wait3A_267 = tpu.memref_slice %arg11[%dma_wait3A_265, %dma_wait3A_266] : memref<1568x64xf32, #tpu.memory_space<vmem>> -> memref<112x64xf32, #tpu.memory_space<vmem>>
    %dma_wait3A_268 = arith.constant 0 : i32
    %dma_wait3A_269 = tpu.memref_slice %arg10[%dma_wait3A_264, %dma_wait3A_268] : memref<14x112xi32, #tpu.memory_space<vmem>> -> memref<1x112xi32, #tpu.memory_space<vmem>>
    %dma_wait3A_270 = tpu.memref_squeeze %dma_wait3A_269 : memref<1x112xi32, #tpu.memory_space<vmem>> -> memref<112xi32, #tpu.memory_space<vmem>>
    %dma_wait3A_271 = arith.constant 0 : i32
    %dma_wait3A_272 = arith.constant 0 : i32
    %dma_wait3A_273 = tpu.memref_slice %arg2[%dma_wait3A_271, %dma_wait3A_272] : memref<32768x64xf32, #tpu.memory_space<hbm>> -> memref<32768x64xf32, #tpu.memory_space<hbm>>
    tpu.wait_indirect_dma semaphore(%arg12 : memref<!tpu.dma_semaphore, #tpu.memory_space<semaphore_mem>>) src(%dma_wait3A_273 : memref<32768x64xf32, #tpu.memory_space<hbm>>) dst(%dma_wait3A_267 : memref<112x64xf32, #tpu.memory_space<vmem>>)
    %dma_wait3A_274 = arith.constant 13 : i32
    %dma_wait3A_275 = arith.constant 1456 : i32
    %dma_wait3A_276 = arith.constant 0 : i32
    %dma_wait3A_277 = tpu.memref_slice %arg11[%dma_wait3A_275, %dma_wait3A_276] : memref<1568x64xf32, #tpu.memory_space<vmem>> -> memref<112x64xf32, #tpu.memory_space<vmem>>
    %dma_wait3A_278 = arith.constant 0 : i32
    %dma_wait3A_279 = tpu.memref_slice %arg10[%dma_wait3A_274, %dma_wait3A_278] : memref<14x112xi32, #tpu.memory_space<vmem>> -> memref<1x112xi32, #tpu.memory_space<vmem>>
    %dma_wait3A_280 = tpu.memref_squeeze %dma_wait3A_279 : memref<1x112xi32, #tpu.memory_space<vmem>> -> memref<112xi32, #tpu.memory_space<vmem>>
    %dma_wait3A_281 = arith.constant 0 : i32
    %dma_wait3A_282 = arith.constant 0 : i32
    %dma_wait3A_283 = tpu.memref_slice %arg2[%dma_wait3A_281, %dma_wait3A_282] : memref<32768x64xf32, #tpu.memory_space<hbm>> -> memref<32768x64xf32, #tpu.memory_space<hbm>>
    tpu.wait_indirect_dma semaphore(%arg12 : memref<!tpu.dma_semaphore, #tpu.memory_space<semaphore_mem>>) src(%dma_wait3A_283 : memref<32768x64xf32, #tpu.memory_space<hbm>>) dst(%dma_wait3A_277 : memref<112x64xf32, #tpu.memory_space<vmem>>)
    %mul3A_284 = arith.constant 1568 : i32
    %mul3A_285 = arith.muli %add3A, %mul3A_284 : i32
    "tpu.region"() ({
      %run_scoped3A = tpu.sem_alloc : memref<!tpu.dma_semaphore, #tpu.memory_space<semaphore_mem>>
      %dma_start3A_286 = arith.constant 0 : i32
      %dma_start3A_287 = tpu.memref_slice %arg6[%mul3A_285, %dma_start3A_286] : memref<50176x64xf32, #tpu.memory_space<hbm>> -> memref<1568x64xf32, #tpu.memory_space<hbm>>
      %dma_start3A_288 = arith.constant 0 : i32
      %dma_start3A_289 = tpu.memref_slice %arg6[%mul3A_285, %dma_start3A_288] : memref<50176x64xf32, #tpu.memory_space<hbm>> -> memref<1568x64xf32, #tpu.memory_space<hbm>>
      tpu.enqueue_dma source(%arg11 : memref<1568x64xf32, #tpu.memory_space<vmem>>) target(%dma_start3A_289 : memref<1568x64xf32, #tpu.memory_space<hbm>>) target_semaphore(%run_scoped3A : memref<!tpu.dma_semaphore, #tpu.memory_space<semaphore_mem>>)
      %dma_wait3A_290 = arith.constant 0 : i32
      %dma_wait3A_291 = tpu.memref_slice %arg6[%mul3A_285, %dma_wait3A_290] : memref<50176x64xf32, #tpu.memory_space<hbm>> -> memref<1568x64xf32, #tpu.memory_space<hbm>>
      %dma_wait3A_292 = arith.constant 0 : i32
      %dma_wait3A_293 = tpu.memref_slice %arg6[%mul3A_285, %dma_wait3A_292] : memref<50176x64xf32, #tpu.memory_space<hbm>> -> memref<1568x64xf32, #tpu.memory_space<hbm>>
      tpu.wait_dma2 semaphore(%run_scoped3A : memref<!tpu.dma_semaphore, #tpu.memory_space<semaphore_mem>>) src(%arg11 : memref<1568x64xf32, #tpu.memory_space<vmem>>) dst(%dma_wait3A_293 : memref<1568x64xf32, #tpu.memory_space<hbm>>)
      tpu.yield
    }) : () -> ()
    return
  }
}

module attributes {stable_mosaic.version = 14 : i64} {
  func.func @_tc_transform_body(%arg0: i32, %arg1: memref<512x64xf32, #tpu.memory_space<vmem>>, %arg2: memref<1x512x1xi32, #tpu.memory_space<vmem>>, %arg3: memref<1x512x1xi32, #tpu.memory_space<vmem>>, %arg4: memref<1x512x1xi32, #tpu.memory_space<vmem>>, %arg5: memref<512x64xf32, #tpu.memory_space<vmem>>, %arg6: memref<512x64xf32, #tpu.memory_space<vmem>>) attributes {dimension_semantics = [#tpu.dimension_semantics<arbitrary>], iteration_bounds = array<i64: 98>, scalar_prefetch = 0 : i64, scratch_operands = 0 : i64, tpu.core_type = #tpu.core_type<tc>, window_params = [{transform_indices = @transform_0, window_bounds = array<i64: 512, 64>}, {transform_indices = @transform_1, window_bounds = array<i64: 1, 512, 1>}, {transform_indices = @transform_2, window_bounds = array<i64: 1, 512, 1>}, {transform_indices = @transform_3, window_bounds = array<i64: 1, 512, 1>}, {pipeline_mode = #tpu.pipeline_mode<synchronous>, transform_indices = @transform_4, window_bounds = array<i64: 512, 64>}, {transform_indices = @transform_5, window_bounds = array<i64: 512, 64>}]} {
    %get3A = arith.constant 0 : index
    %get3A_0 = arith.constant 0 : index
    %get3A_1 = vector.load %arg1[%get3A, %get3A_0] : memref<512x64xf32, #tpu.memory_space<vmem>>, vector<512x64xf32>
    %get3A_2 = arith.constant 0 : index
    %get3A_3 = arith.constant 0 : index
    %get3A_4 = arith.constant 0 : index
    %get3A_5 = vector.load %arg2[%get3A_2, %get3A_3, %get3A_4] : memref<1x512x1xi32, #tpu.memory_space<vmem>>, vector<1x512x1xi32>
    %get3A_6 = vector.shape_cast %get3A_5 : vector<1x512x1xi32> to vector<512x1xi32>
    %get3A_7 = arith.constant 0 : index
    %get3A_8 = arith.constant 0 : index
    %get3A_9 = arith.constant 0 : index
    %get3A_10 = vector.load %arg3[%get3A_7, %get3A_8, %get3A_9] : memref<1x512x1xi32, #tpu.memory_space<vmem>>, vector<1x512x1xi32>
    %get3A_11 = vector.shape_cast %get3A_10 : vector<1x512x1xi32> to vector<512x1xi32>
    %get3A_12 = arith.constant 0 : index
    %get3A_13 = arith.constant 0 : index
    %get3A_14 = arith.constant 0 : index
    %get3A_15 = vector.load %arg4[%get3A_12, %get3A_13, %get3A_14] : memref<1x512x1xi32, #tpu.memory_space<vmem>>, vector<1x512x1xi32>
    %get3A_16 = vector.shape_cast %get3A_15 : vector<1x512x1xi32> to vector<512x1xi32>
    %and3A = arith.constant 1 : i32
    %and3A_17 = vector.broadcast %and3A : i32 to vector<512x1xi32>
    %and3A_18 = arith.andi %get3A_6, %and3A_17 : vector<512x1xi32>
    %mul3A = arith.constant 4 : i32
    %mul3A_19 = vector.broadcast %mul3A : i32 to vector<512x1xi32>
    %mul3A_20 = arith.muli %and3A_18, %mul3A_19 : vector<512x1xi32>
    %and3A_21 = arith.constant 1 : i32
    %and3A_22 = vector.broadcast %and3A_21 : i32 to vector<512x1xi32>
    %and3A_23 = arith.andi %get3A_11, %and3A_22 : vector<512x1xi32>
    %mul3A_24 = arith.constant 2 : i32
    %mul3A_25 = vector.broadcast %mul3A_24 : i32 to vector<512x1xi32>
    %mul3A_26 = arith.muli %and3A_23, %mul3A_25 : vector<512x1xi32>
    %add3A = arith.addi %mul3A_20, %mul3A_26 : vector<512x1xi32>
    %and3A_27 = arith.constant 1 : i32
    %and3A_28 = vector.broadcast %and3A_27 : i32 to vector<512x1xi32>
    %and3A_29 = arith.andi %get3A_16, %and3A_28 : vector<512x1xi32>
    %add3A_30 = arith.addi %add3A, %and3A_29 : vector<512x1xi32>
    %broadcast_in_dim3A = arith.constant 0.000000e+00 : f32
    %broadcast_in_dim3A_31 = vector.broadcast %broadcast_in_dim3A : f32 to vector<512x64xf32>
    %eq3A = arith.constant 0 : i32
    %eq3A_32 = vector.broadcast %eq3A : i32 to vector<512x1xi32>
    %eq3A_33 = arith.cmpi eq, %add3A_30, %eq3A_32 : vector<512x1xi32>
    %broadcast_in_dim3A_34 = vector.shape_cast %eq3A_33 : vector<512x1xi1> to vector<512x1xi1>
    %broadcast_in_dim3A_35 = vector.broadcast %broadcast_in_dim3A_34 : vector<512x1xi1> to vector<512x64xi1>
    %select_n3A = arith.select %broadcast_in_dim3A_35, %get3A_1, %broadcast_in_dim3A_31 : vector<512x64xi1>, vector<512x64xf32>
    %eq3A_36 = arith.constant 1 : i32
    %eq3A_37 = vector.broadcast %eq3A_36 : i32 to vector<512x1xi32>
    %eq3A_38 = arith.cmpi eq, %add3A_30, %eq3A_37 : vector<512x1xi32>
    %broadcast_in_dim3A_39 = vector.shape_cast %eq3A_38 : vector<512x1xi1> to vector<512x1xi1>
    %broadcast_in_dim3A_40 = vector.broadcast %broadcast_in_dim3A_39 : vector<512x1xi1> to vector<512x64xi1>
    %select_n3A_41 = arith.select %broadcast_in_dim3A_40, %get3A_1, %broadcast_in_dim3A_31 : vector<512x64xi1>, vector<512x64xf32>
    %eq3A_42 = arith.constant 2 : i32
    %eq3A_43 = vector.broadcast %eq3A_42 : i32 to vector<512x1xi32>
    %eq3A_44 = arith.cmpi eq, %add3A_30, %eq3A_43 : vector<512x1xi32>
    %broadcast_in_dim3A_45 = vector.shape_cast %eq3A_44 : vector<512x1xi1> to vector<512x1xi1>
    %broadcast_in_dim3A_46 = vector.broadcast %broadcast_in_dim3A_45 : vector<512x1xi1> to vector<512x64xi1>
    %select_n3A_47 = arith.select %broadcast_in_dim3A_46, %get3A_1, %broadcast_in_dim3A_31 : vector<512x64xi1>, vector<512x64xf32>
    %eq3A_48 = arith.constant 3 : i32
    %eq3A_49 = vector.broadcast %eq3A_48 : i32 to vector<512x1xi32>
    %eq3A_50 = arith.cmpi eq, %add3A_30, %eq3A_49 : vector<512x1xi32>
    %broadcast_in_dim3A_51 = vector.shape_cast %eq3A_50 : vector<512x1xi1> to vector<512x1xi1>
    %broadcast_in_dim3A_52 = vector.broadcast %broadcast_in_dim3A_51 : vector<512x1xi1> to vector<512x64xi1>
    %select_n3A_53 = arith.select %broadcast_in_dim3A_52, %get3A_1, %broadcast_in_dim3A_31 : vector<512x64xi1>, vector<512x64xf32>
    %eq3A_54 = arith.constant 4 : i32
    %eq3A_55 = vector.broadcast %eq3A_54 : i32 to vector<512x1xi32>
    %eq3A_56 = arith.cmpi eq, %add3A_30, %eq3A_55 : vector<512x1xi32>
    %broadcast_in_dim3A_57 = vector.shape_cast %eq3A_56 : vector<512x1xi1> to vector<512x1xi1>
    %broadcast_in_dim3A_58 = vector.broadcast %broadcast_in_dim3A_57 : vector<512x1xi1> to vector<512x64xi1>
    %select_n3A_59 = arith.select %broadcast_in_dim3A_58, %get3A_1, %broadcast_in_dim3A_31 : vector<512x64xi1>, vector<512x64xf32>
    %eq3A_60 = arith.constant 5 : i32
    %eq3A_61 = vector.broadcast %eq3A_60 : i32 to vector<512x1xi32>
    %eq3A_62 = arith.cmpi eq, %add3A_30, %eq3A_61 : vector<512x1xi32>
    %broadcast_in_dim3A_63 = vector.shape_cast %eq3A_62 : vector<512x1xi1> to vector<512x1xi1>
    %broadcast_in_dim3A_64 = vector.broadcast %broadcast_in_dim3A_63 : vector<512x1xi1> to vector<512x64xi1>
    %select_n3A_65 = arith.select %broadcast_in_dim3A_64, %get3A_1, %broadcast_in_dim3A_31 : vector<512x64xi1>, vector<512x64xf32>
    %eq3A_66 = arith.constant 6 : i32
    %eq3A_67 = vector.broadcast %eq3A_66 : i32 to vector<512x1xi32>
    %eq3A_68 = arith.cmpi eq, %add3A_30, %eq3A_67 : vector<512x1xi32>
    %broadcast_in_dim3A_69 = vector.shape_cast %eq3A_68 : vector<512x1xi1> to vector<512x1xi1>
    %broadcast_in_dim3A_70 = vector.broadcast %broadcast_in_dim3A_69 : vector<512x1xi1> to vector<512x64xi1>
    %select_n3A_71 = arith.select %broadcast_in_dim3A_70, %get3A_1, %broadcast_in_dim3A_31 : vector<512x64xi1>, vector<512x64xf32>
    %eq3A_72 = arith.constant 7 : i32
    %eq3A_73 = vector.broadcast %eq3A_72 : i32 to vector<512x1xi32>
    %eq3A_74 = arith.cmpi eq, %add3A_30, %eq3A_73 : vector<512x1xi32>
    %broadcast_in_dim3A_75 = vector.shape_cast %eq3A_74 : vector<512x1xi1> to vector<512x1xi1>
    %broadcast_in_dim3A_76 = vector.broadcast %broadcast_in_dim3A_75 : vector<512x1xi1> to vector<512x64xi1>
    %select_n3A_77 = arith.select %broadcast_in_dim3A_76, %get3A_1, %broadcast_in_dim3A_31 : vector<512x64xi1>, vector<512x64xf32>
    %concatenate3A = tpu.concatenate %select_n3A, %select_n3A_41, %select_n3A_47, %select_n3A_53, %select_n3A_59, %select_n3A_65, %select_n3A_71, %select_n3A_77 in 1 : vector<512x64xf32>, vector<512x64xf32>, vector<512x64xf32>, vector<512x64xf32>, vector<512x64xf32>, vector<512x64xf32>, vector<512x64xf32>, vector<512x64xf32> -> vector<512x512xf32>
    %get3A_78 = arith.constant 0 : index
    %get3A_79 = arith.constant 0 : index
    %get3A_80 = vector.load %arg5[%get3A_78, %get3A_79] : memref<512x64xf32, #tpu.memory_space<vmem>>, vector<512x64xf32>
    %dot_general3A = arith.constant dense<0.000000e+00> : vector<512x64xf32>
    %dot_general3A_81 = tpu.matmul %concatenate3A, %get3A_80, %dot_general3A {dimension_numbers = #tpu.dot_dimension_numbers<[1], [0], [0], [1], [0, 0, 1, 1], [], []>, transpose_lhs_hint = false} : vector<512x512xf32>, vector<512x64xf32>, vector<512x64xf32> -> vector<512x64xf32>
    %swap3A = arith.constant 0 : index
    %swap3A_82 = arith.constant 0 : index
    %swap3A_83 = vector.load %arg6[%swap3A, %swap3A_82] : memref<512x64xf32, #tpu.memory_space<vmem>>, vector<512x64xf32>
    tpu.vector_store %arg6[%swap3A, %swap3A_82], %dot_general3A_81 {strides = array<i32>} : memref<512x64xf32, #tpu.memory_space<vmem>>, vector<512x64xf32>,
    return
  }
  func.func @transform_0(%arg0: i32) -> (i32, i32) {
    %c0_i32 = arith.constant 0 : i32
    %c0_i32_0 = arith.constant 0 : i32
    return %arg0, %c0_i32 : i32, i32
  }
  func.func @transform_1(%arg0: i32) -> (i32, i32, i32) {
    %c0_i32 = arith.constant 0 : i32
    %c0_i32_0 = arith.constant 0 : i32
    %c0_i32_1 = arith.constant 0 : i32
    return %arg0, %c0_i32, %c0_i32_0 : i32, i32, i32
  }
  func.func @transform_2(%arg0: i32) -> (i32, i32, i32) {
    %c0_i32 = arith.constant 0 : i32
    %c0_i32_0 = arith.constant 0 : i32
    %c0_i32_1 = arith.constant 0 : i32
    return %arg0, %c0_i32, %c0_i32_0 : i32, i32, i32
  }
  func.func @transform_3(%arg0: i32) -> (i32, i32, i32) {
    %c0_i32 = arith.constant 0 : i32
    %c0_i32_0 = arith.constant 0 : i32
    %c0_i32_1 = arith.constant 0 : i32
    return %arg0, %c0_i32, %c0_i32_0 : i32, i32, i32
  }
  func.func @transform_4(%arg0: i32) -> (i32, i32) {
    %c0_i32 = arith.constant 0 : i32
    %c0_i32_0 = arith.constant 0 : i32
    %c0_i32_1 = arith.constant 0 : i32
    return %c0_i32, %c0_i32_0 : i32, i32
  }
  func.func @transform_5(%arg0: i32) -> (i32, i32) {
    %c0_i32 = arith.constant 0 : i32
    %c0_i32_0 = arith.constant 0 : i32
    return %arg0, %c0_i32 : i32, i32
  }
}

</mosaic_0001>

<sc_bundles>
// kernel: kernel.6.cloned.1.call-start
scs
__scs_entry_jumppad:
0x0: {  	(pc) =	sbr.rel $0x88, $3  }
0x1: {  	(tag) =	ssettag $0x0;
	lr =	simm.s32 $0x1  }
0x2: {  	[smem:$0x3F9C] =	sst lr;
	_ =	strace $0xD0000000  }
0x3: {  	_ = 	snop  }
0x4: {  	_ = 	snop  }
0x5: {  	_ = 	snop  }
0x6: {  	_ = 	snop  }
0x7: {  	_ = 	snop  }
__scs_overlays_trampoline_lowered:
0x8: {  	[smem:$0x3FAB] =	sst s0  }
0x9: {  	[smem:$0x3FAC] =	sst s1  }
0xa: {  	[smem:$0x3FAD] =	sst s2  }
0xb: {  	[smem:$0x3FAE] =	sst s3  }
0xc: {  	[smem:$0x3FAF] =	sst s4  }
0xd: {  	[smem:$0x3FB0] =	sst s5  }
0xe: {  	[smem:$0x3FB1] =	sst s6  }
0xf: {  	[smem:$0x3FB2] =	sst s7  }
0x10: {  	[smem:$0x3FB3] =	sst s8  }
0x11: {  	[smem:$0x3FB4] =	sst s9;
	s0 =	simm.s32 @!p0 $0x0  }
0x12: {  	s1 =	sld [smem:$0x3F9A];
	s0 =	simm.s32 @p0 $0x1  }
0x13: {  	[smem:$0x3FB5] =	sst s0;
	s0 =	simm.s32 @!p1 $0x0  }
0x14: {  	s2 =	sld [smem:$0x3F99];
	s0 =	simm.s32 @p1 $0x1  }
0x15: {  	[smem:$0x3FB6] =	sst s0;
	s0 =	simm.s32 @!p2 $0x0  }
0x16: {  	s3 =	sld [smem:$0x3FDB];
	s0 =	simm.s32 @p2 $0x1  }
0x17: {  	s4 =	simm.s32 $0x1BF5;
	[smem:$0x3FB8] =	sst s0  }
0x18: {  	s0 =	sld [smem:$0x3F9B];
	_ =	swait.ge [sflag:s4], $0x0  }
0x19: {  	s7 =	sld [smem:$0x3F9C]  }
0x1a: {  	s8 =	sadd.s32 $0xFFFFE003, lr  }
0x1b: {  	s9 =	sadd.s32 $0xFFFFFEF7, lr;
	s5 =	simm.s32 $0xFFFFFFFF;
	p2 =	slt.u32 s8, $0xFFFFF086  }
0x1c: {  	p1 =	slt.u32 s9, $0xF7A;
	s5 =	simm.s32 @!p2 $0x0  }
0x1d: {  	s5 =	simm.s32 @p1 $0x1;
	p0 =	seq.s32 s7, s2  }
0x1e: {  	s7 =	smul.u32 @!p0 $0xF7A, s2;
	p2 =	seq.s32 @!p0 s5, $0x0  }
0x1f: {  	s9 =	smul.u32 $0xF7A, s1;
	s8 =	simm.s32 @!p0 $0x1BF5;
	p2 =	por !p2, p0  }
0x20: {  	[sflag:s8] =	ssyncset.s32 @!p0 $0xFFFFF086;
	s6 =	sadd.s32 @!p0 s3, s7;
	s7 =	simm.s32 @!p0 $0x108  }
0x21: {  	s3 =	sadd.s32 s3, s9;
	s6 =	sadd.s32 @!p0 $0x88, s6;
	s7 =	simm.s32 @p2 $0x1082  }
0x22: {  	[simem:s7], [sflag:s8] =	dma.local @!p0 [hbm:s6], $0xF7A  }
0x23: {  	s9 =	sor.u32 $0xD0000000, s2;
	s6 =	simm.s32 $0x108;
	_ =	swait.ge @!p0 [sflag:s8], $0x0  }
0x24: {  	s3 =	sadd.s32 $0x88, s3;
	s6 =	simm.s32 @!p1 $0x1082;
	[sflag:s4] =	ssyncset.s32 $0xFFFFF086  }
0x25: {  	[simem:s6], [sflag:s4] =	dma.local [hbm:s3], $0xF7A  }
0x26: {  	[smem:$0x3F9C] =	sst s1;
	(tag) =	ssettag s2;
	_ =	strace s9  }
0x27: {  	s1 =	sld [smem:$0x3FAC]  }
0x28: {  	s2 =	sld [smem:$0x3FAD]  }
0x29: {  	s4 =	sld [smem:$0x3FAF]  }
0x2a: {  	p0 =	seq.s32 s5, $0x0;
	s5 =	sld [smem:$0x3FB0]  }
0x2b: {  	s6 =	sld [smem:$0x3FB1]  }
0x2c: {  	s7 =	sld [smem:$0x3FB2]  }
0x2d: {  	s3 =	simm.s32 $0x108;
	s8 =	sld [smem:$0x3FB3]  }
0x2e: {  	s3 =	simm.s32 @!p0 $0x1082;
	s9 =	sld [smem:$0x3FB4]  }
0x2f: {  	lr =	sadd.s32 s0, s3;
	s0 =	sld [smem:$0x3FAB]  }
0x30: {  	s3 =	sld [smem:$0x3FAE]  }
0x31: {  	[smem:$0x3FB7] =	sst s10  }
0x32: {  	s10 =	sld [smem:$0x3FB5];
	_ =	sdelay $0x3  }
0x33: {  	p0 =	seq.s32 s10, $0x1;
	s10 =	sld [smem:$0x3FB7];
	_ =	sdelay $0x3  }
0x34: {  	[smem:$0x3FB7] =	sst s10  }
0x35: {  	s10 =	sld [smem:$0x3FB6];
	_ =	sdelay $0x3  }
0x36: {  	p1 =	seq.s32 s10, $0x1;
	s10 =	sld [smem:$0x3FB7];
	_ =	sdelay $0x3  }
0x37: {  	[smem:$0x3FB7] =	sst s10  }
0x38: {  	s10 =	sld [smem:$0x3FB8]  }
0x39: {  	_ = 	snop;
	(pc) =	sbr.ind lr, $3  }
0x3a: {  	_ = 	snop  }
0x3b: {  	_ = 	snop  }
0x3c: {  	p2 =	seq.s32 s10, $0x1;
	s10 =	sld [smem:$0x3FB7]  }
0x3d: {  	_ =	shalt  }
0x3e: {  	_ =	shalt  }
0x3f: {  	_ =	shalt  }
0x40: {  	_ =	shalt  }
0x41: {  	_ =	shalt  }
0x42: {  	_ =	shalt  }
0x43: {  	_ =	shalt  }
0x44: {  	_ =	shalt  }
0x45: {  	_ =	shalt  }
0x46: {  	_ =	shalt  }
0x47: {  	_ =	shalt  }
0x48: {  	_ =	shalt  }
0x49: {  	_ =	shalt  }
0x4a: {  	_ =	shalt  }
0x4b: {  	_ =	shalt  }
0x4c: {  	_ =	shalt  }
0x4d: {  	_ =	shalt  }
0x4e: {  	_ =	shalt  }
0x4f: {  	_ =	shalt  }
0x50: {  	_ =	shalt  }
0x51: {  	_ =	shalt  }
0x52: {  	_ =	shalt  }
0x53: {  	_ =	shalt  }
0x54: {  	_ =	shalt  }
0x55: {  	_ =	shalt  }
0x56: {  	_ =	shalt  }
0x57: {  	_ =	shalt  }
0x58: {  	_ =	shalt  }
0x59: {  	_ =	shalt  }
0x5a: {  	_ =	shalt  }
0x5b: {  	_ =	shalt  }
0x5c: {  	_ =	shalt  }
0x5d: {  	_ =	shalt  }
0x5e: {  	_ =	shalt  }
0x5f: {  	_ =	shalt  }
0x60: {  	_ =	shalt  }
0x61: {  	_ =	shalt  }
0x62: {  	_ =	shalt  }
0x63: {  	_ =	shalt  }
0x64: {  	_ =	shalt  }
0x65: {  	_ =	shalt  }
0x66: {  	_ =	shalt  }
0x67: {  	_ =	shalt  }
0x68: {  	_ =	shalt  }
0x69: {  	_ =	shalt  }
0x6a: {  	_ =	shalt  }
0x6b: {  	_ =	shalt  }
0x6c: {  	_ =	shalt  }
0x6d: {  	_ =	shalt  }
0x6e: {  	_ =	shalt  }
0x6f: {  	_ =	shalt  }
0x70: {  	_ =	shalt  }
0x71: {  	_ =	shalt  }
0x72: {  	_ =	shalt  }
0x73: {  	_ =	shalt  }
0x74: {  	_ =	shalt  }
0x75: {  	_ =	shalt  }
0x76: {  	_ =	shalt  }
0x77: {  	_ =	shalt  }
0x78: {  	_ =	shalt  }
0x79: {  	_ =	shalt  }
0x7a: {  	_ =	shalt  }
0x7b: {  	_ =	shalt  }
0x7c: {  	_ =	shalt  }
0x7d: {  	_ =	shalt  }
0x7e: {  	_ =	shalt  }
0x7f: {  	_ =	shalt  }
0x80: {  	_ =	shalt  }
0x81: {  	_ =	shalt  }
0x82: {  	_ =	shalt  }
0x83: {  	_ =	shalt  }
0x84: {  	_ =	shalt  }
0x85: {  	_ =	shalt  }
0x86: {  	_ =	shalt  }
0x87: {  	_ =	shalt  }
.Lfunc_end0:
.L_simem_size_0:
called_computation_lowered:
.L_overlay_start_0:
0x88: {  	s2 =	sld [smem:$0x3FD9]  }
0x89: {  	s3 =	sld [smem:$0x3FFE];
	_ =	sdelay $0x1  }
0x8a: {  	s1 =	srdreg.scid  }
0x8b: {  	s0 =	sand.u32 $0x1, s1  }
0x8c: {  	s17 =	sshll.u32 s0, $0xA;
	s2 =	sadd.s32 s3, s2  }
0x8d: {  	s2 =	sadd.s32 s2, s17  }
0x8e: {  	[smem:$0x3FC3] =	sst s2  }
0x8f: {  	_ = 	snop  }
0x90: {  	s2 =	sld [smem:$0x3FD0];
	(tm) =	ssettm $0x1  }
0x91: {  	s18 =	sld [smem:$0x3FFB];
	_ =	sdelay $0x3  }
0x92: {  	_ =	strace s18  }
0x93: {  	s3 =	sld [smem:$0x3FFC];
	_ =	sdelay $0x3  }
0x94: {  	_ =	strace s3  }
0x95: {  	s3 =	sld [smem:$0x3FFD];
	_ =	sdelay $0x3  }
0x96: {  	_ =	strace s3  }
0x97: {  	_ =	strace $0x8FFFFFFF  }
0x98: {  	s19 =	sld [smem:$0x3FDB];
	_ =	sdelay $0x1  }
0x99: {  	s4 =	simm.s32 $_scs_section_size  }
0x9a: {  	s5 =	simm.s32 $_size__tile_overlayer_lowered;
	s6 =	simm.s32 $_tile_overlayer_lowered  }
0x9b: {  	s22 =	simm.s32 $0x1BFF;
	s21 =	sshll.u32 s6, $0x1;
	s3 =	sadd.s32 s4, s19  }
0x9c: {  	s7 =	simm.s32 $0x0;
	s20 =	sshll.u32 s5, $0x1;
	s5 =	sadd.s32 s21, s3  }
0x9d: {  	[timem:s7], [sflag:s22] =	dma.local [hbm:s5], s20  }
0x9e: {  	_ =	swait.ge [sflag:s22], s20  }
0x9f: {  	s4 =	ssub.s32 $0x0, s20;
	[sflag:s22] =	ssyncset.done $0x0  }
0xa0: {  	[sflag:s22] =	ssyncadd.s32 s4;
	_ =	sdelay $0x1  }
0xa1: {  	s23 =	simm.s32 $0x1B8B  }
0xa2: {  	_ =	swait.ge [sflag:s23], $0x1  }
0xa3: {  	[sflag:s23] =	ssyncset.done $0x0  }
0xa4: {  	s25 =	simm.s32 $0x1B8E;
	s24 =	sld [smem:$0x3FFE];
	[sflag:s23] =	ssyncadd.s32 $0xFFFFFFFF  }
0xa5: {  	s26 =	simm.s32 $execute0_lowered;
	[smem:$0x3FD2] =	sst s25  }
0xa6: {  	s5 =	sshll.u32 s26, $0x1;
	_ =	strace $0x80000046;
	[dreg:$0x1] =	wrdreg $0xFFFFFFFF  }
0xa7: {  	s28 =	simm.s32 $_size_execute0_lowered;
	s3 =	sadd.s32 s3, s5;
	[dreg:$0x0] =	wrdreg $0x0  }
0xa8: {  	s5 =	sshll.u32 s28, $0x1;
	[dreg:$0x2] =	wrdreg s3  }
0xa9: {  	[dreg:$0x3] =	wrdreg s5  }
0xaa: {  	[dreg:$0x4] =	wrdreg $0xC0  }
0xab: {  	_ =	task [dreg:s7], $0x5FFFF  }
0xac: {  	[dreg:$0x1] =	wrdreg $0xFFFFFFFF  }
0xad: {  	[dreg:$0x0] =	wrdreg $0x60  }
0xae: {  	[dreg:$0x2] =	wrdreg s24  }
0xaf: {  	[dreg:$0x3] =	wrdreg s2  }
0xb0: {  	[dreg:$0x4] =	wrdreg $0xF5000  }
0xb1: {  	[dreg:$0x5] =	wrdreg $0x9  }
0xb2: {  	_ =	task.clear_ibuf [dreg:s7], $0x6FFFF;
	_ =	strace $0x90000046  }
0xb3: {  	s29 =	simm.s32 $0x9;
	_ =	strace $0x80000048  }
0xb4: {  	_ =	swait.ge [sflag:s29], $0x1  }
0xb5: {  	[sflag:s29] =	ssyncadd.s32 $0xFFFFFFFF  }
0xb6: {  	_ =	strace $0x90000048  }
0xb7: {  	_ =	sfence  }
0xb8: {  	s30 =	sld [smem:$0x0];
	_ =	sdelay $0x2  }
0xb9: {  	s31 =	sshll.u32 s1, $0xD;
	s1 =	sshrl.u32 s1, $0x2  }
0xba: {  	s3 =	sand.u32 $0x4000, s31;
	s1 =	sadd.s32 s1, s30  }
0xbb: {  	s0 =	sor.u32 s3, s0;
	s1 =	sshll.u32 s1, $0x11  }
0xbc: {  	s0 =	sor.u32 s1, s0  }
0xbd: {  	s0 =	sadd.s32 $0x8F2B, s0  }
0xbe: {  	[sflag:s0] =	ssyncadd.remote.s32 $0x1  }
0xbf: {  	_ =	sfence.sel $0xFFFF  }
0xc0: {  	[dreg:$0x0] =	wrdreg $0xFFFFFFFF;
	(pc) =	sbr.abs _section_cstart, $3  }
0xc1: {  	[dreg:$0x1] =	wrdreg $0xFFFFFFFF  }
0xc2: {  	_ =	task.clear_ibuf [dreg:s7], $0x2FFFF;
	_ =	strace $0x9FFFFFFF  }
0xc3: {  	(tm) =	ssettm $0x7FFFFFFF  }
tec
execute0_lowered:
.L_overlay_start_1:
0x0: {  	(tag) =	ssettag $0x1  }
0x1: {  	s0 =	rddreg [dreg:$0x0]  }
0x2: {  	s1 =	rddreg [dreg:$0x1]  }
0x3: {  	s2 =	rddreg [dreg:$0x2];
	s3 =	simm.s32 $0x0;
	s4 =	srdreg.scid  }
0x4: {  	s16 =	stileid.u32;
	s19 =	simm.s32 $0x3100;
	s20 =	simm.s32 $0x70  }
0x5: {  	s29 =	simm.s32 $0x8500;
	s31 =	simm.s32 $0xA100;
	s18 =	simm.s32 $0xD900  }
0x6: {  	s21 =	simm.s32 $0x1;
	s28 =	simm.s32 $0x3090;
	s22 =	smul.u32 $0x40800, s16  }
0x7: {  	s30 =	simm.s32 $0x0;
	[smem:$0x7FF] =	sst s3;
	s8 =	smul.u32 $0x188, s16  }
0x8: {  	s11 =	sand.u32 $0x1, s4;
	s9 =	sadd.s32 $0x1A00, s0;
	s24 =	smul.u32 $0x31000, s16  }
0x9: {  	s4 =	sadd.s32 $0x63A00, s0;
	s23 =	sshll.u32 s16, $0x6;
	s12 =	smul.u32 $0x6200, s16  }
0xa: {  	s13 =	sshll.u32 s16, $0xD;
	s26 =	sshll.u32 s16, $0x10;
	_ =	strace $0x80000047  }
0xb: {  	s5 =	ssub.s32 $0x2, s11;
	s10 =	sshll.u32 s11, $0xE;
	s25 =	sshll.u32 s11, $0x11  }
0xc: {  	s6 =	sshrl.u32 s5, $0x1;
	s7 =	sshrl.u32 s22, $0x2;
	s17 =	ssub.s32 $0x0, s10  }
0xd: {  	s22 =	sor.u32 $0x4000, s16;
	s1 =	sadd.s32 s1, s25;
	s16 =	simm.s32 $0x2  }
0xe: {  	s25 =	simm.s32 $0x3020;
	s14 =	ssub.s32 s5, s6;
	s15 =	sadd.s32 s7, s2  }
0xf: {  	s5 =	sadd.s32 s0, s8;
	s6 =	sor.u32 $0x1C02, s23;
	s0 =	sshrl.u32 s24, $0x3  }
0x10: {  	s13 =	sadd.s32 s13, s1;
	s24 =	simm.s32 $0x4D00;
	s1 =	simm.s32 $0xBD00  }
0x11: {  	s7 =	sadd.s32 $0x18B400, s5;
	s8 =	sadd.s32 $0xC5A00, s5;
	s0 =	sadd.s32 s9, s0  }
0x12: {  	s9 =	sadd.s32 s9, s12;
	s14 =	smax.u32 s14, $0x1;
	s10 =	sadd.s32 $0x1880, s0  }
0x13: {  	s11 =	sadd.s32 $0x3100, s0;
	s12 =	sadd.s32 $0x4980, s0;
	s0 =	sadd.s32 s26, s2  }
0x14: {  	v0 =	vmov s17;
	v1 =	vmov s22;
	s15 =	sshrl.u32 s15, $0x3;
	s26 =	simm.s32 $0x6900;
	s23 =	sshrl.u32 s0, $0x3  }
.LBB2_1:
0x15: {  	[spmem:s15], [sflag:s6] =	dma.local [hbm:s4], $0x2040  }
0x16: {  	_ =	swait.ge [sflag:s16], $0x2040  }
0x17: {  	[sflag:s16] =	ssyncset.done $0x0  }
0x18: {  	[sflag:s16] =	ssyncadd.s32 $0xFFFFDFC0  }
0x19: {  	[tilespmem:s3], [sflag:$0x2] =	stream.linear.gather [hbm4b:s7+s3], $0xC40, $0x38;
	[tilespmem:$0x1F700] =	vst v63  }
0x1a: {  	_ =	swait.ge [sflag:s16], $0xC40  }
0x1b: {  	[sflag:s16] =	ssyncset.done $0x0  }
0x1c: {  	s0 =	simm.s32 $0xC40;
	[sflag:s16] =	ssyncadd.s32 $0xFFFFF3C0  }
0x1d: {  	[tilespmem:s0], [sflag:$0x2] =	stream.linear.gather [hbm4b:s5+s3], $0xC40, $0x38;
	[tilespmem:$0x1F700] =	vst v63  }
0x1e: {  	_ =	swait.ge [sflag:s16], $0xC40  }
0x1f: {  	[sflag:s16] =	ssyncset.done $0x0  }
0x20: {  	s22 =	simm.s32 $0x1880;
	[sflag:s16] =	ssyncadd.s32 $0xFFFFF3C0  }
0x21: {  	[tilespmem:s22], [sflag:$0x2] =	stream.linear.gather [hbm4b:s8+s3], $0xC40, $0x38;
	[tilespmem:$0x1F700] =	vst v63  }
0x22: {  	_ =	swait.ge [sflag:s16], $0xC40  }
0x23: {  	[sflag:s16] =	ssyncset.done $0x0  }
0x24: {  	s0 =	simm.s32 $0x0;
	[sflag:s16] =	ssyncadd.s32 $0xFFFFF3C0  }
0x25: {  	v2 =	vld [tilespmem:s0+$0x60]  }
0x26: {  	v3 =	vld [tilespmem:s0+$0xCA0]  }
0x27: {  	v4 =	vld [tilespmem:s0+$0x0]  }
0x28: {  	v5 =	vld [tilespmem:s0+$0x18E0]  }
0x29: {  	v6 =	vld [tilespmem:s0+$0x10]  }
0x2a: {  	v7 =	vld [tilespmem:s0+$0x20]  }
0x2b: {  	v8 =	vld [tilespmem:s0+$0x30]  }
0x2c: {  	v9 =	vld [tilespmem:s0+$0x40]  }
0x2d: {  	v10 =	vld [tilespmem:s0+$0x50]  }
0x2e: {  	v11 =	vld [tilespmem:s0+$0xC60];
	v2 =	vshll.u32 v2, $0x9;
	v3 =	vshll.u32 v3, $0x4  }
0x2f: {  	v4 =	vshll.u32 v4, $0x9;
	v5 =	vshra.s32 v5, $0x1;
	v2 =	vand.u32 $0xFFFFFC00, v2  }
0x30: {  	v6 =	vshll.u32 v6, $0x9;
	v3 =	vand.u32 $0xFFFFFFE0, v3;
	v2 =	vadd.s32 v0, v2  }
0x31: {  	v7 =	vshll.u32 v7, $0x9;
	v8 =	vshll.u32 v8, $0x9;
	v2 =	vadd.s32 v3, v2;
	v3 =	vld [tilespmem:s0+$0xC40]  }
0x32: {  	v9 =	vshll.u32 v9, $0x9;
	v10 =	vshll.u32 v10, $0x9;
	v2 =	vadd.s32 v5, v2;
	v5 =	vld [tilespmem:s0+$0xC50]  }
0x33: {  	v12 =	vld [tilespmem:s0+$0xC70];
	v11 =	vshll.u32 v11, $0x4;
	v4 =	vand.u32 $0xFFFFFC00, v4;
	v6 =	vand.u32 $0xFFFFFC00, v6  }
0x34: {  	v13 =	vld [tilespmem:s0+$0xC90];
	v7 =	vand.u32 $0xFFFFFC00, v7;
	v8 =	vand.u32 $0xFFFFFC00, v8;
	vm0 =	vlt.u32 v2, $0x4000  }
0x35: {  	v14 =	vld [tilespmem:s0+$0x1880];
	v9 =	vand.u32 $0xFFFFFC00, v9;
	v10 =	vand.u32 $0xFFFFFC00, v10;
	v2 =	vsel vm0, v2, v1  }
0x36: {  	v4 =	vadd.s32 v0, v4;
	v6 =	vadd.s32 v0, v6;
	[tilespmem:s0+$0x2520] =	vst v2;
	v2 =	vadd.s32 v0, v7;
	v7 =	vld [tilespmem:s0+$0xC80]  }
0x37: {  	v15 =	vld [tilespmem:s0+$0x1890];
	v8 =	vadd.s32 v0, v8;
	v3 =	vshll.u32 v3, $0x4;
	v5 =	vshll.u32 v5, $0x4  }
0x38: {  	v9 =	vadd.s32 v0, v9;
	v3 =	vand.u32 $0xFFFFFFE0, v3;
	v5 =	vand.u32 $0xFFFFFFE0, v5  }
0x39: {  	v16 =	vadd.s32 v3, v4;
	v3 =	vand.u32 $0xFFFFFFE0, v11;
	v4 =	vshll.u32 v12, $0x4  }
0x3a: {  	v17 =	vld [tilespmem:s0+$0x18A0];
	v6 =	vadd.s32 v5, v6;
	v4 =	vand.u32 $0xFFFFFFE0, v4;
	v63 =	vadd.s32 v3, v2  }
0x3b: {  	v11 =	vld [tilespmem:s0+$0x18B0];
	v3 =	vshll.u32 v13, $0x4;
	v5 =	vshll.u32 v7, $0x4;
	v7 =	vshra.s32 v14, $0x1  }
0x3c: {  	v2 =	vand.u32 $0xFFFFFFE0, v5;
	v5 =	vadd.s32 v4, v8;
	v8 =	vshra.s32 v15, $0x1;
	v4 =	vld [tilespmem:s0+$0x18C0]  }
0x3d: {  	v2 =	vadd.s32 v2, v9;
	v9 =	vadd.s32 v7, v16;
	v7 =	vadd.s32 v8, v6;
	v6 =	vld [tilespmem:s0+$0x18D0]  }
0x3e: {  	v10 =	vadd.s32 v0, v10;
	v3 =	vand.u32 $0xFFFFFFE0, v3  }
0x3f: {  	v3 =	vadd.s32 v3, v10;
	v8 =	vshra.s32 v17, $0x1  }
0x40: {  	s17 =	simm.s32 $0x70;
	s22 =	simm.s32 $0x380;
	vm0 =	vlt.u32 v9, $0x4000;
	v8 =	vadd.s32 v8, v63;
	v10 =	vshra.s32 v11, $0x1  }
.LBB2_2:
0x41: {  	p0 =	sne.s32 s22, $0x2F40;
	v11 =	vld [tilespmem:s17+$0x60];
	vm1 =	vlt.u32 v7, $0x4000;
	v5 =	vadd.s32 v10, v5;
	v4 =	vshra.s32 v4, $0x1  }
0x42: {  	vm2 =	vlt.u32 v8, $0x4000;
	v10 =	vld [tilespmem:s17+$0xCA0];
	v2 =	vadd.s32 v4, v2;
	v4 =	vshra.s32 v6, $0x1  }
0x43: {  	vm3 =	vlt.u32 v5, $0x4000;
	v6 =	vld [tilespmem:s17+$0x0];
	vm4 =	vlt.u32 v2, $0x4000;
	v3 =	vadd.s32 v4, v3  }
0x44: {  	v9 =	vsel vm0, v9, v1;
	v7 =	vsel vm1, v7, v1;
	v4 =	vld [tilespmem:s17+$0x18E0];
	vm0 =	vlt.u32 v3, $0x4000  }
0x45: {  	v8 =	vsel vm2, v8, v1;
	v5 =	vsel vm3, v5, v1;
	v2 =	vsel vm4, v2, v1;
	v12 =	vld [tilespmem:s17+$0x10];
	[tilespmem:s0+$0x24C0] =	vst v9  }
0x46: {  	v3 =	vsel vm0, v3, v1;
	v9 =	vld [tilespmem:s17+$0x20];
	v11 =	vshll.u32 v11, $0x9;
	[tilespmem:s0+$0x24D0] =	vst v7  }
0x47: {  	v7 =	vld [tilespmem:s17+$0x30];
	v11 =	vand.u32 $0xFFFFFC00, v11;
	v10 =	vshll.u32 v10, $0x4;
	[tilespmem:s0+$0x24E0] =	vst v8  }
0x48: {  	v6 =	vshll.u32 v6, $0x9;
	v8 =	vld [tilespmem:s17+$0x40];
	v10 =	vand.u32 $0xFFFFFFE0, v10;
	v11 =	vadd.s32 v0, v11;
	[tilespmem:s0+$0x24F0] =	vst v5  }
0x49: {  	v5 =	vand.u32 $0xFFFFFC00, v6;
	v6 =	vld [tilespmem:s17+$0x50];
	v4 =	vshra.s32 v4, $0x1;
	v10 =	vadd.s32 v10, v11;
	[tilespmem:s0+$0x2500] =	vst v2  }
0x4a: {  	v2 =	vld [tilespmem:s17+$0xC40];
	v5 =	vadd.s32 v0, v5;
	v11 =	vshll.u32 v12, $0x9;
	v4 =	vadd.s32 v4, v10;
	[tilespmem:s0+$0x2510] =	vst v3;
	s0 =	smov.u32 s17  }
0x4b: {  	v3 =	vld [tilespmem:s0+$0xC50];
	v10 =	vand.u32 $0xFFFFFC00, v11;
	v9 =	vshll.u32 v9, $0x9;
	vm0 =	vlt.u32 v4, $0x4000  }
0x4c: {  	v11 =	vld [tilespmem:s0+$0xC60];
	v9 =	vand.u32 $0xFFFFFC00, v9;
	v7 =	vshll.u32 v7, $0x9;
	v4 =	vsel vm0, v4, v1  }
0x4d: {  	v10 =	vadd.s32 v0, v10;
	v12 =	vld [tilespmem:s0+$0xC70];
	v7 =	vand.u32 $0xFFFFFC00, v7;
	v8 =	vshll.u32 v8, $0x9;
	[tilespmem:s0+$0x2520] =	vst v4  }
0x4e: {  	v4 =	vadd.s32 v0, v9;
	v9 =	vld [tilespmem:s0+$0xC80];
	v8 =	vand.u32 $0xFFFFFC00, v8;
	v6 =	vshll.u32 v6, $0x9  }
0x4f: {  	v7 =	vadd.s32 v0, v7;
	v2 =	vshll.u32 v2, $0x4;
	v13 =	vld [tilespmem:s0+$0xC90];
	v6 =	vand.u32 $0xFFFFFC00, v6  }
0x50: {  	v8 =	vadd.s32 v0, v8;
	v14 =	vld [tilespmem:s0+$0x1880];
	v3 =	vshll.u32 v3, $0x4;
	v15 =	vadd.s32 v0, v6  }
0x51: {  	v2 =	vand.u32 $0xFFFFFFE0, v2;
	v16 =	vld [tilespmem:s0+$0x1890];
	v3 =	vand.u32 $0xFFFFFFE0, v3;
	v6 =	vshll.u32 v11, $0x4  }
0x52: {  	v11 =	vadd.s32 v2, v5;
	v17 =	vld [tilespmem:s0+$0x18A0];
	v2 =	vand.u32 $0xFFFFFFE0, v6;
	v5 =	vshll.u32 v12, $0x4  }
0x53: {  	v10 =	vadd.s32 v3, v10;
	v12 =	vld [tilespmem:s0+$0x18B0];
	v3 =	vand.u32 $0xFFFFFFE0, v5;
	v5 =	vshll.u32 v9, $0x4  }
.Ltmp0:
0x54: {  	v18 =	vadd.s32 v2, v4;
	v4 =	vld [tilespmem:s0+$0x18C0];
	v2 =	vand.u32 $0xFFFFFFE0, v5;
	v9 =	vshll.u32 v13, $0x4;
	(pc) =	sbr.rel @p0 .LBB2_2-.Ltmp0, $4  }
0x55: {  	v5 =	vadd.s32 v3, v7;
	v2 =	vadd.s32 v2, v8;
	v6 =	vld [tilespmem:s0+$0x18D0];
	v3 =	vand.u32 $0xFFFFFFE0, v9  }
0x56: {  	v7 =	vshra.s32 v14, $0x1;
	v8 =	vshra.s32 v16, $0x1;
	v3 =	vadd.s32 v3, v15  }
0x57: {  	v9 =	vadd.s32 v7, v11;
	v7 =	vadd.s32 v8, v10;
	v8 =	vshra.s32 v17, $0x1  }
0x58: {  	s17 =	sshra.s32 s22, $0x2;
	s22 =	sadd.s32 $0x1C0, s22;
	vm0 =	vlt.u32 v9, $0x4000;
	v8 =	vadd.s32 v8, v18;
	v10 =	vshra.s32 v12, $0x1  }
0x59: {  	v11 =	vld [tilespmem:s17+$0x60]  }
0x5a: {  	v12 =	vld [tilespmem:s17+$0xCA0]  }
0x5b: {  	v13 =	vld [tilespmem:s17+$0x0];
	v9 =	vsel vm0, v9, v1  }
0x5c: {  	v14 =	vld [tilespmem:s17+$0x18E0];
	vm5 =	vlt.u32 v7, $0x4000;
	vm6 =	vlt.u32 v8, $0x4000;
	v5 =	vadd.s32 v10, v5  }
0x5d: {  	v15 =	vld [tilespmem:s17+$0x10];
	v4 =	vshra.s32 v4, $0x1;
	[tilespmem:s0+$0x24C0] =	vst v9;
	v7 =	vsel vm5, v7, v1;
	v35 =	vsel vm6, v8, v1  }
0x5e: {  	v6 =	vshra.s32 v6, $0x1;
	vm7 =	vlt.u32 v5, $0x4000;
	v2 =	vadd.s32 v4, v2;
	v9 =	vld [tilespmem:s17+$0x20];
	[tilespmem:s0+$0x24D0] =	vst v7  }
0x5f: {  	v3 =	vadd.s32 v6, v3;
	v37 =	vsel vm7, v5, v1;
	vm8 =	vlt.u32 v2, $0x4000;
	v36 =	vld [tilespmem:s17+$0x30];
	[tilespmem:s0+$0x24E0] =	vst v35  }
0x60: {  	vm1 =	vlt.u32 v3, $0x4000;
	v2 =	vsel vm8, v2, v1;
	v38 =	vld [tilespmem:s17+$0x40];
	[tilespmem:s0+$0x24F0] =	vst v37  }
0x61: {  	v3 =	vsel vm1, v3, v1;
	v40 =	vld [tilespmem:s17+$0x50];
	[tilespmem:s0+$0x2500] =	vst v2  }
0x62: {  	v44 =	vld [tilespmem:s17+$0xC40];
	[tilespmem:s0+$0x2510] =	vst v3  }
0x63: {  	v39 =	vshll.u32 v11, $0x9;
	v47 =	vld [tilespmem:s17+$0xC60]  }
0x64: {  	v41 =	vshll.u32 v12, $0x4;
	v42 =	vshll.u32 v13, $0x9;
	v46 =	vshll.u32 v15, $0x9;
	v48 =	vld [tilespmem:s17+$0xC70]  }
0x65: {  	v4 =	vand.u32 $0xFFFFFC00, v39;
	v2 =	vand.u32 $0xFFFFFFE0, v41;
	v43 =	vand.u32 $0xFFFFFC00, v42;
	v49 =	vld [tilespmem:s17+$0xC80]  }
0x66: {  	v3 =	vshra.s32 v14, $0x1;
	v7 =	vand.u32 $0xFFFFFC00, v46;
	v4 =	vadd.s32 v0, v4;
	v50 =	vld [tilespmem:s17+$0xC90]  }
0x67: {  	v45 =	vadd.s32 v0, v43;
	v9 =	vshll.u32 v9, $0x9;
	v7 =	vadd.s32 v0, v7;
	v51 =	vld [tilespmem:s17+$0x1880]  }
0x68: {  	v52 =	vld [tilespmem:s17+$0x1890];
	v2 =	vadd.s32 v2, v4;
	v9 =	vand.u32 $0xFFFFFC00, v9;
	v8 =	vshll.u32 v36, $0x9  }
0x69: {  	v53 =	vld [tilespmem:s17+$0x18A0];
	v2 =	vadd.s32 v3, v2;
	v8 =	vand.u32 $0xFFFFFC00, v8;
	v5 =	vshll.u32 v38, $0x9  }
0x6a: {  	v55 =	vld [tilespmem:s17+$0x18C0];
	vm9 =	vlt.u32 v2, $0x4000;
	v5 =	vand.u32 $0xFFFFFC00, v5;
	v6 =	vshll.u32 v40, $0x9  }
0x6b: {  	v58 =	vld [tilespmem:s17+$0x18D0];
	v8 =	vadd.s32 v0, v8;
	v2 =	vsel vm9, v2, v1;
	v10 =	vshll.u32 v44, $0x4  }
0x6c: {  	v6 =	vand.u32 $0xFFFFFC00, v6;
	v5 =	vadd.s32 v0, v5;
	[tilespmem:s17+$0x2520] =	vst v2;
	v2 =	vadd.s32 v0, v9  }
0x6d: {  	v3 =	vld [tilespmem:s17+$0xC50];
	v6 =	vadd.s32 v0, v6;
	v10 =	vand.u32 $0xFFFFFFE0, v10;
	v11 =	vshll.u32 v47, $0x4  }
0x6e: {  	v12 =	vshll.u32 v48, $0x4;
	v9 =	vshll.u32 v49, $0x4;
	v13 =	vshll.u32 v50, $0x4  }
0x6f: {  	v57 =	vshra.s32 v51, $0x1;
	v59 =	vshra.s32 v52, $0x1;
	v60 =	vshra.s32 v53, $0x1  }
0x70: {  	v61 =	vshra.s32 v55, $0x1;
	v62 =	vshra.s32 v58, $0x1;
	v4 =	vadd.s32 v10, v45  }
0x71: {  	v11 =	vand.u32 $0xFFFFFFE0, v11;
	v12 =	vand.u32 $0xFFFFFFE0, v12;
	v9 =	vand.u32 $0xFFFFFFE0, v9  }
0x72: {  	v54 =	vld [tilespmem:s17+$0x18B0];
	v56 =	vand.u32 $0xFFFFFFE0, v13;
	v3 =	vshll.u32 v3, $0x4;
	v2 =	vadd.s32 v11, v2  }
0x73: {  	v8 =	vadd.s32 v12, v8;
	v5 =	vadd.s32 v9, v5;
	v4 =	vadd.s32 v57, v4  }
0x74: {  	v6 =	vadd.s32 v56, v6;
	v3 =	vand.u32 $0xFFFFFFE0, v3;
	vm10 =	vlt.u32 v4, $0x4000  }
0x75: {  	v2 =	vadd.s32 v60, v2;
	v5 =	vadd.s32 v61, v5;
	v3 =	vadd.s32 v3, v7  }
0x76: {  	v4 =	vsel vm10, v4, v1;
	vm12 =	vlt.u32 v2, $0x4000;
	v3 =	vadd.s32 v59, v3  }
0x77: {  	v7 =	vshra.s32 v54, $0x1;
	[tilespmem:s17+$0x24C0] =	vst v4;
	v2 =	vsel vm12, v2, v1;
	vm11 =	vlt.u32 v3, $0x4000  }
0x78: {  	vm14 =	vlt.u32 v5, $0x4000;
	v7 =	vadd.s32 v7, v8;
	[tilespmem:s17+$0x24E0] =	vst v2;
	v3 =	vsel vm11, v3, v1  }
0x79: {  	vm13 =	vlt.u32 v7, $0x4000;
	v2 =	vsel vm14, v5, v1;
	[tilespmem:s17+$0x24D0] =	vst v3;
	v3 =	vadd.s32 v62, v6  }
0x7a: {  	v63 =	vsel vm13, v7, v1;
	[tilespmem:s17+$0x2500] =	vst v2;
	vm15 =	vlt.u32 v3, $0x4000  }
0x7b: {  	[tilespmem:s17+$0x24F0] =	vst v63;
	v3 =	vsel vm15, v3, v1  }
0x7c: {  	[tilespmem:s17+$0x2510] =	vst v3  }
0x7d: {  	[bflag:$0x0] =	sbarrier.arrive $0xFFFF  }
0x7e: {  	[tilespmem:s19], [sflag:$0x2] =	stream.linear.gather [hbm4b:s9+s3], $0xC400, $0x38;
	[tilespmem:$0x1F700] =	vst v63  }
0x7f: {  	_ =	swait.ge [sflag:s16], $0xC400  }
0x80: {  	[sflag:s16] =	ssyncset.done $0x0  }
0x81: {  	s17 =	simm.s32 $0x24C0;
	[sflag:s16] =	ssyncadd.s32 $0xFFFF3C00  }
0x82: {  	[spmem:s2] =	stream.indirect.scatter.add.f32 [tilespmem:s19], [sflag:$0x1], $0x40, s17, s20, $0xb8;
	[tilespmem:$0x1F700] =	vst v63  }
0x83: {  	s22 =	simm.s32 $0x2530  }
0x84: {  	[spmem:s2] =	stream.indirect.scatter.add.f32 [tilespmem:s24], [sflag:$0x1], $0x40, s22, s20, $0xb8;
	[tilespmem:$0x1F700] =	vst v63  }
0x85: {  	s17 =	simm.s32 $0x25A0  }
0x86: {  	[spmem:s2] =	stream.indirect.scatter.add.f32 [tilespmem:s26], [sflag:$0x1], $0x40, s17, s20, $0xb8;
	[tilespmem:$0x1F700] =	vst v63  }
0x87: {  	s22 =	simm.s32 $0x2610  }
0x88: {  	[spmem:s2] =	stream.indirect.scatter.add.f32 [tilespmem:s29], [sflag:$0x1], $0x40, s22, s20, $0xb8;
	[tilespmem:$0x1F700] =	vst v63  }
0x89: {  	s17 =	simm.s32 $0x2680  }
0x8a: {  	[spmem:s2] =	stream.indirect.scatter.add.f32 [tilespmem:s31], [sflag:$0x1], $0x40, s17, s20, $0xb8;
	[tilespmem:$0x1F700] =	vst v63  }
0x8b: {  	s22 =	simm.s32 $0x26F0  }
0x8c: {  	[spmem:s2] =	stream.indirect.scatter.add.f32 [tilespmem:s1], [sflag:$0x1], $0x40, s22, s20, $0xb8;
	[tilespmem:$0x1F700] =	vst v63  }
0x8d: {  	s17 =	simm.s32 $0x2760  }
0x8e: {  	[spmem:s2] =	stream.indirect.scatter.add.f32 [tilespmem:s18], [sflag:$0x1], $0x40, s17, s20, $0xb8;
	[tilespmem:$0x1F700] =	vst v63  }
0x8f: {  	_ =	swait.ge [sflag:s21], $0x1C00  }
0x90: {  	[sflag:s21] =	ssyncset.done $0x0  }
0x91: {  	[sflag:s21] =	ssyncadd.s32 $0xFFFFE400  }
0x92: {  	_ =	swait.ge [sflag:s21], $0x1C00  }
0x93: {  	[sflag:s21] =	ssyncset.done $0x0  }
0x94: {  	[sflag:s21] =	ssyncadd.s32 $0xFFFFE400  }
0x95: {  	_ =	swait.ge [sflag:s21], $0x1C00  }
0x96: {  	[sflag:s21] =	ssyncset.done $0x0  }
0x97: {  	[sflag:s21] =	ssyncadd.s32 $0xFFFFE400  }
0x98: {  	_ =	swait.ge [sflag:s21], $0x1C00  }
0x99: {  	[sflag:s21] =	ssyncset.done $0x0  }
0x9a: {  	[sflag:s21] =	ssyncadd.s32 $0xFFFFE400  }
0x9b: {  	_ =	swait.ge [sflag:s21], $0x1C00  }
0x9c: {  	[sflag:s21] =	ssyncset.done $0x0  }
0x9d: {  	[sflag:s21] =	ssyncadd.s32 $0xFFFFE400  }
0x9e: {  	_ =	swait.ge [sflag:s21], $0x1C00  }
0x9f: {  	[sflag:s21] =	ssyncset.done $0x0  }
0xa0: {  	[sflag:s21] =	ssyncadd.s32 $0xFFFFE400  }
0xa1: {  	_ =	swait.ge [sflag:s21], $0x1C00  }
0xa2: {  	[sflag:s21] =	ssyncset.done $0x0  }
0xa3: {  	[sflag:s21] =	ssyncadd.s32 $0xFFFFE400  }
0xa4: {  	[tilespmem:s19], [sflag:$0x2] =	stream.linear.gather [hbm4b:s10+s3], $0xC400, $0x38;
	[tilespmem:$0x1F700] =	vst v63  }
0xa5: {  	_ =	swait.ge [sflag:s16], $0xC400  }
0xa6: {  	[sflag:s16] =	ssyncset.done $0x0  }
0xa7: {  	s22 =	simm.s32 $0x27D0;
	[sflag:s16] =	ssyncadd.s32 $0xFFFF3C00  }
0xa8: {  	[spmem:s2] =	stream.indirect.scatter.add.f32 [tilespmem:s19], [sflag:$0x1], $0x40, s22, s20, $0xb8;
	[tilespmem:$0x1F700] =	vst v63  }
0xa9: {  	s17 =	simm.s32 $0x2840  }
0xaa: {  	[spmem:s2] =	stream.indirect.scatter.add.f32 [tilespmem:s24], [sflag:$0x1], $0x40, s17, s20, $0xb8;
	[tilespmem:$0x1F700] =	vst v63  }
0xab: {  	s22 =	simm.s32 $0x28B0  }
0xac: {  	[spmem:s2] =	stream.indirect.scatter.add.f32 [tilespmem:s26], [sflag:$0x1], $0x40, s22, s20, $0xb8;
	[tilespmem:$0x1F700] =	vst v63  }
0xad: {  	s17 =	simm.s32 $0x2920  }
0xae: {  	[spmem:s2] =	stream.indirect.scatter.add.f32 [tilespmem:s29], [sflag:$0x1], $0x40, s17, s20, $0xb8;
	[tilespmem:$0x1F700] =	vst v63  }
0xaf: {  	s22 =	simm.s32 $0x2990  }
0xb0: {  	[spmem:s2] =	stream.indirect.scatter.add.f32 [tilespmem:s31], [sflag:$0x1], $0x40, s22, s20, $0xb8;
	[tilespmem:$0x1F700] =	vst v63  }
0xb1: {  	s17 =	simm.s32 $0x2A00  }
0xb2: {  	[spmem:s2] =	stream.indirect.scatter.add.f32 [tilespmem:s1], [sflag:$0x1], $0x40, s17, s20, $0xb8;
	[tilespmem:$0x1F700] =	vst v63  }
0xb3: {  	s22 =	simm.s32 $0x2A70  }
0xb4: {  	[spmem:s2] =	stream.indirect.scatter.add.f32 [tilespmem:s18], [sflag:$0x1], $0x40, s22, s20, $0xb8;
	[tilespmem:$0x1F700] =	vst v63  }
0xb5: {  	_ =	swait.ge [sflag:s21], $0x1C00  }
0xb6: {  	[sflag:s21] =	ssyncset.done $0x0  }
0xb7: {  	[sflag:s21] =	ssyncadd.s32 $0xFFFFE400  }
0xb8: {  	_ =	swait.ge [sflag:s21], $0x1C00  }
0xb9: {  	[sflag:s21] =	ssyncset.done $0x0  }
0xba: {  	[sflag:s21] =	ssyncadd.s32 $0xFFFFE400  }
0xbb: {  	_ =	swait.ge [sflag:s21], $0x1C00  }
0xbc: {  	[sflag:s21] =	ssyncset.done $0x0  }
0xbd: {  	[sflag:s21] =	ssyncadd.s32 $0xFFFFE400  }
0xbe: {  	_ =	swait.ge [sflag:s21], $0x1C00  }
0xbf: {  	[sflag:s21] =	ssyncset.done $0x0  }
0xc0: {  	[sflag:s21] =	ssyncadd.s32 $0xFFFFE400  }
0xc1: {  	_ =	swait.ge [sflag:s21], $0x1C00  }
0xc2: {  	[sflag:s21] =	ssyncset.done $0x0  }
0xc3: {  	[sflag:s21] =	ssyncadd.s32 $0xFFFFE400  }
0xc4: {  	_ =	swait.ge [sflag:s21], $0x1C00  }
0xc5: {  	[sflag:s21] =	ssyncset.done $0x0  }
0xc6: {  	[sflag:s21] =	ssyncadd.s32 $0xFFFFE400  }
0xc7: {  	_ =	swait.ge [sflag:s21], $0x1C00  }
0xc8: {  	[sflag:s21] =	ssyncset.done $0x0  }
0xc9: {  	[sflag:s21] =	ssyncadd.s32 $0xFFFFE400  }
0xca: {  	[tilespmem:s19], [sflag:$0x2] =	stream.linear.gather [hbm4b:s11+s3], $0xC400, $0x38;
	[tilespmem:$0x1F700] =	vst v63  }
0xcb: {  	_ =	swait.ge [sflag:s16], $0xC400  }
0xcc: {  	[sflag:s16] =	ssyncset.done $0x0  }
0xcd: {  	s17 =	simm.s32 $0x2AE0;
	[sflag:s16] =	ssyncadd.s32 $0xFFFF3C00  }
0xce: {  	[spmem:s2] =	stream.indirect.scatter.add.f32 [tilespmem:s19], [sflag:$0x1], $0x40, s17, s20, $0xb8;
	[tilespmem:$0x1F700] =	vst v63  }
0xcf: {  	s22 =	simm.s32 $0x2B50  }
0xd0: {  	[spmem:s2] =	stream.indirect.scatter.add.f32 [tilespmem:s24], [sflag:$0x1], $0x40, s22, s20, $0xb8;
	[tilespmem:$0x1F700] =	vst v63  }
0xd1: {  	s17 =	simm.s32 $0x2BC0  }
0xd2: {  	[spmem:s2] =	stream.indirect.scatter.add.f32 [tilespmem:s26], [sflag:$0x1], $0x40, s17, s20, $0xb8;
	[tilespmem:$0x1F700] =	vst v63  }
0xd3: {  	s22 =	simm.s32 $0x2C30  }
0xd4: {  	[spmem:s2] =	stream.indirect.scatter.add.f32 [tilespmem:s29], [sflag:$0x1], $0x40, s22, s20, $0xb8;
	[tilespmem:$0x1F700] =	vst v63  }
0xd5: {  	s17 =	simm.s32 $0x2CA0  }
0xd6: {  	[spmem:s2] =	stream.indirect.scatter.add.f32 [tilespmem:s31], [sflag:$0x1], $0x40, s17, s20, $0xb8;
	[tilespmem:$0x1F700] =	vst v63  }
0xd7: {  	s22 =	simm.s32 $0x2D10  }
0xd8: {  	[spmem:s2] =	stream.indirect.scatter.add.f32 [tilespmem:s1], [sflag:$0x1], $0x40, s22, s20, $0xb8;
	[tilespmem:$0x1F700] =	vst v63  }
0xd9: {  	s17 =	simm.s32 $0x2D80  }
0xda: {  	[spmem:s2] =	stream.indirect.scatter.add.f32 [tilespmem:s18], [sflag:$0x1], $0x40, s17, s20, $0xb8;
	[tilespmem:$0x1F700] =	vst v63  }
0xdb: {  	_ =	swait.ge [sflag:s21], $0x1C00  }
0xdc: {  	[sflag:s21] =	ssyncset.done $0x0  }
0xdd: {  	[sflag:s21] =	ssyncadd.s32 $0xFFFFE400  }
0xde: {  	_ =	swait.ge [sflag:s21], $0x1C00  }
0xdf: {  	[sflag:s21] =	ssyncset.done $0x0  }
0xe0: {  	[sflag:s21] =	ssyncadd.s32 $0xFFFFE400  }
0xe1: {  	_ =	swait.ge [sflag:s21], $0x1C00  }
0xe2: {  	[sflag:s21] =	ssyncset.done $0x0  }
0xe3: {  	[sflag:s21] =	ssyncadd.s32 $0xFFFFE400  }
0xe4: {  	_ =	swait.ge [sflag:s21], $0x1C00  }
0xe5: {  	[sflag:s21] =	ssyncset.done $0x0  }
0xe6: {  	[sflag:s21] =	ssyncadd.s32 $0xFFFFE400  }
0xe7: {  	_ =	swait.ge [sflag:s21], $0x1C00  }
0xe8: {  	[sflag:s21] =	ssyncset.done $0x0  }
0xe9: {  	[sflag:s21] =	ssyncadd.s32 $0xFFFFE400  }
0xea: {  	_ =	swait.ge [sflag:s21], $0x1C00  }
0xeb: {  	[sflag:s21] =	ssyncset.done $0x0  }
0xec: {  	[sflag:s21] =	ssyncadd.s32 $0xFFFFE400  }
0xed: {  	_ =	swait.ge [sflag:s21], $0x1C00  }
0xee: {  	[sflag:s21] =	ssyncset.done $0x0  }
0xef: {  	[sflag:s21] =	ssyncadd.s32 $0xFFFFE400  }
0xf0: {  	[tilespmem:s19], [sflag:$0x2] =	stream.linear.gather [hbm4b:s12+s3], $0xC400, $0x38;
	[tilespmem:$0x1F700] =	vst v63  }
0xf1: {  	_ =	swait.ge [sflag:s16], $0xC400  }
0xf2: {  	[sflag:s16] =	ssyncset.done $0x0  }
0xf3: {  	s22 =	simm.s32 $0x2DF0;
	[sflag:s16] =	ssyncadd.s32 $0xFFFF3C00  }
0xf4: {  	[spmem:s2] =	stream.indirect.scatter.add.f32 [tilespmem:s19], [sflag:$0x1], $0x40, s22, s20, $0xb8;
	[tilespmem:$0x1F700] =	vst v63  }
0xf5: {  	s17 =	simm.s32 $0x2E60  }
0xf6: {  	[spmem:s2] =	stream.indirect.scatter.add.f32 [tilespmem:s24], [sflag:$0x1], $0x40, s17, s20, $0xb8;
	[tilespmem:$0x1F700] =	vst v63  }
0xf7: {  	s22 =	simm.s32 $0x2ED0  }
0xf8: {  	[spmem:s2] =	stream.indirect.scatter.add.f32 [tilespmem:s26], [sflag:$0x1], $0x40, s22, s20, $0xb8;
	[tilespmem:$0x1F700] =	vst v63  }
0xf9: {  	s17 =	simm.s32 $0x2F40  }
0xfa: {  	[spmem:s2] =	stream.indirect.scatter.add.f32 [tilespmem:s29], [sflag:$0x1], $0x40, s17, s20, $0xb8;
	[tilespmem:$0x1F700] =	vst v63  }
0xfb: {  	s22 =	simm.s32 $0x2FB0  }
0xfc: {  	[spmem:s2] =	stream.indirect.scatter.add.f32 [tilespmem:s31], [sflag:$0x1], $0x40, s22, s20, $0xb8;
	[tilespmem:$0x1F700] =	vst v63  }
0xfd: {  	_ = 	snop  }
0xfe: {  	[spmem:s2] =	stream.indirect.scatter.add.f32 [tilespmem:s1], [sflag:$0x1], $0x40, s25, s20, $0xb8;
	[tilespmem:$0x1F700] =	vst v63  }
0xff: {  	_ = 	snop  }
0x100: {  	[spmem:s2] =	stream.indirect.scatter.add.f32 [tilespmem:s18], [sflag:$0x1], $0x40, s28, s20, $0xb8;
	[tilespmem:$0x1F700] =	vst v63  }
0x101: {  	_ =	swait.ge [sflag:s21], $0x1C00  }
0x102: {  	[sflag:s21] =	ssyncset.done $0x0  }
0x103: {  	[sflag:s21] =	ssyncadd.s32 $0xFFFFE400  }
0x104: {  	_ =	swait.ge [sflag:s21], $0x1C00  }
0x105: {  	[sflag:s21] =	ssyncset.done $0x0  }
0x106: {  	[sflag:s21] =	ssyncadd.s32 $0xFFFFE400  }
0x107: {  	_ =	swait.ge [sflag:s21], $0x1C00  }
0x108: {  	[sflag:s21] =	ssyncset.done $0x0  }
0x109: {  	[sflag:s21] =	ssyncadd.s32 $0xFFFFE400  }
0x10a: {  	_ =	swait.ge [sflag:s21], $0x1C00  }
0x10b: {  	[sflag:s21] =	ssyncset.done $0x0  }
0x10c: {  	[sflag:s21] =	ssyncadd.s32 $0xFFFFE400  }
0x10d: {  	_ =	swait.ge [sflag:s21], $0x1C00  }
0x10e: {  	[sflag:s21] =	ssyncset.done $0x0  }
0x10f: {  	[sflag:s21] =	ssyncadd.s32 $0xFFFFE400  }
0x110: {  	_ =	swait.ge [sflag:s21], $0x1C00  }
0x111: {  	[sflag:s21] =	ssyncset.done $0x0  }
0x112: {  	[sflag:s21] =	ssyncadd.s32 $0xFFFFE400  }
0x113: {  	_ =	swait.ge [sflag:s21], $0x1C00  }
0x114: {  	s30 =	sadd.s32 $0x1, s30;
	[sflag:s21] =	ssyncset.done $0x0  }
0x115: {  	p0 =	sne.s32 s30, s14;
	[sflag:s21] =	ssyncadd.s32 $0xFFFFE400  }
.Ltmp1:
0x116: {  	[bflag:$0x0] =	sbarrier.arrive $0xFFFF;
	(pc) =	sbr.rel @p0 .LBB2_1-.Ltmp1, $4  }
0x117: {  	[hbm:s13], [sflag:s6] =	dma.local [spmem:s23], $0x2000  }
0x118: {  	_ =	swait.ge [sflag:s16], $0x2000  }
0x119: {  	[sflag:s16] =	ssyncset.done $0x0  }
0x11a: {  	[sflag:s16] =	ssyncadd.s32 $0xFFFFE000  }
0x11b: {  	_ =	sfence.sel $0x180000  }
0x11c: {  	[bflag:$0x0] =	sbarrier.arrive $0xFFFF  }
0x11d: {  	_ =	strace $0x90000047  }
0x11e: {  	s0 =	stileid.u32;
	[bflag:$0x2] =	sbarrier.arrive $0xFFFF  }
0x11f: {  	p0 =	sne.s32 s0, $0x0;
	s0 =	rddreg [dreg:$0x3]  }
0x120: {  	s0 =	sadd.s32 @!p0 $0x100000, s0  }
0x121: {  	[sflag:s0] =	ssyncadd.tile.s32 @!p0 $0x1;
	_ =	shalt  }
.Lfunc_end2:
_tile_overlayer_lowered:
.L_overlay_start_2:
0x122: {  	(tag) =	ssettag $0x2  }
0x123: {  	s0 =	rddreg [dreg:$0x0];
	s2 =	stileid.u32  }
0x124: {  	s1 =	rddreg [dreg:$0x1];
	p0 =	sne.s32 s2, $0x0  }
0x125: {  	s3 =	rddreg [dreg:$0x2];
	[bflag:$0x3] =	sbarrier.arrive $0xFFFF;
	s2 =	simm.s32 @!p0 $0x1C02  }
0x126: {  	[timem:s3], [sflag:s2] =	dma.local @!p0 [hbm:s0], s1  }
0x127: {  	s0 =	simm.s32 @!p0 $0x2  }
0x128: {  	_ =	swait.ge @!p0 [sflag:s0], s1  }
0x129: {  	s1 =	ssub.s32 @!p0 $0x0, s1;
	[sflag:s0] =	ssyncset.done @!p0 $0x0  }
0x12a: {  	[sflag:s0] =	ssyncadd.s32 @!p0 s1  }
0x12b: {  	[bflag:$0x3] =	sbarrier.arrive $0xFFFF  }
0x12c: {  	_ =	shalt  }

// kernel: kernel.9.cloned.1.call-start
scs
__scs_entry_jumppad:
0x0: {  	(pc) =	sbr.rel $0x88, $3  }
0x1: {  	(tag) =	ssettag $0x0;
	lr =	simm.s32 $0x1  }
0x2: {  	[smem:$0x3F9C] =	sst lr;
	_ =	strace $0xD0000000  }
0x3: {  	_ = 	snop  }
0x4: {  	_ = 	snop  }
0x5: {  	_ = 	snop  }
0x6: {  	_ = 	snop  }
0x7: {  	_ = 	snop  }
__scs_overlays_trampoline_lowered:
0x8: {  	[smem:$0x3FAB] =	sst s0  }
0x9: {  	[smem:$0x3FAC] =	sst s1  }
0xa: {  	[smem:$0x3FAD] =	sst s2  }
0xb: {  	[smem:$0x3FAE] =	sst s3  }
0xc: {  	[smem:$0x3FAF] =	sst s4  }
0xd: {  	[smem:$0x3FB0] =	sst s5  }
0xe: {  	[smem:$0x3FB1] =	sst s6  }
0xf: {  	[smem:$0x3FB2] =	sst s7  }
0x10: {  	[smem:$0x3FB3] =	sst s8  }
0x11: {  	[smem:$0x3FB4] =	sst s9;
	s0 =	simm.s32 @!p0 $0x0  }
0x12: {  	s1 =	sld [smem:$0x3F9A];
	s0 =	simm.s32 @p0 $0x1  }
0x13: {  	[smem:$0x3FB5] =	sst s0;
	s0 =	simm.s32 @!p1 $0x0  }
0x14: {  	s2 =	sld [smem:$0x3F99];
	s0 =	simm.s32 @p1 $0x1  }
0x15: {  	[smem:$0x3FB6] =	sst s0;
	s0 =	simm.s32 @!p2 $0x0  }
0x16: {  	s3 =	sld [smem:$0x3FDB];
	s0 =	simm.s32 @p2 $0x1  }
0x17: {  	s4 =	simm.s32 $0x1BF5;
	[smem:$0x3FB8] =	sst s0  }
0x18: {  	s0 =	sld [smem:$0x3F9B];
	_ =	swait.ge [sflag:s4], $0x0  }
0x19: {  	s7 =	sld [smem:$0x3F9C]  }
0x1a: {  	s8 =	sadd.s32 $0xFFFFE003, lr  }
0x1b: {  	s9 =	sadd.s32 $0xFFFFFEF7, lr;
	s5 =	simm.s32 $0xFFFFFFFF;
	p2 =	slt.u32 s8, $0xFFFFF086  }
0x1c: {  	p1 =	slt.u32 s9, $0xF7A;
	s5 =	simm.s32 @!p2 $0x0  }
0x1d: {  	s5 =	simm.s32 @p1 $0x1;
	p0 =	seq.s32 s7, s2  }
0x1e: {  	s7 =	smul.u32 @!p0 $0xF7A, s2;
	p2 =	seq.s32 @!p0 s5, $0x0  }
0x1f: {  	s9 =	smul.u32 $0xF7A, s1;
	s8 =	simm.s32 @!p0 $0x1BF5;
	p2 =	por !p2, p0  }
0x20: {  	[sflag:s8] =	ssyncset.s32 @!p0 $0xFFFFF086;
	s6 =	sadd.s32 @!p0 s3, s7;
	s7 =	simm.s32 @!p0 $0x108  }
0x21: {  	s3 =	sadd.s32 s3, s9;
	s6 =	sadd.s32 @!p0 $0x88, s6;
	s7 =	simm.s32 @p2 $0x1082  }
0x22: {  	[simem:s7], [sflag:s8] =	dma.local @!p0 [hbm:s6], $0xF7A  }
0x23: {  	s9 =	sor.u32 $0xD0000000, s2;
	s6 =	simm.s32 $0x108;
	_ =	swait.ge @!p0 [sflag:s8], $0x0  }
0x24: {  	s3 =	sadd.s32 $0x88, s3;
	s6 =	simm.s32 @!p1 $0x1082;
	[sflag:s4] =	ssyncset.s32 $0xFFFFF086  }
0x25: {  	[simem:s6], [sflag:s4] =	dma.local [hbm:s3], $0xF7A  }
0x26: {  	[smem:$0x3F9C] =	sst s1;
	(tag) =	ssettag s2;
	_ =	strace s9  }
0x27: {  	s1 =	sld [smem:$0x3FAC]  }
0x28: {  	s2 =	sld [smem:$0x3FAD]  }
0x29: {  	s4 =	sld [smem:$0x3FAF]  }
0x2a: {  	p0 =	seq.s32 s5, $0x0;
	s5 =	sld [smem:$0x3FB0]  }
0x2b: {  	s6 =	sld [smem:$0x3FB1]  }
0x2c: {  	s7 =	sld [smem:$0x3FB2]  }
0x2d: {  	s3 =	simm.s32 $0x108;
	s8 =	sld [smem:$0x3FB3]  }
0x2e: {  	s3 =	simm.s32 @!p0 $0x1082;
	s9 =	sld [smem:$0x3FB4]  }
0x2f: {  	lr =	sadd.s32 s0, s3;
	s0 =	sld [smem:$0x3FAB]  }
0x30: {  	s3 =	sld [smem:$0x3FAE]  }
0x31: {  	[smem:$0x3FB7] =	sst s10  }
0x32: {  	s10 =	sld [smem:$0x3FB5];
	_ =	sdelay $0x3  }
0x33: {  	p0 =	seq.s32 s10, $0x1;
	s10 =	sld [smem:$0x3FB7];
	_ =	sdelay $0x3  }
0x34: {  	[smem:$0x3FB7] =	sst s10  }
0x35: {  	s10 =	sld [smem:$0x3FB6];
	_ =	sdelay $0x3  }
0x36: {  	p1 =	seq.s32 s10, $0x1;
	s10 =	sld [smem:$0x3FB7];
	_ =	sdelay $0x3  }
0x37: {  	[smem:$0x3FB7] =	sst s10  }
0x38: {  	s10 =	sld [smem:$0x3FB8]  }
0x39: {  	_ = 	snop;
	(pc) =	sbr.ind lr, $3  }
0x3a: {  	_ = 	snop  }
0x3b: {  	_ = 	snop  }
0x3c: {  	p2 =	seq.s32 s10, $0x1;
	s10 =	sld [smem:$0x3FB7]  }
0x3d: {  	_ =	shalt  }
0x3e: {  	_ =	shalt  }
0x3f: {  	_ =	shalt  }
0x40: {  	_ =	shalt  }
0x41: {  	_ =	shalt  }
0x42: {  	_ =	shalt  }
0x43: {  	_ =	shalt  }
0x44: {  	_ =	shalt  }
0x45: {  	_ =	shalt  }
0x46: {  	_ =	shalt  }
0x47: {  	_ =	shalt  }
0x48: {  	_ =	shalt  }
0x49: {  	_ =	shalt  }
0x4a: {  	_ =	shalt  }
0x4b: {  	_ =	shalt  }
0x4c: {  	_ =	shalt  }
0x4d: {  	_ =	shalt  }
0x4e: {  	_ =	shalt  }
0x4f: {  	_ =	shalt  }
0x50: {  	_ =	shalt  }
0x51: {  	_ =	shalt  }
0x52: {  	_ =	shalt  }
0x53: {  	_ =	shalt  }
0x54: {  	_ =	shalt  }
0x55: {  	_ =	shalt  }
0x56: {  	_ =	shalt  }
0x57: {  	_ =	shalt  }
0x58: {  	_ =	shalt  }
0x59: {  	_ =	shalt  }
0x5a: {  	_ =	shalt  }
0x5b: {  	_ =	shalt  }
0x5c: {  	_ =	shalt  }
0x5d: {  	_ =	shalt  }
0x5e: {  	_ =	shalt  }
0x5f: {  	_ =	shalt  }
0x60: {  	_ =	shalt  }
0x61: {  	_ =	shalt  }
0x62: {  	_ =	shalt  }
0x63: {  	_ =	shalt  }
0x64: {  	_ =	shalt  }
0x65: {  	_ =	shalt  }
0x66: {  	_ =	shalt  }
0x67: {  	_ =	shalt  }
0x68: {  	_ =	shalt  }
0x69: {  	_ =	shalt  }
0x6a: {  	_ =	shalt  }
0x6b: {  	_ =	shalt  }
0x6c: {  	_ =	shalt  }
0x6d: {  	_ =	shalt  }
0x6e: {  	_ =	shalt  }
0x6f: {  	_ =	shalt  }
0x70: {  	_ =	shalt  }
0x71: {  	_ =	shalt  }
0x72: {  	_ =	shalt  }
0x73: {  	_ =	shalt  }
0x74: {  	_ =	shalt  }
0x75: {  	_ =	shalt  }
0x76: {  	_ =	shalt  }
0x77: {  	_ =	shalt  }
0x78: {  	_ =	shalt  }
0x79: {  	_ =	shalt  }
0x7a: {  	_ =	shalt  }
0x7b: {  	_ =	shalt  }
0x7c: {  	_ =	shalt  }
0x7d: {  	_ =	shalt  }
0x7e: {  	_ =	shalt  }
0x7f: {  	_ =	shalt  }
0x80: {  	_ =	shalt  }
0x81: {  	_ =	shalt  }
0x82: {  	_ =	shalt  }
0x83: {  	_ =	shalt  }
0x84: {  	_ =	shalt  }
0x85: {  	_ =	shalt  }
0x86: {  	_ =	shalt  }
0x87: {  	_ =	shalt  }
.Lfunc_end0:
.L_simem_size_0:
called_computation.1_lowered:
.L_overlay_start_0:
0x88: {  	s2 =	sld [smem:$0x3FD9]  }
0x89: {  	s3 =	sld [smem:$0x3FFE];
	_ =	sdelay $0x1  }
0x8a: {  	s1 =	srdreg.scid  }
0x8b: {  	s0 =	sand.u32 $0x1, s1  }
0x8c: {  	s17 =	sshll.u32 s0, $0xA;
	s2 =	sadd.s32 s3, s2  }
0x8d: {  	s2 =	sadd.s32 s2, s17  }
0x8e: {  	[smem:$0x3FC3] =	sst s2  }
0x8f: {  	_ = 	snop  }
0x90: {  	s2 =	sld [smem:$0x3FD0];
	(tm) =	ssettm $0x1  }
0x91: {  	s18 =	sld [smem:$0x3FFB];
	_ =	sdelay $0x3  }
0x92: {  	_ =	strace s18  }
0x93: {  	s3 =	sld [smem:$0x3FFC];
	_ =	sdelay $0x3  }
0x94: {  	_ =	strace s3  }
0x95: {  	s3 =	sld [smem:$0x3FFD];
	_ =	sdelay $0x3  }
0x96: {  	_ =	strace s3  }
0x97: {  	_ =	strace $0x8FFFFFFF  }
0x98: {  	s19 =	sld [smem:$0x3FDB];
	_ =	sdelay $0x1  }
0x99: {  	s4 =	simm.s32 $_scs_section_size  }
0x9a: {  	s5 =	simm.s32 $_size__tile_overlayer_lowered;
	s6 =	simm.s32 $_tile_overlayer_lowered  }
0x9b: {  	s22 =	simm.s32 $0x1BFF;
	s21 =	sshll.u32 s6, $0x1;
	s3 =	sadd.s32 s4, s19  }
0x9c: {  	s7 =	simm.s32 $0x0;
	s20 =	sshll.u32 s5, $0x1;
	s5 =	sadd.s32 s21, s3  }
0x9d: {  	[timem:s7], [sflag:s22] =	dma.local [hbm:s5], s20  }
0x9e: {  	_ =	swait.ge [sflag:s22], s20  }
0x9f: {  	s4 =	ssub.s32 $0x0, s20;
	[sflag:s22] =	ssyncset.done $0x0  }
0xa0: {  	[sflag:s22] =	ssyncadd.s32 s4;
	_ =	sdelay $0x1  }
0xa1: {  	s23 =	simm.s32 $0x1B8B  }
0xa2: {  	_ =	swait.ge [sflag:s23], $0x1  }
0xa3: {  	[sflag:s23] =	ssyncset.done $0x0  }
0xa4: {  	s25 =	simm.s32 $0x1B8E;
	s24 =	sld [smem:$0x3FFE];
	[sflag:s23] =	ssyncadd.s32 $0xFFFFFFFF  }
0xa5: {  	s26 =	simm.s32 $execute0_lowered;
	[smem:$0x3FD2] =	sst s25  }
0xa6: {  	s5 =	sshll.u32 s26, $0x1;
	_ =	strace $0x80000049;
	[dreg:$0x1] =	wrdreg $0xFFFFFFFF  }
0xa7: {  	s28 =	simm.s32 $_size_execute0_lowered;
	s3 =	sadd.s32 s3, s5;
	[dreg:$0x0] =	wrdreg $0x0  }
0xa8: {  	s5 =	sshll.u32 s28, $0x1;
	[dreg:$0x2] =	wrdreg s3  }
0xa9: {  	[dreg:$0x3] =	wrdreg s5  }
0xaa: {  	[dreg:$0x4] =	wrdreg $0xC0  }
0xab: {  	_ =	task [dreg:s7], $0x5FFFF  }
0xac: {  	[dreg:$0x1] =	wrdreg $0xFFFFFFFF  }
0xad: {  	[dreg:$0x0] =	wrdreg $0x60  }
0xae: {  	[dreg:$0x2] =	wrdreg s2  }
0xaf: {  	[dreg:$0x3] =	wrdreg s24  }
0xb0: {  	[dreg:$0x4] =	wrdreg $0x9  }
0xb1: {  	_ =	task.clear_ibuf [dreg:s7], $0x5FFFF;
	_ =	strace $0x90000049  }
0xb2: {  	s29 =	simm.s32 $0x9;
	_ =	strace $0x8000004B  }
0xb3: {  	_ =	swait.ge [sflag:s29], $0x1  }
0xb4: {  	[sflag:s29] =	ssyncadd.s32 $0xFFFFFFFF  }
0xb5: {  	_ =	strace $0x9000004B  }
0xb6: {  	_ =	sfence  }
0xb7: {  	s30 =	sld [smem:$0x0];
	_ =	sdelay $0x2  }
0xb8: {  	s31 =	sshll.u32 s1, $0xD;
	s1 =	sshrl.u32 s1, $0x2  }
0xb9: {  	s3 =	sand.u32 $0x4000, s31;
	s1 =	sadd.s32 s1, s30  }
0xba: {  	s0 =	sor.u32 s3, s0;
	s1 =	sshll.u32 s1, $0x11  }
0xbb: {  	s0 =	sor.u32 s1, s0  }
0xbc: {  	s0 =	sadd.s32 $0x8F2B, s0  }
0xbd: {  	[sflag:s0] =	ssyncadd.remote.s32 $0x1  }
0xbe: {  	_ =	sfence.sel $0xFFFF  }
0xbf: {  	[dreg:$0x0] =	wrdreg $0xFFFFFFFF;
	(pc) =	sbr.abs _section_cstart, $3  }
0xc0: {  	[dreg:$0x1] =	wrdreg $0xFFFFFFFF  }
0xc1: {  	_ =	task.clear_ibuf [dreg:s7], $0x2FFFF;
	_ =	strace $0x9FFFFFFF  }
0xc2: {  	(tm) =	ssettm $0x7FFFFFFF  }
0xc3: {  	_ =	shalt  }
tec
execute0_lowered:
.L_overlay_start_1:
0x0: {  	(tag) =	ssettag $0x1  }
0x1: {  	s2 =	rddreg [dreg:$0x0]  }
0x2: {  	s0 =	srdreg.scid;
	s3 =	stileid.u32  }
0x3: {  	s1 =	rddreg [dreg:$0x1];
	s9 =	simm.s32 $0x2;
	s12 =	simm.s32 $0x70  }
0x4: {  	s14 =	simm.s32 $0x1880;
	s25 =	simm.s32 $0x1500;
	s26 =	simm.s32 $0xC080  }
0x5: {  	s28 =	simm.s32 $0x1570;
	s29 =	simm.s32 $0xDC80;
	s30 =	simm.s32 $0x15E0  }
0x6: {  	s31 =	simm.s32 $0xF880;
	s10 =	simm.s32 $0x16C0;
	s11 =	simm.s32 $0x13080  }
0x7: {  	s13 =	simm.s32 $0x1730;
	s15 =	simm.s32 $0x14C80;
	s16 =	simm.s32 $0x17A0  }
0x8: {  	s17 =	simm.s32 $0x16880;
	s0 =	sand.u32 $0x1, s0;
	s4 =	sshll.u32 s3, $0x1  }
0x9: {  	s18 =	simm.s32 $0x1810;
	s19 =	simm.s32 $0x18480;
	s4 =	sor.u32 s0, s4  }
0xa: {  	s20 =	simm.s32 $0x1;
	s3 =	simm.s32 $0x0;
	s5 =	smul.u32 $0xC4, s4  }
0xb: {  	s21 =	simm.s32 $0x0;
	[smem:$0x7FF] =	sst s3;
	s0 =	ssub.s32 $0x2, s0  }
0xc: {  	s6 =	sshrl.u32 s0, $0x1;
	s8 =	smul.u32 $0x3100, s4;
	s7 =	sadd.s32 s5, s1  }
0xd: {  	_ =	strace $0x8000004A;
	s0 =	ssub.s32 s0, s6;
	s4 =	sadd.s32 $0x69000, s7  }
0xe: {  	s5 =	sadd.s32 $0x67600, s7;
	s6 =	sadd.s32 $0x65C00, s7;
	s7 =	sadd.s32 s1, s8  }
0xf: {  	s8 =	smax.u32 s0, $0x1;
	s1 =	simm.s32 $0x1650;
	s0 =	simm.s32 $0x11480  }
.LBB2_1:
0x10: {  	[tilespmem:s3], [sflag:$0x2] =	stream.linear.gather [hbm4b:s4+s3], $0x620, $0x38;
	[tilespmem:$0x1A080] =	vst v63  }
0x11: {  	_ =	swait.ge [sflag:s9], $0x620  }
0x12: {  	[sflag:s9] =	ssyncset.done $0x0  }
0x13: {  	s22 =	simm.s32 $0x620;
	[sflag:s9] =	ssyncadd.s32 $0xFFFFF9E0  }
0x14: {  	[tilespmem:s22], [sflag:$0x2] =	stream.linear.gather [hbm4b:s5+s3], $0x620, $0x38;
	[tilespmem:$0x1A080] =	vst v63  }
0x15: {  	_ =	swait.ge [sflag:s9], $0x620  }
0x16: {  	[sflag:s9] =	ssyncset.done $0x0  }
0x17: {  	s24 =	simm.s32 $0xC40;
	[sflag:s9] =	ssyncadd.s32 $0xFFFFF9E0  }
0x18: {  	[tilespmem:s24], [sflag:$0x2] =	stream.linear.gather [hbm4b:s6+s3], $0x620, $0x38;
	[tilespmem:$0x1A080] =	vst v63  }
0x19: {  	_ =	swait.ge [sflag:s9], $0x620  }
0x1a: {  	[sflag:s9] =	ssyncset.done $0x0  }
0x1b: {  	s22 =	simm.s32 $0x0;
	[sflag:s9] =	ssyncadd.s32 $0xFFFFF9E0  }
0x1c: {  	v0 =	vld [tilespmem:s22+$0x60]  }
0x1d: {  	v1 =	vld [tilespmem:s22+$0x680]  }
0x1e: {  	v2 =	vld [tilespmem:s22+$0x0]  }
0x1f: {  	v3 =	vld [tilespmem:s22+$0xCA0]  }
0x20: {  	v4 =	vld [tilespmem:s22+$0x620]  }
0x21: {  	v5 =	vld [tilespmem:s22+$0x10]  }
0x22: {  	v6 =	vld [tilespmem:s22+$0x630]  }
0x23: {  	v7 =	vld [tilespmem:s22+$0x20];
	v0 =	vshll.u32 v0, $0x9;
	v1 =	vshll.u32 v1, $0x4  }
0x24: {  	v8 =	vld [tilespmem:s22+$0x640];
	v0 =	vand.u32 $0xFFFFFC00, v0;
	v1 =	vand.u32 $0xFFFFFFE0, v1  }
0x25: {  	v9 =	vld [tilespmem:s22+$0x650];
	v0 =	vadd.s32 v0, v1;
	v1 =	vshra.s32 v3, $0x1  }
0x26: {  	v10 =	vld [tilespmem:s22+$0x660];
	v0 =	vadd.s32 v1, v0;
	v1 =	vshll.u32 v2, $0x9  }
0x27: {  	v3 =	vld [tilespmem:s22+$0x30];
	[tilespmem:s22+$0x12C0] =	vst v0;
	v0 =	vand.u32 $0xFFFFFC00, v1;
	v1 =	vshll.u32 v4, $0x4  }
0x28: {  	v2 =	vld [tilespmem:s22+$0x40];
	v4 =	vshll.u32 v5, $0x9;
	v5 =	vshll.u32 v6, $0x4;
	v1 =	vand.u32 $0xFFFFFFE0, v1  }
0x29: {  	v11 =	vadd.s32 v0, v1;
	v0 =	vand.u32 $0xFFFFFC00, v4;
	v1 =	vand.u32 $0xFFFFFFE0, v5;
	v4 =	vld [tilespmem:s22+$0x50]  }
0x2a: {  	v5 =	vshll.u32 v7, $0x9;
	v0 =	vadd.s32 v0, v1;
	v1 =	vshll.u32 v8, $0x4;
	v8 =	vld [tilespmem:s22+$0x670]  }
0x2b: {  	v12 =	vld [tilespmem:s22+$0xC40];
	v10 =	vshll.u32 v10, $0x4;
	v5 =	vand.u32 $0xFFFFFC00, v5;
	v1 =	vand.u32 $0xFFFFFFE0, v1  }
0x2c: {  	v3 =	vshll.u32 v3, $0x9;
	v1 =	vadd.s32 v5, v1;
	v5 =	vshll.u32 v9, $0x4;
	v9 =	vld [tilespmem:s22+$0xC50]  }
0x2d: {  	v6 =	vld [tilespmem:s22+$0xC60];
	v3 =	vand.u32 $0xFFFFFC00, v3;
	v7 =	vshll.u32 v2, $0x9;
	v5 =	vand.u32 $0xFFFFFFE0, v5  }
0x2e: {  	v10 =	vand.u32 $0xFFFFFFE0, v10;
	v2 =	vadd.s32 v3, v5;
	v3 =	vand.u32 $0xFFFFFC00, v7;
	v7 =	vld [tilespmem:s22+$0xC70]  }
0x2f: {  	v4 =	vshll.u32 v4, $0x9;
	v5 =	vld [tilespmem:s22+$0xC80];
	v3 =	vadd.s32 v3, v10;
	v10 =	vshll.u32 v8, $0x4  }
0x30: {  	s23 =	simm.s32 $0x70;
	v12 =	vshra.s32 v12, $0x1;
	v13 =	vand.u32 $0xFFFFFC00, v4;
	v8 =	vld [tilespmem:s22+$0xC90];
	v14 =	vand.u32 $0xFFFFFFE0, v10  }
0x31: {  	s24 =	simm.s32 $0x380;
	v4 =	vld [tilespmem:s23+$0x60];
	v10 =	vadd.s32 v12, v11;
	v11 =	vshra.s32 v9, $0x1;
	v9 =	vadd.s32 v13, v14  }
.LBB2_2:
0x32: {  	p0 =	sne.s32 s24, $0x16C0;
	v12 =	vld [tilespmem:s23+$0x680];
	[tilespmem:s22+$0x1260] =	vst v10;
	v0 =	vadd.s32 v11, v0;
	v6 =	vshra.s32 v6, $0x1  }
0x33: {  	v10 =	vld [tilespmem:s23+$0x0];
	[tilespmem:s22+$0x1270] =	vst v0;
	v0 =	vadd.s32 v6, v1;
	v1 =	vshra.s32 v7, $0x1  }
0x34: {  	v6 =	vld [tilespmem:s23+$0xCA0];
	[tilespmem:s22+$0x1280] =	vst v0;
	v0 =	vadd.s32 v1, v2;
	v1 =	vshra.s32 v5, $0x1  }
0x35: {  	v2 =	vld [tilespmem:s23+$0x620];
	[tilespmem:s22+$0x1290] =	vst v0;
	v0 =	vadd.s32 v1, v3;
	v1 =	vshra.s32 v8, $0x1  }
0x36: {  	v3 =	vld [tilespmem:s23+$0x10];
	[tilespmem:s22+$0x12A0] =	vst v0;
	v0 =	vadd.s32 v1, v9  }
0x37: {  	v4 =	vshll.u32 v4, $0x9;
	v1 =	vld [tilespmem:s23+$0x630];
	v5 =	vshll.u32 v12, $0x4;
	[tilespmem:s22+$0x12B0] =	vst v0;
	s22 =	smov.u32 s23  }
0x38: {  	v4 =	vand.u32 $0xFFFFFC00, v4;
	v0 =	vshll.u32 v10, $0x9;
	v7 =	vld [tilespmem:s22+$0x20];
	v5 =	vand.u32 $0xFFFFFFE0, v5  }
0x39: {  	v0 =	vand.u32 $0xFFFFFC00, v0;
	v8 =	vld [tilespmem:s22+$0x640];
	v4 =	vadd.s32 v4, v5;
	v5 =	vshra.s32 v6, $0x1  }
0x3a: {  	v2 =	vshll.u32 v2, $0x4;
	v6 =	vld [tilespmem:s22+$0x30];
	v4 =	vadd.s32 v5, v4  }
0x3b: {  	v2 =	vand.u32 $0xFFFFFFE0, v2;
	v3 =	vshll.u32 v3, $0x9;
	v5 =	vld [tilespmem:s22+$0x650];
	[tilespmem:s22+$0x12C0] =	vst v4  }
0x3c: {  	v9 =	vadd.s32 v0, v2;
	v0 =	vand.u32 $0xFFFFFC00, v3;
	v1 =	vshll.u32 v1, $0x4;
	v2 =	vld [tilespmem:s22+$0x40]  }
0x3d: {  	v1 =	vand.u32 $0xFFFFFFE0, v1;
	v3 =	vshll.u32 v7, $0x9;
	v4 =	vld [tilespmem:s22+$0x660]  }
0x3e: {  	v0 =	vadd.s32 v0, v1;
	v1 =	vand.u32 $0xFFFFFC00, v3;
	v3 =	vshll.u32 v8, $0x4;
	v8 =	vld [tilespmem:s22+$0x50]  }
0x3f: {  	v3 =	vand.u32 $0xFFFFFFE0, v3;
	v6 =	vshll.u32 v6, $0x9;
	v10 =	vld [tilespmem:s22+$0x670]  }
0x40: {  	v11 =	vld [tilespmem:s22+$0xC40];
	v1 =	vadd.s32 v1, v3;
	v3 =	vand.u32 $0xFFFFFC00, v6;
	v5 =	vshll.u32 v5, $0x4  }
0x41: {  	v12 =	vld [tilespmem:s22+$0xC50];
	v5 =	vand.u32 $0xFFFFFFE0, v5;
	v7 =	vshll.u32 v2, $0x9  }
.Ltmp0:
0x42: {  	v6 =	vld [tilespmem:s22+$0xC60];
	v2 =	vadd.s32 v3, v5;
	v3 =	vand.u32 $0xFFFFFC00, v7;
	v4 =	vshll.u32 v4, $0x4;
	(pc) =	sbr.rel @p0 .LBB2_2-.Ltmp0, $4  }
0x43: {  	v7 =	vld [tilespmem:s22+$0xC70];
	v4 =	vand.u32 $0xFFFFFFE0, v4;
	v8 =	vshll.u32 v8, $0x9  }
0x44: {  	v5 =	vld [tilespmem:s22+$0xC80];
	v3 =	vadd.s32 v3, v4;
	v13 =	vand.u32 $0xFFFFFC00, v8;
	v4 =	vshll.u32 v10, $0x4  }
0x45: {  	s23 =	sshra.s32 s24, $0x2;
	v10 =	vshra.s32 v11, $0x1;
	v8 =	vld [tilespmem:s22+$0xC90];
	v14 =	vand.u32 $0xFFFFFFE0, v4  }
0x46: {  	s24 =	sadd.s32 $0x1C0, s24;
	v4 =	vld [tilespmem:s23+$0x60];
	v10 =	vadd.s32 v10, v9;
	v11 =	vshra.s32 v12, $0x1;
	v9 =	vadd.s32 v13, v14  }
0x47: {  	v12 =	vld [tilespmem:s23+$0x680];
	[tilespmem:s22+$0x1260] =	vst v10;
	v0 =	vadd.s32 v11, v0;
	v6 =	vshra.s32 v6, $0x1  }
0x48: {  	v10 =	vld [tilespmem:s23+$0x0];
	[tilespmem:s22+$0x1270] =	vst v0;
	v25 =	vadd.s32 v6, v1;
	v27 =	vshra.s32 v7, $0x1  }
0x49: {  	v26 =	vld [tilespmem:s23+$0xCA0];
	[tilespmem:s22+$0x1280] =	vst v25;
	v28 =	vadd.s32 v27, v2;
	v5 =	vshra.s32 v5, $0x1  }
0x4a: {  	v29 =	vld [tilespmem:s23+$0x620];
	[tilespmem:s22+$0x1290] =	vst v28;
	v30 =	vadd.s32 v5, v3;
	v32 =	vshra.s32 v8, $0x1  }
0x4b: {  	v31 =	vld [tilespmem:s23+$0x10];
	[tilespmem:s22+$0x12A0] =	vst v30;
	v33 =	vadd.s32 v32, v9  }
0x4c: {  	v34 =	vld [tilespmem:s23+$0x630];
	[tilespmem:s22+$0x12B0] =	vst v33  }
0x4d: {  	v37 =	vld [tilespmem:s23+$0x20]  }
0x4e: {  	v38 =	vld [tilespmem:s23+$0x640]  }
0x4f: {  	v39 =	vld [tilespmem:s23+$0x30]  }
0x50: {  	v40 =	vld [tilespmem:s23+$0x650]  }
0x51: {  	v41 =	vld [tilespmem:s23+$0x40]  }
0x52: {  	v43 =	vld [tilespmem:s23+$0x660]  }
0x53: {  	v44 =	vld [tilespmem:s23+$0x50]  }
0x54: {  	v35 =	vshll.u32 v4, $0x9;
	v36 =	vshll.u32 v12, $0x4;
	v45 =	vld [tilespmem:s23+$0x670]  }
0x55: {  	v0 =	vand.u32 $0xFFFFFC00, v35;
	v4 =	vand.u32 $0xFFFFFFE0, v36;
	v46 =	vld [tilespmem:s23+$0xC40]  }
0x56: {  	v42 =	vshll.u32 v10, $0x9;
	v47 =	vld [tilespmem:s23+$0xC50];
	v0 =	vadd.s32 v0, v4  }
0x57: {  	v49 =	vld [tilespmem:s23+$0xC60];
	v1 =	vshra.s32 v26, $0x1;
	v8 =	vand.u32 $0xFFFFFC00, v42;
	v2 =	vshll.u32 v29, $0x4  }
0x58: {  	v51 =	vld [tilespmem:s23+$0xC70];
	v0 =	vadd.s32 v1, v0;
	v2 =	vand.u32 $0xFFFFFFE0, v2;
	v3 =	vshll.u32 v31, $0x9  }
0x59: {  	v13 =	vld [tilespmem:s23+$0xC80];
	v2 =	vadd.s32 v8, v2;
	v3 =	vand.u32 $0xFFFFFC00, v3;
	v5 =	vshll.u32 v34, $0x4  }
0x5a: {  	v5 =	vand.u32 $0xFFFFFFE0, v5;
	v6 =	vshll.u32 v37, $0x9;
	v7 =	vshll.u32 v38, $0x4  }
0x5b: {  	[tilespmem:s23+$0x12C0] =	vst v0;
	v4 =	vshll.u32 v39, $0x9;
	v1 =	vshll.u32 v40, $0x4;
	v0 =	vshll.u32 v41, $0x9  }
0x5c: {  	v50 =	vshll.u32 v43, $0x4;
	v52 =	vshra.s32 v46, $0x1;
	v10 =	vshll.u32 v44, $0x9  }
0x5d: {  	v54 =	vshra.s32 v47, $0x1;
	v56 =	vshra.s32 v49, $0x1;
	v57 =	vshll.u32 v45, $0x4  }
0x5e: {  	v59 =	vshra.s32 v51, $0x1;
	v60 =	vshra.s32 v13, $0x1;
	v6 =	vand.u32 $0xFFFFFC00, v6  }
0x5f: {  	v53 =	vld [tilespmem:s23+$0xC90];
	v7 =	vand.u32 $0xFFFFFFE0, v7;
	v3 =	vadd.s32 v3, v5;
	v4 =	vand.u32 $0xFFFFFC00, v4  }
0x60: {  	v1 =	vand.u32 $0xFFFFFFE0, v1;
	v0 =	vand.u32 $0xFFFFFC00, v0;
	v2 =	vadd.s32 v52, v2  }
0x61: {  	v10 =	vand.u32 $0xFFFFFC00, v10;
	v48 =	vadd.s32 v6, v7;
	[tilespmem:s23+$0x1260] =	vst v2;
	v55 =	vadd.s32 v54, v3  }
0x62: {  	v7 =	vand.u32 $0xFFFFFFE0, v50;
	v1 =	vadd.s32 v4, v1;
	[tilespmem:s23+$0x1270] =	vst v55;
	v58 =	vadd.s32 v56, v48  }
0x63: {  	v4 =	vand.u32 $0xFFFFFFE0, v57;
	v0 =	vadd.s32 v0, v7;
	v1 =	vadd.s32 v59, v1;
	[tilespmem:s23+$0x1280] =	vst v58  }
0x64: {  	v62 =	vshra.s32 v53, $0x1;
	v61 =	vadd.s32 v10, v4;
	[tilespmem:s23+$0x1290] =	vst v1;
	v0 =	vadd.s32 v60, v0  }
0x65: {  	v63 =	vadd.s32 v62, v61;
	[tilespmem:s23+$0x12A0] =	vst v0  }
0x66: {  	s24 =	simm.s32 $0x1260;
	[tilespmem:s23+$0x12B0] =	vst v63  }
0x67: {  	[tilespmem:s14], [sflag:$0x1] =	stream.indirect.gather [hbm4b:s2+s12], $0x40, s24, s12, $0xb8;
	[tilespmem:$0x1A080] =	vst v63  }
0x68: {  	s23 =	simm.s32 $0x12D0;
	s24 =	simm.s32 $0x3480  }
0x69: {  	[tilespmem:s24], [sflag:$0x1] =	stream.indirect.gather [hbm4b:s2+s12], $0x40, s23, s12, $0xb8;
	[tilespmem:$0x1A080] =	vst v63  }
0x6a: {  	s23 =	simm.s32 $0x1340;
	s24 =	simm.s32 $0x5080  }
0x6b: {  	[tilespmem:s24], [sflag:$0x1] =	stream.indirect.gather [hbm4b:s2+s12], $0x40, s23, s12, $0xb8;
	[tilespmem:$0x1A080] =	vst v63  }
0x6c: {  	s23 =	simm.s32 $0x13B0;
	s24 =	simm.s32 $0x6C80  }
0x6d: {  	[tilespmem:s24], [sflag:$0x1] =	stream.indirect.gather [hbm4b:s2+s12], $0x40, s23, s12, $0xb8;
	[tilespmem:$0x1A080] =	vst v63  }
0x6e: {  	s23 =	simm.s32 $0x1420;
	s24 =	simm.s32 $0x8880  }
0x6f: {  	[tilespmem:s24], [sflag:$0x1] =	stream.indirect.gather [hbm4b:s2+s12], $0x40, s23, s12, $0xb8;
	[tilespmem:$0x1A080] =	vst v63  }
0x70: {  	s23 =	simm.s32 $0x1490;
	s24 =	simm.s32 $0xA480  }
0x71: {  	[tilespmem:s24], [sflag:$0x1] =	stream.indirect.gather [hbm4b:s2+s12], $0x40, s23, s12, $0xb8;
	[tilespmem:$0x1A080] =	vst v63  }
0x72: {  	_ = 	snop  }
0x73: {  	[tilespmem:s26], [sflag:$0x1] =	stream.indirect.gather [hbm4b:s2+s12], $0x40, s25, s12, $0xb8;
	[tilespmem:$0x1A080] =	vst v63  }
0x74: {  	_ = 	snop  }
0x75: {  	[tilespmem:s29], [sflag:$0x1] =	stream.indirect.gather [hbm4b:s2+s12], $0x40, s28, s12, $0xb8;
	[tilespmem:$0x1A080] =	vst v63  }
0x76: {  	_ = 	snop  }
0x77: {  	[tilespmem:s31], [sflag:$0x1] =	stream.indirect.gather [hbm4b:s2+s12], $0x40, s30, s12, $0xb8;
	[tilespmem:$0x1A080] =	vst v63  }
0x78: {  	_ = 	snop  }
0x79: {  	[tilespmem:s0], [sflag:$0x1] =	stream.indirect.gather [hbm4b:s2+s12], $0x40, s1, s12, $0xb8;
	[tilespmem:$0x1A080] =	vst v63  }
0x7a: {  	_ = 	snop  }
0x7b: {  	[tilespmem:s11], [sflag:$0x1] =	stream.indirect.gather [hbm4b:s2+s12], $0x40, s10, s12, $0xb8;
	[tilespmem:$0x1A080] =	vst v63  }
0x7c: {  	_ = 	snop  }
0x7d: {  	[tilespmem:s15], [sflag:$0x1] =	stream.indirect.gather [hbm4b:s2+s12], $0x40, s13, s12, $0xb8;
	[tilespmem:$0x1A080] =	vst v63  }
0x7e: {  	_ = 	snop  }
0x7f: {  	[tilespmem:s17], [sflag:$0x1] =	stream.indirect.gather [hbm4b:s2+s12], $0x40, s16, s12, $0xb8;
	[tilespmem:$0x1A080] =	vst v63  }
0x80: {  	_ = 	snop  }
0x81: {  	[tilespmem:s19], [sflag:$0x1] =	stream.indirect.gather [hbm4b:s2+s12], $0x40, s18, s12, $0xb8;
	[tilespmem:$0x1A080] =	vst v63  }
0x82: {  	_ =	swait.ge [sflag:s20], $0x1C00  }
0x83: {  	[sflag:s20] =	ssyncset.done $0x0  }
0x84: {  	[sflag:s20] =	ssyncadd.s32 $0xFFFFE400  }
0x85: {  	_ =	swait.ge [sflag:s20], $0x1C00  }
0x86: {  	[sflag:s20] =	ssyncset.done $0x0  }
0x87: {  	[sflag:s20] =	ssyncadd.s32 $0xFFFFE400  }
0x88: {  	_ =	swait.ge [sflag:s20], $0x1C00  }
0x89: {  	[sflag:s20] =	ssyncset.done $0x0  }
0x8a: {  	[sflag:s20] =	ssyncadd.s32 $0xFFFFE400  }
0x8b: {  	_ =	swait.ge [sflag:s20], $0x1C00  }
0x8c: {  	[sflag:s20] =	ssyncset.done $0x0  }
0x8d: {  	[sflag:s20] =	ssyncadd.s32 $0xFFFFE400  }
0x8e: {  	_ =	swait.ge [sflag:s20], $0x1C00  }
0x8f: {  	[sflag:s20] =	ssyncset.done $0x0  }
0x90: {  	[sflag:s20] =	ssyncadd.s32 $0xFFFFE400  }
0x91: {  	_ =	swait.ge [sflag:s20], $0x1C00  }
0x92: {  	[sflag:s20] =	ssyncset.done $0x0  }
0x93: {  	[sflag:s20] =	ssyncadd.s32 $0xFFFFE400  }
0x94: {  	_ =	swait.ge [sflag:s20], $0x1C00  }
0x95: {  	[sflag:s20] =	ssyncset.done $0x0  }
0x96: {  	[sflag:s20] =	ssyncadd.s32 $0xFFFFE400  }
0x97: {  	_ =	swait.ge [sflag:s20], $0x1C00  }
0x98: {  	[sflag:s20] =	ssyncset.done $0x0  }
0x99: {  	[sflag:s20] =	ssyncadd.s32 $0xFFFFE400  }
0x9a: {  	_ =	swait.ge [sflag:s20], $0x1C00  }
0x9b: {  	[sflag:s20] =	ssyncset.done $0x0  }
0x9c: {  	[sflag:s20] =	ssyncadd.s32 $0xFFFFE400  }
0x9d: {  	_ =	swait.ge [sflag:s20], $0x1C00  }
0x9e: {  	[sflag:s20] =	ssyncset.done $0x0  }
0x9f: {  	[sflag:s20] =	ssyncadd.s32 $0xFFFFE400  }
0xa0: {  	_ =	swait.ge [sflag:s20], $0x1C00  }
0xa1: {  	[sflag:s20] =	ssyncset.done $0x0  }
0xa2: {  	[sflag:s20] =	ssyncadd.s32 $0xFFFFE400  }
0xa3: {  	_ =	swait.ge [sflag:s20], $0x1C00  }
0xa4: {  	[sflag:s20] =	ssyncset.done $0x0  }
0xa5: {  	[sflag:s20] =	ssyncadd.s32 $0xFFFFE400  }
0xa6: {  	_ =	swait.ge [sflag:s20], $0x1C00  }
0xa7: {  	[sflag:s20] =	ssyncset.done $0x0  }
0xa8: {  	[sflag:s20] =	ssyncadd.s32 $0xFFFFE400  }
0xa9: {  	s21 =	sadd.s32 $0x1, s21;
	_ =	swait.ge [sflag:s20], $0x1C00  }
0xaa: {  	p0 =	sne.s32 s21, s8;
	[sflag:s20] =	ssyncset.done $0x0  }
.Ltmp1:
0xab: {  	[sflag:s20] =	ssyncadd.s32 $0xFFFFE400;
	(pc) =	sbr.rel @p0 .LBB2_1-.Ltmp1, $4  }
0xac: {  	[hbm4b:s7+s3] =	stream.linear.scatter [tilespmem:s14], [sflag:$0x2], $0x18800, $0x38;
	[tilespmem:$0x1A080] =	vst v63  }
0xad: {  	_ =	swait.ge [sflag:s9], $0x18800  }
0xae: {  	[sflag:s9] =	ssyncset.done $0x0  }
0xaf: {  	[sflag:s9] =	ssyncadd.s32 $0xFFFE7800  }
0xb0: {  	_ =	sfence.sel $0x180000  }
0xb1: {  	[bflag:$0x0] =	sbarrier.arrive $0xFFFF  }
0xb2: {  	_ =	strace $0x9000004A  }
0xb3: {  	s0 =	stileid.u32;
	[bflag:$0x2] =	sbarrier.arrive $0xFFFF  }
0xb4: {  	p0 =	sne.s32 s0, $0x0;
	s0 =	rddreg [dreg:$0x2]  }
0xb5: {  	s0 =	sadd.s32 @!p0 $0x100000, s0  }
0xb6: {  	[sflag:s0] =	ssyncadd.tile.s32 @!p0 $0x1;
	_ =	shalt  }
.Lfunc_end2:
_tile_overlayer_lowered:
.L_overlay_start_2:
0xb7: {  	(tag) =	ssettag $0x2  }
0xb8: {  	s0 =	rddreg [dreg:$0x0];
	s2 =	stileid.u32  }
0xb9: {  	s1 =	rddreg [dreg:$0x1];
	p0 =	sne.s32 s2, $0x0  }
0xba: {  	s3 =	rddreg [dreg:$0x2];
	[bflag:$0x3] =	sbarrier.arrive $0xFFFF;
	s2 =	simm.s32 @!p0 $0x1C02  }
0xbb: {  	[timem:s3], [sflag:s2] =	dma.local @!p0 [hbm:s0], s1  }
0xbc: {  	s0 =	simm.s32 @!p0 $0x2  }
0xbd: {  	_ =	swait.ge @!p0 [sflag:s0], s1  }
0xbe: {  	s1 =	ssub.s32 @!p0 $0x0, s1;
	[sflag:s0] =	ssyncset.done @!p0 $0x0  }
0xbf: {  	[sflag:s0] =	ssyncadd.s32 @!p0 s1  }
0xc0: {  	[bflag:$0x3] =	sbarrier.arrive $0xFFFF  }
0xc1: {  	_ =	shalt  }

</sc_bundles>
